<compile_context>
chip_gen: v7x
topology: tpu7x:2x2x1
jax: 0.10.2.dev20260603
libtpu: 0.0.44.dev20260713+nightly
codegen_flags: <defaults>
</compile_context>

<pallas_src>
import functools

import jax
import jax.numpy as jnp
import numpy as np
from jax import lax
from jax.experimental import pallas as pl
from jax.experimental.pallas import tpu as pltpu
from jax.experimental.pallas import tpu_sc as plsc

KE = 14.399645
NC = 2
NS = 16
NW = NC * NS
L = 16
C = 512
JB = 128
NJ = C // JB


def _sc_body(nchunks, Bpad, NPA, refs):
    (nx_h, ny_h, nz_h, nzf_h, nzq_h, nrc_h, nbt_h,
     src_h, dst_h, sx_h, sy_h, sz_h, par_h, zer_h, zbr_h,
     fout, ebout, sbout,
     accx, accy, accz, ebsh, ssh0, ssh1, ssh2, ssh3, ssh4, ssh5, ssh6,
     ssh7, ssh8,
     sidx, didx, bsix, bdix, shxv, shyv, shzv,
     sxv, syv, szv, szfv, szqv, srcvv,
     dxv, dyv, dzv, dzfv, dzqv, drcvv,
     gsx, gsy, gsz, gdx, gdy, gdz,
     engst, st0, st1, st2, st3, st4, st5, st6, st7, st8,
     parv, sem) = refs
    cid = lax.axis_index("c")
    sid = lax.axis_index("s")
    wid = sid * NC + cid

    pltpu.sync_copy(par_h, parv)

    def splat(k):
        return parv[pl.ds(k * L, L)]

    A0, A1, A2, A3 = splat(0), splat(1), splat(2), splat(3)
    B0, B1, B2, B3 = splat(4), splat(5), splat(6), splat(7)
    a0v, cutv = splat(8), splat(9)
    AB0, AB1, AB2, AB3 = A0 * B0, A1 * B1, A2 * B2, A3 * B3
    inva0 = 1.0 / a0v

    @pl.when(sid == 0)
    def _():
        pltpu.sync_copy(zer_h, accx)
        pltpu.sync_copy(zer_h, accy)
        pltpu.sync_copy(zer_h, accz)
        pltpu.sync_copy(zbr_h, ebsh)
        for ssh in (ssh0, ssh1, ssh2, ssh3, ssh4, ssh5, ssh6, ssh7, ssh8):
            pltpu.sync_copy(zbr_h, ssh)

    plsc.subcore_barrier()

    @pl.loop(0, nchunks)
    def _(g):
        eb = (wid * nchunks + g) * C
        rb = (wid * nchunks + g) * NJ
        pltpu.sync_copy(src_h.at[pl.ds(rb, NJ)], sidx)
        pltpu.sync_copy(dst_h.at[pl.ds(rb, NJ)], didx)
        pltpu.sync_copy(sx_h.at[pl.ds(eb, C)], shxv)
        pltpu.sync_copy(sy_h.at[pl.ds(eb, C)], shyv)
        pltpu.sync_copy(sz_h.at[pl.ds(eb, C)], shzv)

        @pl.loop(0, NJ)
        def _(j):
            osl = pl.ds(j * JB, JB)
            isl = sidx.at[j]
            idl = didx.at[j]
            descs = [
                pltpu.async_copy(nx_h.at[isl], sxv.at[osl], sem),
                pltpu.async_copy(ny_h.at[isl], syv.at[osl], sem),
                pltpu.async_copy(nz_h.at[isl], szv.at[osl], sem),
                pltpu.async_copy(nzf_h.at[isl], szfv.at[osl], sem),
                pltpu.async_copy(nzq_h.at[isl], szqv.at[osl], sem),
                pltpu.async_copy(nrc_h.at[isl], srcvv.at[osl], sem),
                pltpu.async_copy(nbt_h.at[isl], bsix.at[j], sem),
                pltpu.async_copy(nx_h.at[idl], dxv.at[osl], sem),
                pltpu.async_copy(ny_h.at[idl], dyv.at[osl], sem),
                pltpu.async_copy(nz_h.at[idl], dzv.at[osl], sem),
                pltpu.async_copy(nzf_h.at[idl], dzfv.at[osl], sem),
                pltpu.async_copy(nzq_h.at[idl], dzqv.at[osl], sem),
                pltpu.async_copy(nrc_h.at[idl], drcvv.at[osl], sem),
                pltpu.async_copy(nbt_h.at[idl], bdix.at[j], sem),
            ]
            for dsc in descs:
                dsc.wait()

        @pl.loop(0, C // L)
        def _(v):
            sl16 = pl.ds(v * L, L)
            sxp = sxv[sl16]
            syp = syv[sl16]
            szp = szv[sl16]
            szf = szfv[sl16]
            szq = szqv[sl16]
            srcv = srcvv[sl16]
            dxp = dxv[sl16]
            dyp = dyv[sl16]
            dzp = dzv[sl16]
            dzf = dzfv[sl16]
            dzq = dzqv[sl16]
            drcv = drcvv[sl16]
            shx = shxv[sl16]
            shy = shyv[sl16]
            shz = shzv[sl16]

            vx = dxp - sxp + shx
            vy = dyp - syp + shy
            vz = dzp - szp + shz
            r2 = vx * vx + vy * vy + vz * vz
            ib = lax.bitcast_convert_type(r2, jnp.int32)
            y = lax.bitcast_convert_type(
                jnp.full((L,), 0x5F3759DF, jnp.int32) - (ib >> 1), jnp.float32)
            y = y * (1.5 - 0.5 * r2 * y * y)
            y = y * (1.5 - 0.5 * r2 * y * y)
            y = y * (1.5 - 0.5 * r2 * y * y)
            inv_r = y
            r = r2 * inv_r

            Z = szf * dzf
            sumzp = szq + dzq
            x = r * sumzp * inva0
            rbond = srcv + drcv
            rc = jnp.minimum(cutv, rbond)
            invrc = 1.0 / rc
            u = jnp.minimum(r * invrc, 1.0)
            u2 = u * u
            u4 = u2 * u2
            u5 = u4 * u
            u6 = u5 * u
            u7 = u6 * u
            env = 1.0 - 28.0 * u6 + 48.0 * u7 - 21.0 * u6 * u2
            denv = (-168.0 * u5 + 336.0 * u6 - 168.0 * u7) * invrc

            e0 = jnp.exp(B0 * x)
            e1 = jnp.exp(B1 * x)
            e2 = jnp.exp(B2 * x)
            e3 = jnp.exp(B3 * x)
            phi = A0 * e0 + A1 * e1 + A2 * e2 + A3 * e3
            dphi = AB0 * e0 + AB1 * e1 + AB2 * e2 + AB3 * e3

            kez = KE * Z
            eng = kez * inv_r * phi * env
            term = dphi * env * sumzp * inva0 + phi * denv - phi * env * inv_r
            s = 0.5 * kez * inv_r * inv_r * term
            gx = vx * s
            gy = vy * s
            gz = vz * s

            gsx[sl16] = gx
            gsy[sl16] = gy
            gsz[sl16] = gz
            gdx[sl16] = -gx
            gdy[sl16] = -gy
            gdz[sl16] = -gz

            engst[sl16] = eng
            st0[sl16] = vx * gx
            st1[sl16] = vx * gy
            st2[sl16] = vx * gz
            st3[sl16] = vy * gx
            st4[sl16] = vy * gy
            st5[sl16] = vy * gz
            st6[sl16] = vz * gx
            st7[sl16] = vz * gy
            st8[sl16] = vz * gz

        @pl.loop(0, NJ)
        def _(j):
            sl = pl.ds(j * JB, JB)
            isl = sidx.at[j]
            idl = didx.at[j]
            pltpu.sync_copy(gsx.at[sl], accx.at[isl], add=True)
            pltpu.sync_copy(gsy.at[sl], accy.at[isl], add=True)
            pltpu.sync_copy(gsz.at[sl], accz.at[isl], add=True)
            pltpu.sync_copy(gdx.at[sl], accx.at[idl], add=True)
            pltpu.sync_copy(gdy.at[sl], accy.at[idl], add=True)
            pltpu.sync_copy(gdz.at[sl], accz.at[idl], add=True)
            pltpu.sync_copy(engst.at[sl], ebsh.at[bdix.at[j]], add=True)
            bsl = bsix.at[j]
            pltpu.sync_copy(st0.at[sl], ssh0.at[bsl], add=True)
            pltpu.sync_copy(st1.at[sl], ssh1.at[bsl], add=True)
            pltpu.sync_copy(st2.at[sl], ssh2.at[bsl], add=True)
            pltpu.sync_copy(st3.at[sl], ssh3.at[bsl], add=True)
            pltpu.sync_copy(st4.at[sl], ssh4.at[bsl], add=True)
            pltpu.sync_copy(st5.at[sl], ssh5.at[bsl], add=True)
            pltpu.sync_copy(st6.at[sl], ssh6.at[bsl], add=True)
            pltpu.sync_copy(st7.at[sl], ssh7.at[bsl], add=True)
            pltpu.sync_copy(st8.at[sl], ssh8.at[bsl], add=True)

    plsc.subcore_barrier()

    @pl.when(sid == 0)
    def _():
        pltpu.sync_copy(accx, fout.at[cid * 3 + 0])
        pltpu.sync_copy(accy, fout.at[cid * 3 + 1])
        pltpu.sync_copy(accz, fout.at[cid * 3 + 2])
        pltpu.sync_copy(ebsh, ebout.at[cid])
        pltpu.sync_copy(ssh0, sbout.at[cid * 9 + 0])
        pltpu.sync_copy(ssh1, sbout.at[cid * 9 + 1])
        pltpu.sync_copy(ssh2, sbout.at[cid * 9 + 2])
        pltpu.sync_copy(ssh3, sbout.at[cid * 9 + 3])
        pltpu.sync_copy(ssh4, sbout.at[cid * 9 + 4])
        pltpu.sync_copy(ssh5, sbout.at[cid * 9 + 5])
        pltpu.sync_copy(ssh6, sbout.at[cid * 9 + 6])
        pltpu.sync_copy(ssh7, sbout.at[cid * 9 + 7])
        pltpu.sync_copy(ssh8, sbout.at[cid * 9 + 8])


def _body(nchunks, Bpad, NPA, *refs):
    return _sc_body(nchunks, Bpad, NPA, refs)


def kernel(positions, numbers, edge_index, edge_shift, batch, cell, cutoff,
           covalent_radii, a, b, a0, p):
    N = positions.shape[0]
    E = edge_index.shape[1]
    B = cell.shape[0]
    NP = N + 8
    NPA = ((NP + 7) // 8) * 8
    Bpad = ((B + 15) // 16) * 16
    per_w = C * ((E + NW * C - 1) // (NW * C))
    Ep = NW * per_w
    nchunks = per_w // C

    f32 = jnp.float32
    npad = NPA - N
    zf = numbers.astype(f32)
    padpos = np.zeros((npad, 3), np.float32)
    padpos[1, 0] = 100.0
    nx = jnp.concatenate([positions[:, 0], jnp.asarray(padpos[:, 0])])
    ny = jnp.concatenate([positions[:, 1], jnp.asarray(padpos[:, 1])])
    nz = jnp.concatenate([positions[:, 2], jnp.asarray(padpos[:, 2])])
    nzf = jnp.concatenate([zf, jnp.ones((npad,), f32)])
    nzq = jnp.concatenate([jnp.power(zf, p), jnp.ones((npad,), f32)])
    nrc = jnp.concatenate([covalent_radii[numbers],
                           jnp.full((npad,), 0.3, f32)])
    nbt = jnp.concatenate([batch, jnp.zeros((npad,), jnp.int32)])

    src = jnp.concatenate([edge_index[0], jnp.full((Ep - E,), N, jnp.int32)])
    dst = jnp.concatenate([edge_index[1], jnp.full((Ep - E,), N + 1, jnp.int32)])
    shp = jnp.concatenate([edge_shift, jnp.zeros((Ep - E, 3), f32)], axis=0)
    src2 = src.reshape(Ep // JB, JB)
    dst2 = dst.reshape(Ep // JB, JB)
    sx = shp[:, 0]
    sy = shp[:, 1]
    sz = shp[:, 2]
    params = jnp.repeat(
        jnp.concatenate([a, b, jnp.reshape(a0, (1,)),
                         jnp.reshape(cutoff, (1,))]), L)
    zer = jnp.zeros((NPA,), f32)
    zbr = jnp.zeros((Bpad,), f32)

    mesh = plsc.VectorSubcoreMesh(core_axis_name="c", subcore_axis_name="s",
                                  num_cores=NC, num_subcores=NS)
    cvec = [pltpu.VMEM((C,), f32) for _ in range(27)]
    run = pl.kernel(
        functools.partial(_body, nchunks, Bpad, NPA),
        out_type=[
            jax.ShapeDtypeStruct((NC * 3, NPA), f32),
            jax.ShapeDtypeStruct((NC, Bpad), f32),
            jax.ShapeDtypeStruct((NC * 9, Bpad), f32),
        ],
        mesh=mesh,
        scratch_types=(
            [pltpu.VMEM_SHARED((NPA,), f32)] * 3
            + [pltpu.VMEM_SHARED((Bpad,), f32)] * 10
            + [pltpu.VMEM((NJ, JB), jnp.int32)] * 4
            + cvec[:3]
            + cvec[3:9]
            + cvec[9:15]
            + cvec[15:21]
            + cvec[21:22]
            + cvec[22:27] + [pltpu.VMEM((C,), f32)] * 4
            + [pltpu.VMEM((10 * L,), f32), pltpu.SemaphoreType.DMA]
        ),
    )
    f_part, e_part, s_part = run(nx, ny, nz, nzf, nzq, nrc, nbt,
                                 src2, dst2, sx, sy, sz, params, zer, zbr)

    forces = (f_part[0:3] + f_part[3:6])[:, :N].T
    energies = 0.5 * (e_part[0] + e_part[1])[:B]
    sraw = (s_part[0:9] + s_part[9:18])[:, :B]
    volume = jnp.linalg.det(cell)
    stress = 0.5 * sraw.T.reshape(B, 3, 3) / volume[:, None, None]
    return (energies, forces, stress)

# --- scband reference (transcript-rebuilt; emitter-appended) ---
"""Pipeline reference for scband-zbl-75282186764710 (READ-ONLY COPY).

The authoritative reference and input builder live on the scoring server;
editing this copy changes nothing except your own understanding.
"""

import jax, jax.numpy as jnp
import numpy as np

KE = 14.399645  # e^2/(4*pi*eps0) in eV*Angstrom, stands in for _e*m/(4*pi*_eps0)
N = 100000
E = 3200000
B = 32
ZMAX = 90


def _phi(a, b, x):
    return jnp.einsum('i,ij->j', a, jnp.exp(jnp.outer(b, x)))


def _envelope(r, rc, p=6):
    x = r / rc
    y = (1.0 - (p + 1.0) * (p + 2.0) / 2.0 * jnp.power(x, p)
         + p * (p + 2.0) * jnp.power(x, p + 1)
         - p * (p + 1.0) / 2.0 * jnp.power(x, p + 2)) * (x < 1)
    return y


def setup_inputs(seed: int = 0):
    key = jax.random.key(seed)
    ks = jax.random.split(key, 8)
    positions = jax.random.normal(ks[0], (N, 3), jnp.float32) * 5.0
    numbers = jax.random.randint(ks[1], (N,), 1, ZMAX, dtype=jnp.int32)
    edge_index = jax.random.randint(ks[2], (2, E), 0, N, dtype=jnp.int32)
    edge_shift = jax.random.normal(ks[3], (E, 3), jnp.float32) * 0.1
    batch = jnp.sort(jax.random.randint(ks[4], (N,), 0, B, dtype=jnp.int32))
    cell = jnp.eye(3, dtype=jnp.float32)[None, :, :] * 20.0 + jax.random.normal(ks[5], (B, 3, 3), jnp.float32) * 0.01
    cutoff = jnp.ones((1,), jnp.float32) * 4.0
    covalent_radii = jnp.asarray(np.linspace(0.3, 2.4, 100), jnp.float32)
    a = jnp.array([0.18175, 0.50986, 0.28022, 0.02817], jnp.float32)
    b = jnp.array([-3.1998, -0.94229, -0.4029, -0.20162], jnp.float32)
    a0 = jnp.float32(0.4685)
    p = jnp.float32(0.23)
    return {'positions': positions, 'numbers': numbers, 'edge_index': edge_index,
            'edge_shift': edge_shift, 'batch': batch, 'cell': cell, 'cutoff': cutoff,
            'covalent_radii': covalent_radii, 'a': a, 'b': b, 'a0': a0, 'p': p}


def reference(positions, numbers, edge_index, edge_shift, batch, cell, cutoff, covalent_radii, a, b, a0, p):
    src = edge_index[0]
    dst = edge_index[1]
    n_nodes = positions.shape[0]
    n_graphs = cell.shape[0]
    zi = numbers[src].astype(positions.dtype)
    zj = numbers[dst].astype(positions.dtype)
    rbond = covalent_radii[numbers[src]] + covalent_radii[numbers[dst]]
    aij = a0 / (jnp.power(zi, p) + jnp.power(zj, p))
    rc = jnp.minimum(cutoff, rbond)

    def energy_from_vij(vij):
        rij = jnp.linalg.norm(vij, axis=-1)
        eij = KE * (zi * zj) / rij
        phi = _phi(a, b, rij / aij)
        env = _envelope(rij, rc)
        energy_pairs = eij * phi * env
        energy_nodes = 0.5 * jax.ops.segment_sum(energy_pairs, dst, num_segments=n_nodes)
        energies = jax.ops.segment_sum(energy_nodes, batch, num_segments=n_graphs)
        return energies

    vij = positions[dst] - positions[src] + edge_shift
    energies = energy_from_vij(vij)
    # grads w.r.t. vij (egradij) and positions (egradi), matching torch.autograd.grad semantics
    egradij = jax.grad(lambda v: jnp.sum(energy_from_vij(v)))(vij)
    egradi = jnp.zeros_like(positions).at[dst].add(egradij).at[src].add(-egradij)
    forces = -egradi
    volume = jnp.linalg.det(cell)
    rfaxy = jnp.einsum('ax,ay->axy', vij, -egradij)
    edge_batch = batch[src]
    stress = -0.5 * jax.ops.segment_sum(rfaxy, edge_batch, num_segments=n_graphs) / volume[:, None, None]
    return (energies, forces, stress)

if __name__ == "__main__":
    import jax
    _d = setup_inputs()
    print(jax.jit(kernel)(*tuple(_d.values())))

</pallas_src>

<mosaic_0001>
#map = affine_map<(d0, d1) -> (0)>
#map1 = affine_map<(d0, d1) -> (0, 0)>
module attributes {stable_mosaic.version = 14 : i64} {
  func.func @_body(%arg0: i32, %arg1: i32, %arg2: memref<100008xf32, #tpu.memory_space<hbm>>, %arg3: memref<100008xf32, #tpu.memory_space<hbm>>, %arg4: memref<100008xf32, #tpu.memory_space<hbm>>, %arg5: memref<100008xf32, #tpu.memory_space<hbm>>, %arg6: memref<100008xf32, #tpu.memory_space<hbm>>, %arg7: memref<100008xf32, #tpu.memory_space<hbm>>, %arg8: memref<100008xi32, #tpu.memory_space<hbm>>, %arg9: memref<25088x128xi32, #tpu.memory_space<hbm>>, %arg10: memref<25088x128xi32, #tpu.memory_space<hbm>>, %arg11: memref<3211264xf32, #tpu.memory_space<hbm>>, %arg12: memref<3211264xf32, #tpu.memory_space<hbm>>, %arg13: memref<3211264xf32, #tpu.memory_space<hbm>>, %arg14: memref<160xf32, #tpu.memory_space<hbm>>, %arg15: memref<100008xf32, #tpu.memory_space<hbm>>, %arg16: memref<32xf32, #tpu.memory_space<hbm>>, %arg17: memref<6x100008xf32, #tpu.memory_space<hbm>>, %arg18: memref<2x32xf32, #tpu.memory_space<hbm>>, %arg19: memref<18x32xf32, #tpu.memory_space<hbm>>, %arg20: memref<100008xf32, #tpu.memory_space<vmem_shared>>, %arg21: memref<100008xf32, #tpu.memory_space<vmem_shared>>, %arg22: memref<100008xf32, #tpu.memory_space<vmem_shared>>, %arg23: memref<32xf32, #tpu.memory_space<vmem_shared>>, %arg24: memref<32xf32, #tpu.memory_space<vmem_shared>>, %arg25: memref<32xf32, #tpu.memory_space<vmem_shared>>, %arg26: memref<32xf32, #tpu.memory_space<vmem_shared>>, %arg27: memref<32xf32, #tpu.memory_space<vmem_shared>>, %arg28: memref<32xf32, #tpu.memory_space<vmem_shared>>, %arg29: memref<32xf32, #tpu.memory_space<vmem_shared>>, %arg30: memref<32xf32, #tpu.memory_space<vmem_shared>>, %arg31: memref<32xf32, #tpu.memory_space<vmem_shared>>, %arg32: memref<32xf32, #tpu.memory_space<vmem_shared>>, %arg33: memref<4x128xi32, #tpu.memory_space<vmem>>, %arg34: memref<4x128xi32, #tpu.memory_space<vmem>>, %arg35: memref<4x128xi32, #tpu.memory_space<vmem>>, %arg36: memref<4x128xi32, #tpu.memory_space<vmem>>, %arg37: memref<512xf32, #tpu.memory_space<vmem>>, %arg38: memref<512xf32, #tpu.memory_space<vmem>>, %arg39: memref<512xf32, #tpu.memory_space<vmem>>, %arg40: memref<512xf32, #tpu.memory_space<vmem>>, %arg41: memref<512xf32, #tpu.memory_space<vmem>>, %arg42: memref<512xf32, #tpu.memory_space<vmem>>, %arg43: memref<512xf32, #tpu.memory_space<vmem>>, %arg44: memref<512xf32, #tpu.memory_space<vmem>>, %arg45: memref<512xf32, #tpu.memory_space<vmem>>, %arg46: memref<512xf32, #tpu.memory_space<vmem>>, %arg47: memref<512xf32, #tpu.memory_space<vmem>>, %arg48: memref<512xf32, #tpu.memory_space<vmem>>, %arg49: memref<512xf32, #tpu.memory_space<vmem>>, %arg50: memref<512xf32, #tpu.memory_space<vmem>>, %arg51: memref<512xf32, #tpu.memory_space<vmem>>, %arg52: memref<512xf32, #tpu.memory_space<vmem>>, %arg53: memref<512xf32, #tpu.memory_space<vmem>>, %arg54: memref<512xf32, #tpu.memory_space<vmem>>, %arg55: memref<512xf32, #tpu.memory_space<vmem>>, %arg56: memref<512xf32, #tpu.memory_space<vmem>>, %arg57: memref<512xf32, #tpu.memory_space<vmem>>, %arg58: memref<512xf32, #tpu.memory_space<vmem>>, %arg59: memref<512xf32, #tpu.memory_space<vmem>>, %arg60: memref<512xf32, #tpu.memory_space<vmem>>, %arg61: memref<512xf32, #tpu.memory_space<vmem>>, %arg62: memref<512xf32, #tpu.memory_space<vmem>>, %arg63: memref<512xf32, #tpu.memory_space<vmem>>, %arg64: memref<512xf32, #tpu.memory_space<vmem>>, %arg65: memref<512xf32, #tpu.memory_space<vmem>>, %arg66: memref<512xf32, #tpu.memory_space<vmem>>, %arg67: memref<512xf32, #tpu.memory_space<vmem>>, %arg68: memref<160xf32, #tpu.memory_space<vmem>>, %arg69: memref<!tpu.dma_semaphore, #tpu.memory_space<semaphore_mem>>) attributes {dimension_semantics = [#tpu.dimension_semantics<core_parallel>, #tpu.dimension_semantics<subcore_parallel>], iteration_bounds = array<i64: 2, 16>, scalar_prefetch = 0 : i64, scratch_operands = 50 : i64, tpu.core_type = #tpu.core_type<sc_vector_subcore>, window_params = [{transform_indices = #map}, {transform_indices = #map}, {transform_indices = #map}, {transform_indices = #map}, {transform_indices = #map}, {transform_indices = #map}, {transform_indices = #map}, {transform_indices = #map1}, {transform_indices = #map1}, {transform_indices = #map}, {transform_indices = #map}, {transform_indices = #map}, {transform_indices = #map}, {transform_indices = #map}, {transform_indices = #map}, {transform_indices = #map1}, {transform_indices = #map1}, {transform_indices = #map1}]} {
    %mul3A = arith.constant 2 : i32
    %mul3A_0 = arith.muli %arg1, %mul3A : i32
    %add3A = arith.addi %mul3A_0, %arg0 : i32
    "tpu.region"() ({
      %run_scoped3A = tpu.sem_alloc : memref<!tpu.dma_semaphore, #tpu.memory_space<semaphore_mem>>
      tpu.enqueue_dma source(%arg14 : memref<160xf32, #tpu.memory_space<hbm>>) target(%arg68 : memref<160xf32, #tpu.memory_space<vmem>>) target_semaphore(%run_scoped3A : memref<!tpu.dma_semaphore, #tpu.memory_space<semaphore_mem>>)
      tpu.wait_dma2 semaphore(%run_scoped3A : memref<!tpu.dma_semaphore, #tpu.memory_space<semaphore_mem>>) src(%arg14 : memref<160xf32, #tpu.memory_space<hbm>>) dst(%arg68 : memref<160xf32, #tpu.memory_space<vmem>>)
      tpu.yield
    }) : () -> ()
    %get3A = arith.constant 0 : index
    %get3A_1 = tpu.vector_load %arg68[%get3A] {strides = array<i32>} : memref<160xf32, #tpu.memory_space<vmem>>, vector<16xf32>,
    %get3A_2 = vector.shape_cast %get3A_1 : vector<16xf32> to vector<16xf32>
    %get3A_3 = arith.constant 16 : index
    %get3A_4 = tpu.vector_load %arg68[%get3A_3] {strides = array<i32>} : memref<160xf32, #tpu.memory_space<vmem>>, vector<16xf32>,
    %get3A_5 = vector.shape_cast %get3A_4 : vector<16xf32> to vector<16xf32>
    %get3A_6 = arith.constant 32 : index
    %get3A_7 = tpu.vector_load %arg68[%get3A_6] {strides = array<i32>} : memref<160xf32, #tpu.memory_space<vmem>>, vector<16xf32>,
    %get3A_8 = vector.shape_cast %get3A_7 : vector<16xf32> to vector<16xf32>
    %get3A_9 = arith.constant 48 : index
    %get3A_10 = tpu.vector_load %arg68[%get3A_9] {strides = array<i32>} : memref<160xf32, #tpu.memory_space<vmem>>, vector<16xf32>,
    %get3A_11 = vector.shape_cast %get3A_10 : vector<16xf32> to vector<16xf32>
    %get3A_12 = arith.constant 64 : index
    %get3A_13 = tpu.vector_load %arg68[%get3A_12] {strides = array<i32>} : memref<160xf32, #tpu.memory_space<vmem>>, vector<16xf32>,
    %get3A_14 = vector.shape_cast %get3A_13 : vector<16xf32> to vector<16xf32>
    %get3A_15 = arith.constant 80 : index
    %get3A_16 = tpu.vector_load %arg68[%get3A_15] {strides = array<i32>} : memref<160xf32, #tpu.memory_space<vmem>>, vector<16xf32>,
    %get3A_17 = vector.shape_cast %get3A_16 : vector<16xf32> to vector<16xf32>
    %get3A_18 = arith.constant 96 : index
    %get3A_19 = tpu.vector_load %arg68[%get3A_18] {strides = array<i32>} : memref<160xf32, #tpu.memory_space<vmem>>, vector<16xf32>,
    %get3A_20 = vector.shape_cast %get3A_19 : vector<16xf32> to vector<16xf32>
    %get3A_21 = arith.constant 112 : index
    %get3A_22 = tpu.vector_load %arg68[%get3A_21] {strides = array<i32>} : memref<160xf32, #tpu.memory_space<vmem>>, vector<16xf32>,
    %get3A_23 = vector.shape_cast %get3A_22 : vector<16xf32> to vector<16xf32>
    %get3A_24 = arith.constant 128 : index
    %get3A_25 = tpu.vector_load %arg68[%get3A_24] {strides = array<i32>} : memref<160xf32, #tpu.memory_space<vmem>>, vector<16xf32>,
    %get3A_26 = vector.shape_cast %get3A_25 : vector<16xf32> to vector<16xf32>
    %get3A_27 = arith.constant 144 : index
    %get3A_28 = tpu.vector_load %arg68[%get3A_27] {strides = array<i32>} : memref<160xf32, #tpu.memory_space<vmem>>, vector<16xf32>,
    %get3A_29 = vector.shape_cast %get3A_28 : vector<16xf32> to vector<16xf32>
    %mul3A_30 = arith.mulf %get3A_2, %get3A_14 : vector<16xf32>
    %mul3A_31 = arith.mulf %get3A_5, %get3A_17 : vector<16xf32>
    %mul3A_32 = arith.mulf %get3A_8, %get3A_20 : vector<16xf32>
    %mul3A_33 = arith.mulf %get3A_11, %get3A_23 : vector<16xf32>
    %div3A = arith.constant 1.000000e+00 : f32
    %div3A_34 = vector.broadcast %div3A : f32 to vector<16xf32>
    %div3A_35 = arith.divf %div3A_34, %get3A_26 : vector<16xf32>
    %eq3A = arith.constant 0 : i32
    %eq3A_36 = arith.cmpi eq, %arg1, %eq3A : i32
    %convert_element_type3A = arith.extui %eq3A_36 : i1 to i32
    %cond3A = arith.constant 0 : i32
    %cond3A_37 = arith.cmpi ne, %convert_element_type3A, %cond3A : i32
    scf.if %cond3A_37 {
      "tpu.region"() ({
        %run_scoped3A = tpu.sem_alloc : memref<!tpu.dma_semaphore, #tpu.memory_space<semaphore_mem>>
        tpu.enqueue_dma source(%arg15 : memref<100008xf32, #tpu.memory_space<hbm>>) target(%arg20 : memref<100008xf32, #tpu.memory_space<vmem_shared>>) target_semaphore(%run_scoped3A : memref<!tpu.dma_semaphore, #tpu.memory_space<semaphore_mem>>)
        tpu.wait_dma2 semaphore(%run_scoped3A : memref<!tpu.dma_semaphore, #tpu.memory_space<semaphore_mem>>) src(%arg15 : memref<100008xf32, #tpu.memory_space<hbm>>) dst(%arg20 : memref<100008xf32, #tpu.memory_space<vmem_shared>>)
        tpu.yield
      }) : () -> ()
      "tpu.region"() ({
        %run_scoped3A = tpu.sem_alloc : memref<!tpu.dma_semaphore, #tpu.memory_space<semaphore_mem>>
        tpu.enqueue_dma source(%arg15 : memref<100008xf32, #tpu.memory_space<hbm>>) target(%arg21 : memref<100008xf32, #tpu.memory_space<vmem_shared>>) target_semaphore(%run_scoped3A : memref<!tpu.dma_semaphore, #tpu.memory_space<semaphore_mem>>)
        tpu.wait_dma2 semaphore(%run_scoped3A : memref<!tpu.dma_semaphore, #tpu.memory_space<semaphore_mem>>) src(%arg15 : memref<100008xf32, #tpu.memory_space<hbm>>) dst(%arg21 : memref<100008xf32, #tpu.memory_space<vmem_shared>>)
        tpu.yield
      }) : () -> ()
      "tpu.region"() ({
        %run_scoped3A = tpu.sem_alloc : memref<!tpu.dma_semaphore, #tpu.memory_space<semaphore_mem>>
        tpu.enqueue_dma source(%arg15 : memref<100008xf32, #tpu.memory_space<hbm>>) target(%arg22 : memref<100008xf32, #tpu.memory_space<vmem_shared>>) target_semaphore(%run_scoped3A : memref<!tpu.dma_semaphore, #tpu.memory_space<semaphore_mem>>)
        tpu.wait_dma2 semaphore(%run_scoped3A : memref<!tpu.dma_semaphore, #tpu.memory_space<semaphore_mem>>) src(%arg15 : memref<100008xf32, #tpu.memory_space<hbm>>) dst(%arg22 : memref<100008xf32, #tpu.memory_space<vmem_shared>>)
        tpu.yield
      }) : () -> ()
      "tpu.region"() ({
        %run_scoped3A = tpu.sem_alloc : memref<!tpu.dma_semaphore, #tpu.memory_space<semaphore_mem>>
        tpu.enqueue_dma source(%arg16 : memref<32xf32, #tpu.memory_space<hbm>>) target(%arg23 : memref<32xf32, #tpu.memory_space<vmem_shared>>) target_semaphore(%run_scoped3A : memref<!tpu.dma_semaphore, #tpu.memory_space<semaphore_mem>>)
        tpu.wait_dma2 semaphore(%run_scoped3A : memref<!tpu.dma_semaphore, #tpu.memory_space<semaphore_mem>>) src(%arg16 : memref<32xf32, #tpu.memory_space<hbm>>) dst(%arg23 : memref<32xf32, #tpu.memory_space<vmem_shared>>)
        tpu.yield
      }) : () -> ()
      "tpu.region"() ({
        %run_scoped3A = tpu.sem_alloc : memref<!tpu.dma_semaphore, #tpu.memory_space<semaphore_mem>>
        tpu.enqueue_dma source(%arg16 : memref<32xf32, #tpu.memory_space<hbm>>) target(%arg24 : memref<32xf32, #tpu.memory_space<vmem_shared>>) target_semaphore(%run_scoped3A : memref<!tpu.dma_semaphore, #tpu.memory_space<semaphore_mem>>)
        tpu.wait_dma2 semaphore(%run_scoped3A : memref<!tpu.dma_semaphore, #tpu.memory_space<semaphore_mem>>) src(%arg16 : memref<32xf32, #tpu.memory_space<hbm>>) dst(%arg24 : memref<32xf32, #tpu.memory_space<vmem_shared>>)
        tpu.yield
      }) : () -> ()
      "tpu.region"() ({
        %run_scoped3A = tpu.sem_alloc : memref<!tpu.dma_semaphore, #tpu.memory_space<semaphore_mem>>
        tpu.enqueue_dma source(%arg16 : memref<32xf32, #tpu.memory_space<hbm>>) target(%arg25 : memref<32xf32, #tpu.memory_space<vmem_shared>>) target_semaphore(%run_scoped3A : memref<!tpu.dma_semaphore, #tpu.memory_space<semaphore_mem>>)
        tpu.wait_dma2 semaphore(%run_scoped3A : memref<!tpu.dma_semaphore, #tpu.memory_space<semaphore_mem>>) src(%arg16 : memref<32xf32, #tpu.memory_space<hbm>>) dst(%arg25 : memref<32xf32, #tpu.memory_space<vmem_shared>>)
        tpu.yield
      }) : () -> ()
      "tpu.region"() ({
        %run_scoped3A = tpu.sem_alloc : memref<!tpu.dma_semaphore, #tpu.memory_space<semaphore_mem>>
        tpu.enqueue_dma source(%arg16 : memref<32xf32, #tpu.memory_space<hbm>>) target(%arg26 : memref<32xf32, #tpu.memory_space<vmem_shared>>) target_semaphore(%run_scoped3A : memref<!tpu.dma_semaphore, #tpu.memory_space<semaphore_mem>>)
        tpu.wait_dma2 semaphore(%run_scoped3A : memref<!tpu.dma_semaphore, #tpu.memory_space<semaphore_mem>>) src(%arg16 : memref<32xf32, #tpu.memory_space<hbm>>) dst(%arg26 : memref<32xf32, #tpu.memory_space<vmem_shared>>)
        tpu.yield
      }) : () -> ()
      "tpu.region"() ({
        %run_scoped3A = tpu.sem_alloc : memref<!tpu.dma_semaphore, #tpu.memory_space<semaphore_mem>>
        tpu.enqueue_dma source(%arg16 : memref<32xf32, #tpu.memory_space<hbm>>) target(%arg27 : memref<32xf32, #tpu.memory_space<vmem_shared>>) target_semaphore(%run_scoped3A : memref<!tpu.dma_semaphore, #tpu.memory_space<semaphore_mem>>)
        tpu.wait_dma2 semaphore(%run_scoped3A : memref<!tpu.dma_semaphore, #tpu.memory_space<semaphore_mem>>) src(%arg16 : memref<32xf32, #tpu.memory_space<hbm>>) dst(%arg27 : memref<32xf32, #tpu.memory_space<vmem_shared>>)
        tpu.yield
      }) : () -> ()
      "tpu.region"() ({
        %run_scoped3A = tpu.sem_alloc : memref<!tpu.dma_semaphore, #tpu.memory_space<semaphore_mem>>
        tpu.enqueue_dma source(%arg16 : memref<32xf32, #tpu.memory_space<hbm>>) target(%arg28 : memref<32xf32, #tpu.memory_space<vmem_shared>>) target_semaphore(%run_scoped3A : memref<!tpu.dma_semaphore, #tpu.memory_space<semaphore_mem>>)
        tpu.wait_dma2 semaphore(%run_scoped3A : memref<!tpu.dma_semaphore, #tpu.memory_space<semaphore_mem>>) src(%arg16 : memref<32xf32, #tpu.memory_space<hbm>>) dst(%arg28 : memref<32xf32, #tpu.memory_space<vmem_shared>>)
        tpu.yield
      }) : () -> ()
      "tpu.region"() ({
        %run_scoped3A = tpu.sem_alloc : memref<!tpu.dma_semaphore, #tpu.memory_space<semaphore_mem>>
        tpu.enqueue_dma source(%arg16 : memref<32xf32, #tpu.memory_space<hbm>>) target(%arg29 : memref<32xf32, #tpu.memory_space<vmem_shared>>) target_semaphore(%run_scoped3A : memref<!tpu.dma_semaphore, #tpu.memory_space<semaphore_mem>>)
        tpu.wait_dma2 semaphore(%run_scoped3A : memref<!tpu.dma_semaphore, #tpu.memory_space<semaphore_mem>>) src(%arg16 : memref<32xf32, #tpu.memory_space<hbm>>) dst(%arg29 : memref<32xf32, #tpu.memory_space<vmem_shared>>)
        tpu.yield
      }) : () -> ()
      "tpu.region"() ({
        %run_scoped3A = tpu.sem_alloc : memref<!tpu.dma_semaphore, #tpu.memory_space<semaphore_mem>>
        tpu.enqueue_dma source(%arg16 : memref<32xf32, #tpu.memory_space<hbm>>) target(%arg30 : memref<32xf32, #tpu.memory_space<vmem_shared>>) target_semaphore(%run_scoped3A : memref<!tpu.dma_semaphore, #tpu.memory_space<semaphore_mem>>)
        tpu.wait_dma2 semaphore(%run_scoped3A : memref<!tpu.dma_semaphore, #tpu.memory_space<semaphore_mem>>) src(%arg16 : memref<32xf32, #tpu.memory_space<hbm>>) dst(%arg30 : memref<32xf32, #tpu.memory_space<vmem_shared>>)
        tpu.yield
      }) : () -> ()
      "tpu.region"() ({
        %run_scoped3A = tpu.sem_alloc : memref<!tpu.dma_semaphore, #tpu.memory_space<semaphore_mem>>
        tpu.enqueue_dma source(%arg16 : memref<32xf32, #tpu.memory_space<hbm>>) target(%arg31 : memref<32xf32, #tpu.memory_space<vmem_shared>>) target_semaphore(%run_scoped3A : memref<!tpu.dma_semaphore, #tpu.memory_space<semaphore_mem>>)
        tpu.wait_dma2 semaphore(%run_scoped3A : memref<!tpu.dma_semaphore, #tpu.memory_space<semaphore_mem>>) src(%arg16 : memref<32xf32, #tpu.memory_space<hbm>>) dst(%arg31 : memref<32xf32, #tpu.memory_space<vmem_shared>>)
        tpu.yield
      }) : () -> ()
      "tpu.region"() ({
        %run_scoped3A = tpu.sem_alloc : memref<!tpu.dma_semaphore, #tpu.memory_space<semaphore_mem>>
        tpu.enqueue_dma source(%arg16 : memref<32xf32, #tpu.memory_space<hbm>>) target(%arg32 : memref<32xf32, #tpu.memory_space<vmem_shared>>) target_semaphore(%run_scoped3A : memref<!tpu.dma_semaphore, #tpu.memory_space<semaphore_mem>>)
        tpu.wait_dma2 semaphore(%run_scoped3A : memref<!tpu.dma_semaphore, #tpu.memory_space<semaphore_mem>>) src(%arg16 : memref<32xf32, #tpu.memory_space<hbm>>) dst(%arg32 : memref<32xf32, #tpu.memory_space<vmem_shared>>)
        tpu.yield
      }) : () -> ()
    } else {
    }
    %barrier3A = arith.constant 0 : index
    tpu.barrier barrier_id(%barrier3A)
    %scan3A = arith.constant 0 : i32
    %scan3A_38 = arith.constant 196 : i32
    %scan3A_39 = arith.addi %scan3A, %scan3A_38 : i32
    %scan3A_40 = arith.constant 1 : i32
    scf.for %scan3A_48 = %scan3A to %scan3A_39 step %scan3A_40  : i32 {
      %mul3A_49 = arith.constant 1 : i32
      %mul3A_50 = arith.muli %scan3A_48, %mul3A_49 : i32
      %add3A_51 = arith.constant 0 : i32
      %add3A_52 = arith.addi %add3A_51, %mul3A_50 : i32
      %mul3A_53 = arith.constant 196 : i32
      %mul3A_54 = arith.muli %add3A, %mul3A_53 : i32
      %add3A_55 = arith.addi %mul3A_54, %add3A_52 : i32
      %mul3A_56 = arith.constant 512 : i32
      %mul3A_57 = arith.muli %add3A_55, %mul3A_56 : i32
      %mul3A_58 = arith.constant 196 : i32
      %mul3A_59 = arith.muli %add3A, %mul3A_58 : i32
      %add3A_60 = arith.addi %mul3A_59, %add3A_52 : i32
      %mul3A_61 = arith.constant 4 : i32
      %mul3A_62 = arith.muli %add3A_60, %mul3A_61 : i32
      "tpu.region"() ({
        %run_scoped3A = tpu.sem_alloc : memref<!tpu.dma_semaphore, #tpu.memory_space<semaphore_mem>>
        %dma_start3A = arith.constant 0 : i32
        %dma_start3A_78 = tpu.memref_slice %arg9[%mul3A_62, %dma_start3A] : memref<25088x128xi32, #tpu.memory_space<hbm>> -> memref<4x128xi32, #tpu.memory_space<hbm>>
        %dma_start3A_79 = arith.constant 0 : i32
        %dma_start3A_80 = tpu.memref_slice %arg9[%mul3A_62, %dma_start3A_79] : memref<25088x128xi32, #tpu.memory_space<hbm>> -> memref<4x128xi32, #tpu.memory_space<hbm>>
        tpu.enqueue_dma source(%dma_start3A_80 : memref<4x128xi32, #tpu.memory_space<hbm>>) target(%arg33 : memref<4x128xi32, #tpu.memory_space<vmem>>) target_semaphore(%run_scoped3A : memref<!tpu.dma_semaphore, #tpu.memory_space<semaphore_mem>>)
        %dma_wait3A = arith.constant 0 : i32
        %dma_wait3A_81 = tpu.memref_slice %arg9[%mul3A_62, %dma_wait3A] : memref<25088x128xi32, #tpu.memory_space<hbm>> -> memref<4x128xi32, #tpu.memory_space<hbm>>
        %dma_wait3A_82 = arith.constant 0 : i32
        %dma_wait3A_83 = tpu.memref_slice %arg9[%mul3A_62, %dma_wait3A_82] : memref<25088x128xi32, #tpu.memory_space<hbm>> -> memref<4x128xi32, #tpu.memory_space<hbm>>
        tpu.wait_dma2 semaphore(%run_scoped3A : memref<!tpu.dma_semaphore, #tpu.memory_space<semaphore_mem>>) src(%dma_wait3A_83 : memref<4x128xi32, #tpu.memory_space<hbm>>) dst(%arg33 : memref<4x128xi32, #tpu.memory_space<vmem>>)
        tpu.yield
      }) : () -> ()
      "tpu.region"() ({
        %run_scoped3A = tpu.sem_alloc : memref<!tpu.dma_semaphore, #tpu.memory_space<semaphore_mem>>
        %dma_start3A = arith.constant 0 : i32
        %dma_start3A_78 = tpu.memref_slice %arg10[%mul3A_62, %dma_start3A] : memref<25088x128xi32, #tpu.memory_space<hbm>> -> memref<4x128xi32, #tpu.memory_space<hbm>>
        %dma_start3A_79 = arith.constant 0 : i32
        %dma_start3A_80 = tpu.memref_slice %arg10[%mul3A_62, %dma_start3A_79] : memref<25088x128xi32, #tpu.memory_space<hbm>> -> memref<4x128xi32, #tpu.memory_space<hbm>>
        tpu.enqueue_dma source(%dma_start3A_80 : memref<4x128xi32, #tpu.memory_space<hbm>>) target(%arg34 : memref<4x128xi32, #tpu.memory_space<vmem>>) target_semaphore(%run_scoped3A : memref<!tpu.dma_semaphore, #tpu.memory_space<semaphore_mem>>)
        %dma_wait3A = arith.constant 0 : i32
        %dma_wait3A_81 = tpu.memref_slice %arg10[%mul3A_62, %dma_wait3A] : memref<25088x128xi32, #tpu.memory_space<hbm>> -> memref<4x128xi32, #tpu.memory_space<hbm>>
        %dma_wait3A_82 = arith.constant 0 : i32
        %dma_wait3A_83 = tpu.memref_slice %arg10[%mul3A_62, %dma_wait3A_82] : memref<25088x128xi32, #tpu.memory_space<hbm>> -> memref<4x128xi32, #tpu.memory_space<hbm>>
        tpu.wait_dma2 semaphore(%run_scoped3A : memref<!tpu.dma_semaphore, #tpu.memory_space<semaphore_mem>>) src(%dma_wait3A_83 : memref<4x128xi32, #tpu.memory_space<hbm>>) dst(%arg34 : memref<4x128xi32, #tpu.memory_space<vmem>>)
        tpu.yield
      }) : () -> ()
      "tpu.region"() ({
        %run_scoped3A = tpu.sem_alloc : memref<!tpu.dma_semaphore, #tpu.memory_space<semaphore_mem>>
        %dma_start3A = tpu.memref_slice %arg11[%mul3A_57] : memref<3211264xf32, #tpu.memory_space<hbm>> -> memref<512xf32, #tpu.memory_space<hbm>>
        %dma_start3A_78 = tpu.memref_slice %arg11[%mul3A_57] : memref<3211264xf32, #tpu.memory_space<hbm>> -> memref<512xf32, #tpu.memory_space<hbm>>
        tpu.enqueue_dma source(%dma_start3A_78 : memref<512xf32, #tpu.memory_space<hbm>>) target(%arg37 : memref<512xf32, #tpu.memory_space<vmem>>) target_semaphore(%run_scoped3A : memref<!tpu.dma_semaphore, #tpu.memory_space<semaphore_mem>>)
        %dma_wait3A = tpu.memref_slice %arg11[%mul3A_57] : memref<3211264xf32, #tpu.memory_space<hbm>> -> memref<512xf32, #tpu.memory_space<hbm>>
        %dma_wait3A_79 = tpu.memref_slice %arg11[%mul3A_57] : memref<3211264xf32, #tpu.memory_space<hbm>> -> memref<512xf32, #tpu.memory_space<hbm>>
        tpu.wait_dma2 semaphore(%run_scoped3A : memref<!tpu.dma_semaphore, #tpu.memory_space<semaphore_mem>>) src(%dma_wait3A_79 : memref<512xf32, #tpu.memory_space<hbm>>) dst(%arg37 : memref<512xf32, #tpu.memory_space<vmem>>)
        tpu.yield
      }) : () -> ()
      "tpu.region"() ({
        %run_scoped3A = tpu.sem_alloc : memref<!tpu.dma_semaphore, #tpu.memory_space<semaphore_mem>>
        %dma_start3A = tpu.memref_slice %arg12[%mul3A_57] : memref<3211264xf32, #tpu.memory_space<hbm>> -> memref<512xf32, #tpu.memory_space<hbm>>
        %dma_start3A_78 = tpu.memref_slice %arg12[%mul3A_57] : memref<3211264xf32, #tpu.memory_space<hbm>> -> memref<512xf32, #tpu.memory_space<hbm>>
        tpu.enqueue_dma source(%dma_start3A_78 : memref<512xf32, #tpu.memory_space<hbm>>) target(%arg38 : memref<512xf32, #tpu.memory_space<vmem>>) target_semaphore(%run_scoped3A : memref<!tpu.dma_semaphore, #tpu.memory_space<semaphore_mem>>)
        %dma_wait3A = tpu.memref_slice %arg12[%mul3A_57] : memref<3211264xf32, #tpu.memory_space<hbm>> -> memref<512xf32, #tpu.memory_space<hbm>>
        %dma_wait3A_79 = tpu.memref_slice %arg12[%mul3A_57] : memref<3211264xf32, #tpu.memory_space<hbm>> -> memref<512xf32, #tpu.memory_space<hbm>>
        tpu.wait_dma2 semaphore(%run_scoped3A : memref<!tpu.dma_semaphore, #tpu.memory_space<semaphore_mem>>) src(%dma_wait3A_79 : memref<512xf32, #tpu.memory_space<hbm>>) dst(%arg38 : memref<512xf32, #tpu.memory_space<vmem>>)
        tpu.yield
      }) : () -> ()
      "tpu.region"() ({
        %run_scoped3A = tpu.sem_alloc : memref<!tpu.dma_semaphore, #tpu.memory_space<semaphore_mem>>
        %dma_start3A = tpu.memref_slice %arg13[%mul3A_57] : memref<3211264xf32, #tpu.memory_space<hbm>> -> memref<512xf32, #tpu.memory_space<hbm>>
        %dma_start3A_78 = tpu.memref_slice %arg13[%mul3A_57] : memref<3211264xf32, #tpu.memory_space<hbm>> -> memref<512xf32, #tpu.memory_space<hbm>>
        tpu.enqueue_dma source(%dma_start3A_78 : memref<512xf32, #tpu.memory_space<hbm>>) target(%arg39 : memref<512xf32, #tpu.memory_space<vmem>>) target_semaphore(%run_scoped3A : memref<!tpu.dma_semaphore, #tpu.memory_space<semaphore_mem>>)
        %dma_wait3A = tpu.memref_slice %arg13[%mul3A_57] : memref<3211264xf32, #tpu.memory_space<hbm>> -> memref<512xf32, #tpu.memory_space<hbm>>
        %dma_wait3A_79 = tpu.memref_slice %arg13[%mul3A_57] : memref<3211264xf32, #tpu.memory_space<hbm>> -> memref<512xf32, #tpu.memory_space<hbm>>
        tpu.wait_dma2 semaphore(%run_scoped3A : memref<!tpu.dma_semaphore, #tpu.memory_space<semaphore_mem>>) src(%dma_wait3A_79 : memref<512xf32, #tpu.memory_space<hbm>>) dst(%arg39 : memref<512xf32, #tpu.memory_space<vmem>>)
        tpu.yield
      }) : () -> ()
      %scan3A_63 = arith.constant 0 : i32
      %scan3A_64 = arith.constant 4 : i32
      %scan3A_65 = arith.addi %scan3A_63, %scan3A_64 : i32
      %scan3A_66 = arith.constant 1 : i32
      scf.for %scan3A_78 = %scan3A_63 to %scan3A_65 step %scan3A_66  : i32 {
        %mul3A_79 = arith.constant 1 : i32
        %mul3A_80 = arith.muli %scan3A_78, %mul3A_79 : i32
        %add3A_81 = arith.constant 0 : i32
        %add3A_82 = arith.addi %add3A_81, %mul3A_80 : i32
        %mul3A_83 = arith.constant 128 : i32
        %mul3A_84 = arith.muli %add3A_82, %mul3A_83 : i32
        %dma_start3A = tpu.memref_slice %arg40[%mul3A_84] : memref<512xf32, #tpu.memory_space<vmem>> -> memref<128xf32, #tpu.memory_space<vmem>>
        %dma_start3A_85 = arith.constant 0 : i32
        %dma_start3A_86 = tpu.memref_slice %arg33[%add3A_82, %dma_start3A_85] : memref<4x128xi32, #tpu.memory_space<vmem>> -> memref<1x128xi32, #tpu.memory_space<vmem>>
        %dma_start3A_87 = tpu.memref_squeeze %dma_start3A_86 : memref<1x128xi32, #tpu.memory_space<vmem>> -> memref<128xi32, #tpu.memory_space<vmem>>
        %dma_start3A_88 = arith.constant 0 : i32
        %dma_start3A_89 = tpu.memref_slice %arg2[%dma_start3A_88] : memref<100008xf32, #tpu.memory_space<hbm>> -> memref<100008xf32, #tpu.memory_space<hbm>>
        tpu.enqueue_indirect_dma source(%dma_start3A_89 : memref<100008xf32, #tpu.memory_space<hbm>>) target(%dma_start3A : memref<128xf32, #tpu.memory_space<vmem>>) offsets(%dma_start3A_87 : memref<128xi32, #tpu.memory_space<vmem>>) semaphore(%arg69 : memref<!tpu.dma_semaphore, #tpu.memory_space<semaphore_mem>>)
        %dma_start3A_90 = tpu.memref_slice %arg41[%mul3A_84] : memref<512xf32, #tpu.memory_space<vmem>> -> memref<128xf32, #tpu.memory_space<vmem>>
        %dma_start3A_91 = arith.constant 0 : i32
        %dma_start3A_92 = tpu.memref_slice %arg33[%add3A_82, %dma_start3A_91] : memref<4x128xi32, #tpu.memory_space<vmem>> -> memref<1x128xi32, #tpu.memory_space<vmem>>
        %dma_start3A_93 = tpu.memref_squeeze %dma_start3A_92 : memref<1x128xi32, #tpu.memory_space<vmem>> -> memref<128xi32, #tpu.memory_space<vmem>>
        %dma_start3A_94 = arith.constant 0 : i32
        %dma_start3A_95 = tpu.memref_slice %arg3[%dma_start3A_94] : memref<100008xf32, #tpu.memory_space<hbm>> -> memref<100008xf32, #tpu.memory_space<hbm>>
        tpu.enqueue_indirect_dma source(%dma_start3A_95 : memref<100008xf32, #tpu.memory_space<hbm>>) target(%dma_start3A_90 : memref<128xf32, #tpu.memory_space<vmem>>) offsets(%dma_start3A_93 : memref<128xi32, #tpu.memory_space<vmem>>) semaphore(%arg69 : memref<!tpu.dma_semaphore, #tpu.memory_space<semaphore_mem>>)
        %dma_start3A_96 = tpu.memref_slice %arg42[%mul3A_84] : memref<512xf32, #tpu.memory_space<vmem>> -> memref<128xf32, #tpu.memory_space<vmem>>
        %dma_start3A_97 = arith.constant 0 : i32
        %dma_start3A_98 = tpu.memref_slice %arg33[%add3A_82, %dma_start3A_97] : memref<4x128xi32, #tpu.memory_space<vmem>> -> memref<1x128xi32, #tpu.memory_space<vmem>>
        %dma_start3A_99 = tpu.memref_squeeze %dma_start3A_98 : memref<1x128xi32, #tpu.memory_space<vmem>> -> memref<128xi32, #tpu.memory_space<vmem>>
        %dma_start3A_100 = arith.constant 0 : i32
        %dma_start3A_101 = tpu.memref_slice %arg4[%dma_start3A_100] : memref<100008xf32, #tpu.memory_space<hbm>> -> memref<100008xf32, #tpu.memory_space<hbm>>
        tpu.enqueue_indirect_dma source(%dma_start3A_101 : memref<100008xf32, #tpu.memory_space<hbm>>) target(%dma_start3A_96 : memref<128xf32, #tpu.memory_space<vmem>>) offsets(%dma_start3A_99 : memref<128xi32, #tpu.memory_space<vmem>>) semaphore(%arg69 : memref<!tpu.dma_semaphore, #tpu.memory_space<semaphore_mem>>)
        %dma_start3A_102 = tpu.memref_slice %arg43[%mul3A_84] : memref<512xf32, #tpu.memory_space<vmem>> -> memref<128xf32, #tpu.memory_space<vmem>>
        %dma_start3A_103 = arith.constant 0 : i32
        %dma_start3A_104 = tpu.memref_slice %arg33[%add3A_82, %dma_start3A_103] : memref<4x128xi32, #tpu.memory_space<vmem>> -> memref<1x128xi32, #tpu.memory_space<vmem>>
        %dma_start3A_105 = tpu.memref_squeeze %dma_start3A_104 : memref<1x128xi32, #tpu.memory_space<vmem>> -> memref<128xi32, #tpu.memory_space<vmem>>
        %dma_start3A_106 = arith.constant 0 : i32
        %dma_start3A_107 = tpu.memref_slice %arg5[%dma_start3A_106] : memref<100008xf32, #tpu.memory_space<hbm>> -> memref<100008xf32, #tpu.memory_space<hbm>>
        tpu.enqueue_indirect_dma source(%dma_start3A_107 : memref<100008xf32, #tpu.memory_space<hbm>>) target(%dma_start3A_102 : memref<128xf32, #tpu.memory_space<vmem>>) offsets(%dma_start3A_105 : memref<128xi32, #tpu.memory_space<vmem>>) semaphore(%arg69 : memref<!tpu.dma_semaphore, #tpu.memory_space<semaphore_mem>>)
        %dma_start3A_108 = tpu.memref_slice %arg44[%mul3A_84] : memref<512xf32, #tpu.memory_space<vmem>> -> memref<128xf32, #tpu.memory_space<vmem>>
        %dma_start3A_109 = arith.constant 0 : i32
        %dma_start3A_110 = tpu.memref_slice %arg33[%add3A_82, %dma_start3A_109] : memref<4x128xi32, #tpu.memory_space<vmem>> -> memref<1x128xi32, #tpu.memory_space<vmem>>
        %dma_start3A_111 = tpu.memref_squeeze %dma_start3A_110 : memref<1x128xi32, #tpu.memory_space<vmem>> -> memref<128xi32, #tpu.memory_space<vmem>>
        %dma_start3A_112 = arith.constant 0 : i32
        %dma_start3A_113 = tpu.memref_slice %arg6[%dma_start3A_112] : memref<100008xf32, #tpu.memory_space<hbm>> -> memref<100008xf32, #tpu.memory_space<hbm>>
        tpu.enqueue_indirect_dma source(%dma_start3A_113 : memref<100008xf32, #tpu.memory_space<hbm>>) target(%dma_start3A_108 : memref<128xf32, #tpu.memory_space<vmem>>) offsets(%dma_start3A_111 : memref<128xi32, #tpu.memory_space<vmem>>) semaphore(%arg69 : memref<!tpu.dma_semaphore, #tpu.memory_space<semaphore_mem>>)
        %dma_start3A_114 = tpu.memref_slice %arg45[%mul3A_84] : memref<512xf32, #tpu.memory_space<vmem>> -> memref<128xf32, #tpu.memory_space<vmem>>
        %dma_start3A_115 = arith.constant 0 : i32
        %dma_start3A_116 = tpu.memref_slice %arg33[%add3A_82, %dma_start3A_115] : memref<4x128xi32, #tpu.memory_space<vmem>> -> memref<1x128xi32, #tpu.memory_space<vmem>>
        %dma_start3A_117 = tpu.memref_squeeze %dma_start3A_116 : memref<1x128xi32, #tpu.memory_space<vmem>> -> memref<128xi32, #tpu.memory_space<vmem>>
        %dma_start3A_118 = arith.constant 0 : i32
        %dma_start3A_119 = tpu.memref_slice %arg7[%dma_start3A_118] : memref<100008xf32, #tpu.memory_space<hbm>> -> memref<100008xf32, #tpu.memory_space<hbm>>
        tpu.enqueue_indirect_dma source(%dma_start3A_119 : memref<100008xf32, #tpu.memory_space<hbm>>) target(%dma_start3A_114 : memref<128xf32, #tpu.memory_space<vmem>>) offsets(%dma_start3A_117 : memref<128xi32, #tpu.memory_space<vmem>>) semaphore(%arg69 : memref<!tpu.dma_semaphore, #tpu.memory_space<semaphore_mem>>)
        %dma_start3A_120 = arith.constant 0 : i32
        %dma_start3A_121 = tpu.memref_slice %arg35[%add3A_82, %dma_start3A_120] : memref<4x128xi32, #tpu.memory_space<vmem>> -> memref<1x128xi32, #tpu.memory_space<vmem>>
        %dma_start3A_122 = tpu.memref_squeeze %dma_start3A_121 : memref<1x128xi32, #tpu.memory_space<vmem>> -> memref<128xi32, #tpu.memory_space<vmem>>
        %dma_start3A_123 = arith.constant 0 : i32
        %dma_start3A_124 = tpu.memref_slice %arg33[%add3A_82, %dma_start3A_123] : memref<4x128xi32, #tpu.memory_space<vmem>> -> memref<1x128xi32, #tpu.memory_space<vmem>>
        %dma_start3A_125 = tpu.memref_squeeze %dma_start3A_124 : memref<1x128xi32, #tpu.memory_space<vmem>> -> memref<128xi32, #tpu.memory_space<vmem>>
        %dma_start3A_126 = arith.constant 0 : i32
        %dma_start3A_127 = tpu.memref_slice %arg8[%dma_start3A_126] : memref<100008xi32, #tpu.memory_space<hbm>> -> memref<100008xi32, #tpu.memory_space<hbm>>
        tpu.enqueue_indirect_dma source(%dma_start3A_127 : memref<100008xi32, #tpu.memory_space<hbm>>) target(%dma_start3A_122 : memref<128xi32, #tpu.memory_space<vmem>>) offsets(%dma_start3A_125 : memref<128xi32, #tpu.memory_space<vmem>>) semaphore(%arg69 : memref<!tpu.dma_semaphore, #tpu.memory_space<semaphore_mem>>)
        %dma_start3A_128 = tpu.memref_slice %arg46[%mul3A_84] : memref<512xf32, #tpu.memory_space<vmem>> -> memref<128xf32, #tpu.memory_space<vmem>>
        %dma_start3A_129 = arith.constant 0 : i32
        %dma_start3A_130 = tpu.memref_slice %arg34[%add3A_82, %dma_start3A_129] : memref<4x128xi32, #tpu.memory_space<vmem>> -> memref<1x128xi32, #tpu.memory_space<vmem>>
        %dma_start3A_131 = tpu.memref_squeeze %dma_start3A_130 : memref<1x128xi32, #tpu.memory_space<vmem>> -> memref<128xi32, #tpu.memory_space<vmem>>
        %dma_start3A_132 = arith.constant 0 : i32
        %dma_start3A_133 = tpu.memref_slice %arg2[%dma_start3A_132] : memref<100008xf32, #tpu.memory_space<hbm>> -> memref<100008xf32, #tpu.memory_space<hbm>>
        tpu.enqueue_indirect_dma source(%dma_start3A_133 : memref<100008xf32, #tpu.memory_space<hbm>>) target(%dma_start3A_128 : memref<128xf32, #tpu.memory_space<vmem>>) offsets(%dma_start3A_131 : memref<128xi32, #tpu.memory_space<vmem>>) semaphore(%arg69 : memref<!tpu.dma_semaphore, #tpu.memory_space<semaphore_mem>>)
        %dma_start3A_134 = tpu.memref_slice %arg47[%mul3A_84] : memref<512xf32, #tpu.memory_space<vmem>> -> memref<128xf32, #tpu.memory_space<vmem>>
        %dma_start3A_135 = arith.constant 0 : i32
        %dma_start3A_136 = tpu.memref_slice %arg34[%add3A_82, %dma_start3A_135] : memref<4x128xi32, #tpu.memory_space<vmem>> -> memref<1x128xi32, #tpu.memory_space<vmem>>
        %dma_start3A_137 = tpu.memref_squeeze %dma_start3A_136 : memref<1x128xi32, #tpu.memory_space<vmem>> -> memref<128xi32, #tpu.memory_space<vmem>>
        %dma_start3A_138 = arith.constant 0 : i32
        %dma_start3A_139 = tpu.memref_slice %arg3[%dma_start3A_138] : memref<100008xf32, #tpu.memory_space<hbm>> -> memref<100008xf32, #tpu.memory_space<hbm>>
        tpu.enqueue_indirect_dma source(%dma_start3A_139 : memref<100008xf32, #tpu.memory_space<hbm>>) target(%dma_start3A_134 : memref<128xf32, #tpu.memory_space<vmem>>) offsets(%dma_start3A_137 : memref<128xi32, #tpu.memory_space<vmem>>) semaphore(%arg69 : memref<!tpu.dma_semaphore, #tpu.memory_space<semaphore_mem>>)
        %dma_start3A_140 = tpu.memref_slice %arg48[%mul3A_84] : memref<512xf32, #tpu.memory_space<vmem>> -> memref<128xf32, #tpu.memory_space<vmem>>
        %dma_start3A_141 = arith.constant 0 : i32
        %dma_start3A_142 = tpu.memref_slice %arg34[%add3A_82, %dma_start3A_141] : memref<4x128xi32, #tpu.memory_space<vmem>> -> memref<1x128xi32, #tpu.memory_space<vmem>>
        %dma_start3A_143 = tpu.memref_squeeze %dma_start3A_142 : memref<1x128xi32, #tpu.memory_space<vmem>> -> memref<128xi32, #tpu.memory_space<vmem>>
        %dma_start3A_144 = arith.constant 0 : i32
        %dma_start3A_145 = tpu.memref_slice %arg4[%dma_start3A_144] : memref<100008xf32, #tpu.memory_space<hbm>> -> memref<100008xf32, #tpu.memory_space<hbm>>
        tpu.enqueue_indirect_dma source(%dma_start3A_145 : memref<100008xf32, #tpu.memory_space<hbm>>) target(%dma_start3A_140 : memref<128xf32, #tpu.memory_space<vmem>>) offsets(%dma_start3A_143 : memref<128xi32, #tpu.memory_space<vmem>>) semaphore(%arg69 : memref<!tpu.dma_semaphore, #tpu.memory_space<semaphore_mem>>)
        %dma_start3A_146 = tpu.memref_slice %arg49[%mul3A_84] : memref<512xf32, #tpu.memory_space<vmem>> -> memref<128xf32, #tpu.memory_space<vmem>>
        %dma_start3A_147 = arith.constant 0 : i32
        %dma_start3A_148 = tpu.memref_slice %arg34[%add3A_82, %dma_start3A_147] : memref<4x128xi32, #tpu.memory_space<vmem>> -> memref<1x128xi32, #tpu.memory_space<vmem>>
        %dma_start3A_149 = tpu.memref_squeeze %dma_start3A_148 : memref<1x128xi32, #tpu.memory_space<vmem>> -> memref<128xi32, #tpu.memory_space<vmem>>
        %dma_start3A_150 = arith.constant 0 : i32
        %dma_start3A_151 = tpu.memref_slice %arg5[%dma_start3A_150] : memref<100008xf32, #tpu.memory_space<hbm>> -> memref<100008xf32, #tpu.memory_space<hbm>>
        tpu.enqueue_indirect_dma source(%dma_start3A_151 : memref<100008xf32, #tpu.memory_space<hbm>>) target(%dma_start3A_146 : memref<128xf32, #tpu.memory_space<vmem>>) offsets(%dma_start3A_149 : memref<128xi32, #tpu.memory_space<vmem>>) semaphore(%arg69 : memref<!tpu.dma_semaphore, #tpu.memory_space<semaphore_mem>>)
        %dma_start3A_152 = tpu.memref_slice %arg50[%mul3A_84] : memref<512xf32, #tpu.memory_space<vmem>> -> memref<128xf32, #tpu.memory_space<vmem>>
        %dma_start3A_153 = arith.constant 0 : i32
        %dma_start3A_154 = tpu.memref_slice %arg34[%add3A_82, %dma_start3A_153] : memref<4x128xi32, #tpu.memory_space<vmem>> -> memref<1x128xi32, #tpu.memory_space<vmem>>
        %dma_start3A_155 = tpu.memref_squeeze %dma_start3A_154 : memref<1x128xi32, #tpu.memory_space<vmem>> -> memref<128xi32, #tpu.memory_space<vmem>>
        %dma_start3A_156 = arith.constant 0 : i32
        %dma_start3A_157 = tpu.memref_slice %arg6[%dma_start3A_156] : memref<100008xf32, #tpu.memory_space<hbm>> -> memref<100008xf32, #tpu.memory_space<hbm>>
        tpu.enqueue_indirect_dma source(%dma_start3A_157 : memref<100008xf32, #tpu.memory_space<hbm>>) target(%dma_start3A_152 : memref<128xf32, #tpu.memory_space<vmem>>) offsets(%dma_start3A_155 : memref<128xi32, #tpu.memory_space<vmem>>) semaphore(%arg69 : memref<!tpu.dma_semaphore, #tpu.memory_space<semaphore_mem>>)
        %dma_start3A_158 = tpu.memref_slice %arg51[%mul3A_84] : memref<512xf32, #tpu.memory_space<vmem>> -> memref<128xf32, #tpu.memory_space<vmem>>
        %dma_start3A_159 = arith.constant 0 : i32
        %dma_start3A_160 = tpu.memref_slice %arg34[%add3A_82, %dma_start3A_159] : memref<4x128xi32, #tpu.memory_space<vmem>> -> memref<1x128xi32, #tpu.memory_space<vmem>>
        %dma_start3A_161 = tpu.memref_squeeze %dma_start3A_160 : memref<1x128xi32, #tpu.memory_space<vmem>> -> memref<128xi32, #tpu.memory_space<vmem>>
        %dma_start3A_162 = arith.constant 0 : i32
        %dma_start3A_163 = tpu.memref_slice %arg7[%dma_start3A_162] : memref<100008xf32, #tpu.memory_space<hbm>> -> memref<100008xf32, #tpu.memory_space<hbm>>
        tpu.enqueue_indirect_dma source(%dma_start3A_163 : memref<100008xf32, #tpu.memory_space<hbm>>) target(%dma_start3A_158 : memref<128xf32, #tpu.memory_space<vmem>>) offsets(%dma_start3A_161 : memref<128xi32, #tpu.memory_space<vmem>>) semaphore(%arg69 : memref<!tpu.dma_semaphore, #tpu.memory_space<semaphore_mem>>)
        %dma_start3A_164 = arith.constant 0 : i32
        %dma_start3A_165 = tpu.memref_slice %arg36[%add3A_82, %dma_start3A_164] : memref<4x128xi32, #tpu.memory_space<vmem>> -> memref<1x128xi32, #tpu.memory_space<vmem>>
        %dma_start3A_166 = tpu.memref_squeeze %dma_start3A_165 : memref<1x128xi32, #tpu.memory_space<vmem>> -> memref<128xi32, #tpu.memory_space<vmem>>
        %dma_start3A_167 = arith.constant 0 : i32
        %dma_start3A_168 = tpu.memref_slice %arg34[%add3A_82, %dma_start3A_167] : memref<4x128xi32, #tpu.memory_space<vmem>> -> memref<1x128xi32, #tpu.memory_space<vmem>>
        %dma_start3A_169 = tpu.memref_squeeze %dma_start3A_168 : memref<1x128xi32, #tpu.memory_space<vmem>> -> memref<128xi32, #tpu.memory_space<vmem>>
        %dma_start3A_170 = arith.constant 0 : i32
        %dma_start3A_171 = tpu.memref_slice %arg8[%dma_start3A_170] : memref<100008xi32, #tpu.memory_space<hbm>> -> memref<100008xi32, #tpu.memory_space<hbm>>
        tpu.enqueue_indirect_dma source(%dma_start3A_171 : memref<100008xi32, #tpu.memory_space<hbm>>) target(%dma_start3A_166 : memref<128xi32, #tpu.memory_space<vmem>>) offsets(%dma_start3A_169 : memref<128xi32, #tpu.memory_space<vmem>>) semaphore(%arg69 : memref<!tpu.dma_semaphore, #tpu.memory_space<semaphore_mem>>)
        %dma_wait3A = tpu.memref_slice %arg40[%mul3A_84] : memref<512xf32, #tpu.memory_space<vmem>> -> memref<128xf32, #tpu.memory_space<vmem>>
        %dma_wait3A_172 = arith.constant 0 : i32
        %dma_wait3A_173 = tpu.memref_slice %arg33[%add3A_82, %dma_wait3A_172] : memref<4x128xi32, #tpu.memory_space<vmem>> -> memref<1x128xi32, #tpu.memory_space<vmem>>
        %dma_wait3A_174 = tpu.memref_squeeze %dma_wait3A_173 : memref<1x128xi32, #tpu.memory_space<vmem>> -> memref<128xi32, #tpu.memory_space<vmem>>
        %dma_wait3A_175 = arith.constant 0 : i32
        %dma_wait3A_176 = tpu.memref_slice %arg2[%dma_wait3A_175] : memref<100008xf32, #tpu.memory_space<hbm>> -> memref<100008xf32, #tpu.memory_space<hbm>>
        tpu.wait_indirect_dma semaphore(%arg69 : memref<!tpu.dma_semaphore, #tpu.memory_space<semaphore_mem>>) src(%dma_wait3A_176 : memref<100008xf32, #tpu.memory_space<hbm>>) dst(%dma_wait3A : memref<128xf32, #tpu.memory_space<vmem>>)
        %dma_wait3A_177 = tpu.memref_slice %arg41[%mul3A_84] : memref<512xf32, #tpu.memory_space<vmem>> -> memref<128xf32, #tpu.memory_space<vmem>>
        %dma_wait3A_178 = arith.constant 0 : i32
        %dma_wait3A_179 = tpu.memref_slice %arg33[%add3A_82, %dma_wait3A_178] : memref<4x128xi32, #tpu.memory_space<vmem>> -> memref<1x128xi32, #tpu.memory_space<vmem>>
        %dma_wait3A_180 = tpu.memref_squeeze %dma_wait3A_179 : memref<1x128xi32, #tpu.memory_space<vmem>> -> memref<128xi32, #tpu.memory_space<vmem>>
        %dma_wait3A_181 = arith.constant 0 : i32
        %dma_wait3A_182 = tpu.memref_slice %arg3[%dma_wait3A_181] : memref<100008xf32, #tpu.memory_space<hbm>> -> memref<100008xf32, #tpu.memory_space<hbm>>
        tpu.wait_indirect_dma semaphore(%arg69 : memref<!tpu.dma_semaphore, #tpu.memory_space<semaphore_mem>>) src(%dma_wait3A_182 : memref<100008xf32, #tpu.memory_space<hbm>>) dst(%dma_wait3A_177 : memref<128xf32, #tpu.memory_space<vmem>>)
        %dma_wait3A_183 = tpu.memref_slice %arg42[%mul3A_84] : memref<512xf32, #tpu.memory_space<vmem>> -> memref<128xf32, #tpu.memory_space<vmem>>
        %dma_wait3A_184 = arith.constant 0 : i32
        %dma_wait3A_185 = tpu.memref_slice %arg33[%add3A_82, %dma_wait3A_184] : memref<4x128xi32, #tpu.memory_space<vmem>> -> memref<1x128xi32, #tpu.memory_space<vmem>>
        %dma_wait3A_186 = tpu.memref_squeeze %dma_wait3A_185 : memref<1x128xi32, #tpu.memory_space<vmem>> -> memref<128xi32, #tpu.memory_space<vmem>>
        %dma_wait3A_187 = arith.constant 0 : i32
        %dma_wait3A_188 = tpu.memref_slice %arg4[%dma_wait3A_187] : memref<100008xf32, #tpu.memory_space<hbm>> -> memref<100008xf32, #tpu.memory_space<hbm>>
        tpu.wait_indirect_dma semaphore(%arg69 : memref<!tpu.dma_semaphore, #tpu.memory_space<semaphore_mem>>) src(%dma_wait3A_188 : memref<100008xf32, #tpu.memory_space<hbm>>) dst(%dma_wait3A_183 : memref<128xf32, #tpu.memory_space<vmem>>)
        %dma_wait3A_189 = tpu.memref_slice %arg43[%mul3A_84] : memref<512xf32, #tpu.memory_space<vmem>> -> memref<128xf32, #tpu.memory_space<vmem>>
        %dma_wait3A_190 = arith.constant 0 : i32
        %dma_wait3A_191 = tpu.memref_slice %arg33[%add3A_82, %dma_wait3A_190] : memref<4x128xi32, #tpu.memory_space<vmem>> -> memref<1x128xi32, #tpu.memory_space<vmem>>
        %dma_wait3A_192 = tpu.memref_squeeze %dma_wait3A_191 : memref<1x128xi32, #tpu.memory_space<vmem>> -> memref<128xi32, #tpu.memory_space<vmem>>
        %dma_wait3A_193 = arith.constant 0 : i32
        %dma_wait3A_194 = tpu.memref_slice %arg5[%dma_wait3A_193] : memref<100008xf32, #tpu.memory_space<hbm>> -> memref<100008xf32, #tpu.memory_space<hbm>>
        tpu.wait_indirect_dma semaphore(%arg69 : memref<!tpu.dma_semaphore, #tpu.memory_space<semaphore_mem>>) src(%dma_wait3A_194 : memref<100008xf32, #tpu.memory_space<hbm>>) dst(%dma_wait3A_189 : memref<128xf32, #tpu.memory_space<vmem>>)
        %dma_wait3A_195 = tpu.memref_slice %arg44[%mul3A_84] : memref<512xf32, #tpu.memory_space<vmem>> -> memref<128xf32, #tpu.memory_space<vmem>>
        %dma_wait3A_196 = arith.constant 0 : i32
        %dma_wait3A_197 = tpu.memref_slice %arg33[%add3A_82, %dma_wait3A_196] : memref<4x128xi32, #tpu.memory_space<vmem>> -> memref<1x128xi32, #tpu.memory_space<vmem>>
        %dma_wait3A_198 = tpu.memref_squeeze %dma_wait3A_197 : memref<1x128xi32, #tpu.memory_space<vmem>> -> memref<128xi32, #tpu.memory_space<vmem>>
        %dma_wait3A_199 = arith.constant 0 : i32
        %dma_wait3A_200 = tpu.memref_slice %arg6[%dma_wait3A_199] : memref<100008xf32, #tpu.memory_space<hbm>> -> memref<100008xf32, #tpu.memory_space<hbm>>
        tpu.wait_indirect_dma semaphore(%arg69 : memref<!tpu.dma_semaphore, #tpu.memory_space<semaphore_mem>>) src(%dma_wait3A_200 : memref<100008xf32, #tpu.memory_space<hbm>>) dst(%dma_wait3A_195 : memref<128xf32, #tpu.memory_space<vmem>>)
        %dma_wait3A_201 = tpu.memref_slice %arg45[%mul3A_84] : memref<512xf32, #tpu.memory_space<vmem>> -> memref<128xf32, #tpu.memory_space<vmem>>
        %dma_wait3A_202 = arith.constant 0 : i32
        %dma_wait3A_203 = tpu.memref_slice %arg33[%add3A_82, %dma_wait3A_202] : memref<4x128xi32, #tpu.memory_space<vmem>> -> memref<1x128xi32, #tpu.memory_space<vmem>>
        %dma_wait3A_204 = tpu.memref_squeeze %dma_wait3A_203 : memref<1x128xi32, #tpu.memory_space<vmem>> -> memref<128xi32, #tpu.memory_space<vmem>>
        %dma_wait3A_205 = arith.constant 0 : i32
        %dma_wait3A_206 = tpu.memref_slice %arg7[%dma_wait3A_205] : memref<100008xf32, #tpu.memory_space<hbm>> -> memref<100008xf32, #tpu.memory_space<hbm>>
        tpu.wait_indirect_dma semaphore(%arg69 : memref<!tpu.dma_semaphore, #tpu.memory_space<semaphore_mem>>) src(%dma_wait3A_206 : memref<100008xf32, #tpu.memory_space<hbm>>) dst(%dma_wait3A_201 : memref<128xf32, #tpu.memory_space<vmem>>)
        %dma_wait3A_207 = arith.constant 0 : i32
        %dma_wait3A_208 = tpu.memref_slice %arg35[%add3A_82, %dma_wait3A_207] : memref<4x128xi32, #tpu.memory_space<vmem>> -> memref<1x128xi32, #tpu.memory_space<vmem>>
        %dma_wait3A_209 = tpu.memref_squeeze %dma_wait3A_208 : memref<1x128xi32, #tpu.memory_space<vmem>> -> memref<128xi32, #tpu.memory_space<vmem>>
        %dma_wait3A_210 = arith.constant 0 : i32
        %dma_wait3A_211 = tpu.memref_slice %arg33[%add3A_82, %dma_wait3A_210] : memref<4x128xi32, #tpu.memory_space<vmem>> -> memref<1x128xi32, #tpu.memory_space<vmem>>
        %dma_wait3A_212 = tpu.memref_squeeze %dma_wait3A_211 : memref<1x128xi32, #tpu.memory_space<vmem>> -> memref<128xi32, #tpu.memory_space<vmem>>
        %dma_wait3A_213 = arith.constant 0 : i32
        %dma_wait3A_214 = tpu.memref_slice %arg8[%dma_wait3A_213] : memref<100008xi32, #tpu.memory_space<hbm>> -> memref<100008xi32, #tpu.memory_space<hbm>>
        tpu.wait_indirect_dma semaphore(%arg69 : memref<!tpu.dma_semaphore, #tpu.memory_space<semaphore_mem>>) src(%dma_wait3A_214 : memref<100008xi32, #tpu.memory_space<hbm>>) dst(%dma_wait3A_209 : memref<128xi32, #tpu.memory_space<vmem>>)
        %dma_wait3A_215 = tpu.memref_slice %arg46[%mul3A_84] : memref<512xf32, #tpu.memory_space<vmem>> -> memref<128xf32, #tpu.memory_space<vmem>>
        %dma_wait3A_216 = arith.constant 0 : i32
        %dma_wait3A_217 = tpu.memref_slice %arg34[%add3A_82, %dma_wait3A_216] : memref<4x128xi32, #tpu.memory_space<vmem>> -> memref<1x128xi32, #tpu.memory_space<vmem>>
        %dma_wait3A_218 = tpu.memref_squeeze %dma_wait3A_217 : memref<1x128xi32, #tpu.memory_space<vmem>> -> memref<128xi32, #tpu.memory_space<vmem>>
        %dma_wait3A_219 = arith.constant 0 : i32
        %dma_wait3A_220 = tpu.memref_slice %arg2[%dma_wait3A_219] : memref<100008xf32, #tpu.memory_space<hbm>> -> memref<100008xf32, #tpu.memory_space<hbm>>
        tpu.wait_indirect_dma semaphore(%arg69 : memref<!tpu.dma_semaphore, #tpu.memory_space<semaphore_mem>>) src(%dma_wait3A_220 : memref<100008xf32, #tpu.memory_space<hbm>>) dst(%dma_wait3A_215 : memref<128xf32, #tpu.memory_space<vmem>>)
        %dma_wait3A_221 = tpu.memref_slice %arg47[%mul3A_84] : memref<512xf32, #tpu.memory_space<vmem>> -> memref<128xf32, #tpu.memory_space<vmem>>
        %dma_wait3A_222 = arith.constant 0 : i32
        %dma_wait3A_223 = tpu.memref_slice %arg34[%add3A_82, %dma_wait3A_222] : memref<4x128xi32, #tpu.memory_space<vmem>> -> memref<1x128xi32, #tpu.memory_space<vmem>>
        %dma_wait3A_224 = tpu.memref_squeeze %dma_wait3A_223 : memref<1x128xi32, #tpu.memory_space<vmem>> -> memref<128xi32, #tpu.memory_space<vmem>>
        %dma_wait3A_225 = arith.constant 0 : i32
        %dma_wait3A_226 = tpu.memref_slice %arg3[%dma_wait3A_225] : memref<100008xf32, #tpu.memory_space<hbm>> -> memref<100008xf32, #tpu.memory_space<hbm>>
        tpu.wait_indirect_dma semaphore(%arg69 : memref<!tpu.dma_semaphore, #tpu.memory_space<semaphore_mem>>) src(%dma_wait3A_226 : memref<100008xf32, #tpu.memory_space<hbm>>) dst(%dma_wait3A_221 : memref<128xf32, #tpu.memory_space<vmem>>)
        %dma_wait3A_227 = tpu.memref_slice %arg48[%mul3A_84] : memref<512xf32, #tpu.memory_space<vmem>> -> memref<128xf32, #tpu.memory_space<vmem>>
        %dma_wait3A_228 = arith.constant 0 : i32
        %dma_wait3A_229 = tpu.memref_slice %arg34[%add3A_82, %dma_wait3A_228] : memref<4x128xi32, #tpu.memory_space<vmem>> -> memref<1x128xi32, #tpu.memory_space<vmem>>
        %dma_wait3A_230 = tpu.memref_squeeze %dma_wait3A_229 : memref<1x128xi32, #tpu.memory_space<vmem>> -> memref<128xi32, #tpu.memory_space<vmem>>
        %dma_wait3A_231 = arith.constant 0 : i32
        %dma_wait3A_232 = tpu.memref_slice %arg4[%dma_wait3A_231] : memref<100008xf32, #tpu.memory_space<hbm>> -> memref<100008xf32, #tpu.memory_space<hbm>>
        tpu.wait_indirect_dma semaphore(%arg69 : memref<!tpu.dma_semaphore, #tpu.memory_space<semaphore_mem>>) src(%dma_wait3A_232 : memref<100008xf32, #tpu.memory_space<hbm>>) dst(%dma_wait3A_227 : memref<128xf32, #tpu.memory_space<vmem>>)
        %dma_wait3A_233 = tpu.memref_slice %arg49[%mul3A_84] : memref<512xf32, #tpu.memory_space<vmem>> -> memref<128xf32, #tpu.memory_space<vmem>>
        %dma_wait3A_234 = arith.constant 0 : i32
        %dma_wait3A_235 = tpu.memref_slice %arg34[%add3A_82, %dma_wait3A_234] : memref<4x128xi32, #tpu.memory_space<vmem>> -> memref<1x128xi32, #tpu.memory_space<vmem>>
        %dma_wait3A_236 = tpu.memref_squeeze %dma_wait3A_235 : memref<1x128xi32, #tpu.memory_space<vmem>> -> memref<128xi32, #tpu.memory_space<vmem>>
        %dma_wait3A_237 = arith.constant 0 : i32
        %dma_wait3A_238 = tpu.memref_slice %arg5[%dma_wait3A_237] : memref<100008xf32, #tpu.memory_space<hbm>> -> memref<100008xf32, #tpu.memory_space<hbm>>
        tpu.wait_indirect_dma semaphore(%arg69 : memref<!tpu.dma_semaphore, #tpu.memory_space<semaphore_mem>>) src(%dma_wait3A_238 : memref<100008xf32, #tpu.memory_space<hbm>>) dst(%dma_wait3A_233 : memref<128xf32, #tpu.memory_space<vmem>>)
        %dma_wait3A_239 = tpu.memref_slice %arg50[%mul3A_84] : memref<512xf32, #tpu.memory_space<vmem>> -> memref<128xf32, #tpu.memory_space<vmem>>
        %dma_wait3A_240 = arith.constant 0 : i32
        %dma_wait3A_241 = tpu.memref_slice %arg34[%add3A_82, %dma_wait3A_240] : memref<4x128xi32, #tpu.memory_space<vmem>> -> memref<1x128xi32, #tpu.memory_space<vmem>>
        %dma_wait3A_242 = tpu.memref_squeeze %dma_wait3A_241 : memref<1x128xi32, #tpu.memory_space<vmem>> -> memref<128xi32, #tpu.memory_space<vmem>>
        %dma_wait3A_243 = arith.constant 0 : i32
        %dma_wait3A_244 = tpu.memref_slice %arg6[%dma_wait3A_243] : memref<100008xf32, #tpu.memory_space<hbm>> -> memref<100008xf32, #tpu.memory_space<hbm>>
        tpu.wait_indirect_dma semaphore(%arg69 : memref<!tpu.dma_semaphore, #tpu.memory_space<semaphore_mem>>) src(%dma_wait3A_244 : memref<100008xf32, #tpu.memory_space<hbm>>) dst(%dma_wait3A_239 : memref<128xf32, #tpu.memory_space<vmem>>)
        %dma_wait3A_245 = tpu.memref_slice %arg51[%mul3A_84] : memref<512xf32, #tpu.memory_space<vmem>> -> memref<128xf32, #tpu.memory_space<vmem>>
        %dma_wait3A_246 = arith.constant 0 : i32
        %dma_wait3A_247 = tpu.memref_slice %arg34[%add3A_82, %dma_wait3A_246] : memref<4x128xi32, #tpu.memory_space<vmem>> -> memref<1x128xi32, #tpu.memory_space<vmem>>
        %dma_wait3A_248 = tpu.memref_squeeze %dma_wait3A_247 : memref<1x128xi32, #tpu.memory_space<vmem>> -> memref<128xi32, #tpu.memory_space<vmem>>
        %dma_wait3A_249 = arith.constant 0 : i32
        %dma_wait3A_250 = tpu.memref_slice %arg7[%dma_wait3A_249] : memref<100008xf32, #tpu.memory_space<hbm>> -> memref<100008xf32, #tpu.memory_space<hbm>>
        tpu.wait_indirect_dma semaphore(%arg69 : memref<!tpu.dma_semaphore, #tpu.memory_space<semaphore_mem>>) src(%dma_wait3A_250 : memref<100008xf32, #tpu.memory_space<hbm>>) dst(%dma_wait3A_245 : memref<128xf32, #tpu.memory_space<vmem>>)
        %dma_wait3A_251 = arith.constant 0 : i32
        %dma_wait3A_252 = tpu.memref_slice %arg36[%add3A_82, %dma_wait3A_251] : memref<4x128xi32, #tpu.memory_space<vmem>> -> memref<1x128xi32, #tpu.memory_space<vmem>>
        %dma_wait3A_253 = tpu.memref_squeeze %dma_wait3A_252 : memref<1x128xi32, #tpu.memory_space<vmem>> -> memref<128xi32, #tpu.memory_space<vmem>>
        %dma_wait3A_254 = arith.constant 0 : i32
        %dma_wait3A_255 = tpu.memref_slice %arg34[%add3A_82, %dma_wait3A_254] : memref<4x128xi32, #tpu.memory_space<vmem>> -> memref<1x128xi32, #tpu.memory_space<vmem>>
        %dma_wait3A_256 = tpu.memref_squeeze %dma_wait3A_255 : memref<1x128xi32, #tpu.memory_space<vmem>> -> memref<128xi32, #tpu.memory_space<vmem>>
        %dma_wait3A_257 = arith.constant 0 : i32
        %dma_wait3A_258 = tpu.memref_slice %arg8[%dma_wait3A_257] : memref<100008xi32, #tpu.memory_space<hbm>> -> memref<100008xi32, #tpu.memory_space<hbm>>
        tpu.wait_indirect_dma semaphore(%arg69 : memref<!tpu.dma_semaphore, #tpu.memory_space<semaphore_mem>>) src(%dma_wait3A_258 : memref<100008xi32, #tpu.memory_space<hbm>>) dst(%dma_wait3A_253 : memref<128xi32, #tpu.memory_space<vmem>>)
      }
      %scan3A_67 = arith.constant 4 : i32
      %scan3A_68 = arith.constant 0 : i32
      %scan3A_69 = arith.constant 32 : i32
      %scan3A_70 = arith.addi %scan3A_68, %scan3A_69 : i32
      %scan3A_71 = arith.constant 1 : i32
      scf.for %scan3A_78 = %scan3A_68 to %scan3A_70 step %scan3A_71  : i32 {
        %mul3A_79 = arith.constant 1 : i32
        %mul3A_80 = arith.muli %scan3A_78, %mul3A_79 : i32
        %add3A_81 = arith.constant 0 : i32
        %add3A_82 = arith.addi %add3A_81, %mul3A_80 : i32
        %mul3A_83 = arith.constant 16 : i32
        %mul3A_84 = arith.muli %add3A_82, %mul3A_83 : i32
        %get3A_85 = arith.index_cast %mul3A_84 : i32 to index
        %get3A_86 = tpu.vector_load %arg40[%get3A_85] {strides = array<i32>} : memref<512xf32, #tpu.memory_space<vmem>>, vector<16xf32>,
        %get3A_87 = vector.shape_cast %get3A_86 : vector<16xf32> to vector<16xf32>
        %get3A_88 = arith.index_cast %mul3A_84 : i32 to index
        %get3A_89 = tpu.vector_load %arg41[%get3A_88] {strides = array<i32>} : memref<512xf32, #tpu.memory_space<vmem>>, vector<16xf32>,
        %get3A_90 = vector.shape_cast %get3A_89 : vector<16xf32> to vector<16xf32>
        %get3A_91 = arith.index_cast %mul3A_84 : i32 to index
        %get3A_92 = tpu.vector_load %arg42[%get3A_91] {strides = array<i32>} : memref<512xf32, #tpu.memory_space<vmem>>, vector<16xf32>,
        %get3A_93 = vector.shape_cast %get3A_92 : vector<16xf32> to vector<16xf32>
        %get3A_94 = arith.index_cast %mul3A_84 : i32 to index
        %get3A_95 = tpu.vector_load %arg43[%get3A_94] {strides = array<i32>} : memref<512xf32, #tpu.memory_space<vmem>>, vector<16xf32>,
        %get3A_96 = vector.shape_cast %get3A_95 : vector<16xf32> to vector<16xf32>
        %get3A_97 = arith.index_cast %mul3A_84 : i32 to index
        %get3A_98 = tpu.vector_load %arg44[%get3A_97] {strides = array<i32>} : memref<512xf32, #tpu.memory_space<vmem>>, vector<16xf32>,
        %get3A_99 = vector.shape_cast %get3A_98 : vector<16xf32> to vector<16xf32>
        %get3A_100 = arith.index_cast %mul3A_84 : i32 to index
        %get3A_101 = tpu.vector_load %arg45[%get3A_100] {strides = array<i32>} : memref<512xf32, #tpu.memory_space<vmem>>, vector<16xf32>,
        %get3A_102 = vector.shape_cast %get3A_101 : vector<16xf32> to vector<16xf32>
        %get3A_103 = arith.index_cast %mul3A_84 : i32 to index
        %get3A_104 = tpu.vector_load %arg46[%get3A_103] {strides = array<i32>} : memref<512xf32, #tpu.memory_space<vmem>>, vector<16xf32>,
        %get3A_105 = vector.shape_cast %get3A_104 : vector<16xf32> to vector<16xf32>
        %get3A_106 = arith.index_cast %mul3A_84 : i32 to index
        %get3A_107 = tpu.vector_load %arg47[%get3A_106] {strides = array<i32>} : memref<512xf32, #tpu.memory_space<vmem>>, vector<16xf32>,
        %get3A_108 = vector.shape_cast %get3A_107 : vector<16xf32> to vector<16xf32>
        %get3A_109 = arith.index_cast %mul3A_84 : i32 to index
        %get3A_110 = tpu.vector_load %arg48[%get3A_109] {strides = array<i32>} : memref<512xf32, #tpu.memory_space<vmem>>, vector<16xf32>,
        %get3A_111 = vector.shape_cast %get3A_110 : vector<16xf32> to vector<16xf32>
        %get3A_112 = arith.index_cast %mul3A_84 : i32 to index
        %get3A_113 = tpu.vector_load %arg49[%get3A_112] {strides = array<i32>} : memref<512xf32, #tpu.memory_space<vmem>>, vector<16xf32>,
        %get3A_114 = vector.shape_cast %get3A_113 : vector<16xf32> to vector<16xf32>
        %get3A_115 = arith.index_cast %mul3A_84 : i32 to index
        %get3A_116 = tpu.vector_load %arg50[%get3A_115] {strides = array<i32>} : memref<512xf32, #tpu.memory_space<vmem>>, vector<16xf32>,
        %get3A_117 = vector.shape_cast %get3A_116 : vector<16xf32> to vector<16xf32>
        %get3A_118 = arith.index_cast %mul3A_84 : i32 to index
        %get3A_119 = tpu.vector_load %arg51[%get3A_118] {strides = array<i32>} : memref<512xf32, #tpu.memory_space<vmem>>, vector<16xf32>,
        %get3A_120 = vector.shape_cast %get3A_119 : vector<16xf32> to vector<16xf32>
        %get3A_121 = arith.index_cast %mul3A_84 : i32 to index
        %get3A_122 = tpu.vector_load %arg37[%get3A_121] {strides = array<i32>} : memref<512xf32, #tpu.memory_space<vmem>>, vector<16xf32>,
        %get3A_123 = vector.shape_cast %get3A_122 : vector<16xf32> to vector<16xf32>
        %get3A_124 = arith.index_cast %mul3A_84 : i32 to index
        %get3A_125 = tpu.vector_load %arg38[%get3A_124] {strides = array<i32>} : memref<512xf32, #tpu.memory_space<vmem>>, vector<16xf32>,
        %get3A_126 = vector.shape_cast %get3A_125 : vector<16xf32> to vector<16xf32>
        %get3A_127 = arith.index_cast %mul3A_84 : i32 to index
        %get3A_128 = tpu.vector_load %arg39[%get3A_127] {strides = array<i32>} : memref<512xf32, #tpu.memory_space<vmem>>, vector<16xf32>,
        %get3A_129 = vector.shape_cast %get3A_128 : vector<16xf32> to vector<16xf32>
        %sub3A = arith.subf %get3A_105, %get3A_87 : vector<16xf32>
        %add3A_130 = arith.addf %sub3A, %get3A_123 : vector<16xf32>
        %sub3A_131 = arith.subf %get3A_108, %get3A_90 : vector<16xf32>
        %add3A_132 = arith.addf %sub3A_131, %get3A_126 : vector<16xf32>
        %sub3A_133 = arith.subf %get3A_111, %get3A_93 : vector<16xf32>
        %add3A_134 = arith.addf %sub3A_133, %get3A_129 : vector<16xf32>
        %mul3A_135 = arith.mulf %add3A_130, %add3A_130 : vector<16xf32>
        %mul3A_136 = arith.mulf %add3A_132, %add3A_132 : vector<16xf32>
        %add3A_137 = arith.addf %mul3A_135, %mul3A_136 : vector<16xf32>
        %mul3A_138 = arith.mulf %add3A_134, %add3A_134 : vector<16xf32>
        %add3A_139 = arith.addf %add3A_137, %mul3A_138 : vector<16xf32>
        %bitcast_convert_type3A = tpu.bitcast %add3A_139 : vector<16xf32> -> vector<16xi32>
        %broadcast_in_dim3A = arith.constant 1597463007 : i32
        %broadcast_in_dim3A_140 = vector.broadcast %broadcast_in_dim3A : i32 to vector<16xi32>
        %shift_right_arithmetic3A = arith.constant 1 : i32
        %shift_right_arithmetic3A_141 = vector.broadcast %shift_right_arithmetic3A : i32 to vector<16xi32>
        %shift_right_arithmetic3A_142 = arith.shrsi %bitcast_convert_type3A, %shift_right_arithmetic3A_141 : vector<16xi32>
        %sub3A_143 = arith.subi %broadcast_in_dim3A_140, %shift_right_arithmetic3A_142 : vector<16xi32>
        %bitcast_convert_type3A_144 = tpu.bitcast %sub3A_143 : vector<16xi32> -> vector<16xf32>
        %mul3A_145 = arith.constant 5.000000e-01 : f32
        %mul3A_146 = vector.broadcast %mul3A_145 : f32 to vector<16xf32>
        %mul3A_147 = arith.mulf %mul3A_146, %add3A_139 : vector<16xf32>
        %mul3A_148 = arith.mulf %mul3A_147, %bitcast_convert_type3A_144 : vector<16xf32>
        %mul3A_149 = arith.mulf %mul3A_148, %bitcast_convert_type3A_144 : vector<16xf32>
        %sub3A_150 = arith.constant 1.500000e+00 : f32
        %sub3A_151 = vector.broadcast %sub3A_150 : f32 to vector<16xf32>
        %sub3A_152 = arith.subf %sub3A_151, %mul3A_149 : vector<16xf32>
        %mul3A_153 = arith.mulf %bitcast_convert_type3A_144, %sub3A_152 : vector<16xf32>
        %mul3A_154 = arith.constant 5.000000e-01 : f32
        %mul3A_155 = vector.broadcast %mul3A_154 : f32 to vector<16xf32>
        %mul3A_156 = arith.mulf %mul3A_155, %add3A_139 : vector<16xf32>
        %mul3A_157 = arith.mulf %mul3A_156, %mul3A_153 : vector<16xf32>
        %mul3A_158 = arith.mulf %mul3A_157, %mul3A_153 : vector<16xf32>
        %sub3A_159 = arith.constant 1.500000e+00 : f32
        %sub3A_160 = vector.broadcast %sub3A_159 : f32 to vector<16xf32>
        %sub3A_161 = arith.subf %sub3A_160, %mul3A_158 : vector<16xf32>
        %mul3A_162 = arith.mulf %mul3A_153, %sub3A_161 : vector<16xf32>
        %mul3A_163 = arith.constant 5.000000e-01 : f32
        %mul3A_164 = vector.broadcast %mul3A_163 : f32 to vector<16xf32>
        %mul3A_165 = arith.mulf %mul3A_164, %add3A_139 : vector<16xf32>
        %mul3A_166 = arith.mulf %mul3A_165, %mul3A_162 : vector<16xf32>
        %mul3A_167 = arith.mulf %mul3A_166, %mul3A_162 : vector<16xf32>
        %sub3A_168 = arith.constant 1.500000e+00 : f32
        %sub3A_169 = vector.broadcast %sub3A_168 : f32 to vector<16xf32>
        %sub3A_170 = arith.subf %sub3A_169, %mul3A_167 : vector<16xf32>
        %mul3A_171 = arith.mulf %mul3A_162, %sub3A_170 : vector<16xf32>
        %mul3A_172 = arith.mulf %add3A_139, %mul3A_171 : vector<16xf32>
        %mul3A_173 = arith.mulf %get3A_96, %get3A_114 : vector<16xf32>
        %add3A_174 = arith.addf %get3A_99, %get3A_117 : vector<16xf32>
        %mul3A_175 = arith.mulf %mul3A_172, %add3A_174 : vector<16xf32>
        %mul3A_176 = arith.mulf %mul3A_175, %div3A_35 : vector<16xf32>
        %add3A_177 = arith.addf %get3A_102, %get3A_120 : vector<16xf32>
        %min3A = arith.minimumf %get3A_29, %add3A_177 : vector<16xf32>
        %div3A_178 = arith.constant 1.000000e+00 : f32
        %div3A_179 = vector.broadcast %div3A_178 : f32 to vector<16xf32>
        %div3A_180 = arith.divf %div3A_179, %min3A : vector<16xf32>
        %mul3A_181 = arith.mulf %mul3A_172, %div3A_180 : vector<16xf32>
        %min3A_182 = arith.constant 1.000000e+00 : f32
        %min3A_183 = vector.broadcast %min3A_182 : f32 to vector<16xf32>
        %min3A_184 = arith.minimumf %mul3A_181, %min3A_183 : vector<16xf32>
        %mul3A_185 = arith.mulf %min3A_184, %min3A_184 : vector<16xf32>
        %mul3A_186 = arith.mulf %mul3A_185, %mul3A_185 : vector<16xf32>
        %mul3A_187 = arith.mulf %mul3A_186, %min3A_184 : vector<16xf32>
        %mul3A_188 = arith.mulf %mul3A_187, %min3A_184 : vector<16xf32>
        %mul3A_189 = arith.mulf %mul3A_188, %min3A_184 : vector<16xf32>
        %mul3A_190 = arith.constant 2.800000e+01 : f32
        %mul3A_191 = vector.broadcast %mul3A_190 : f32 to vector<16xf32>
        %mul3A_192 = arith.mulf %mul3A_191, %mul3A_188 : vector<16xf32>
        %sub3A_193 = arith.constant 1.000000e+00 : f32
        %sub3A_194 = vector.broadcast %sub3A_193 : f32 to vector<16xf32>
        %sub3A_195 = arith.subf %sub3A_194, %mul3A_192 : vector<16xf32>
        %mul3A_196 = arith.constant 4.800000e+01 : f32
        %mul3A_197 = vector.broadcast %mul3A_196 : f32 to vector<16xf32>
        %mul3A_198 = arith.mulf %mul3A_197, %mul3A_189 : vector<16xf32>
        %add3A_199 = arith.addf %sub3A_195, %mul3A_198 : vector<16xf32>
        %mul3A_200 = arith.constant 2.100000e+01 : f32
        %mul3A_201 = vector.broadcast %mul3A_200 : f32 to vector<16xf32>
        %mul3A_202 = arith.mulf %mul3A_201, %mul3A_188 : vector<16xf32>
        %mul3A_203 = arith.mulf %mul3A_202, %mul3A_185 : vector<16xf32>
        %sub3A_204 = arith.subf %add3A_199, %mul3A_203 : vector<16xf32>
        %mul3A_205 = arith.constant -1.680000e+02 : f32
        %mul3A_206 = vector.broadcast %mul3A_205 : f32 to vector<16xf32>
        %mul3A_207 = arith.mulf %mul3A_206, %mul3A_187 : vector<16xf32>
        %mul3A_208 = arith.constant 3.360000e+02 : f32
        %mul3A_209 = vector.broadcast %mul3A_208 : f32 to vector<16xf32>
        %mul3A_210 = arith.mulf %mul3A_209, %mul3A_188 : vector<16xf32>
        %add3A_211 = arith.addf %mul3A_207, %mul3A_210 : vector<16xf32>
        %mul3A_212 = arith.constant 1.680000e+02 : f32
        %mul3A_213 = vector.broadcast %mul3A_212 : f32 to vector<16xf32>
        %mul3A_214 = arith.mulf %mul3A_213, %mul3A_189 : vector<16xf32>
        %sub3A_215 = arith.subf %add3A_211, %mul3A_214 : vector<16xf32>
        %mul3A_216 = arith.mulf %sub3A_215, %div3A_180 : vector<16xf32>
        %mul3A_217 = arith.mulf %get3A_14, %mul3A_176 : vector<16xf32>
        %exp3A = math.exp %mul3A_217 : vector<16xf32>
        %mul3A_218 = arith.mulf %get3A_17, %mul3A_176 : vector<16xf32>
        %exp3A_219 = math.exp %mul3A_218 : vector<16xf32>
        %mul3A_220 = arith.mulf %get3A_20, %mul3A_176 : vector<16xf32>
        %exp3A_221 = math.exp %mul3A_220 : vector<16xf32>
        %mul3A_222 = arith.mulf %get3A_23, %mul3A_176 : vector<16xf32>
        %exp3A_223 = math.exp %mul3A_222 : vector<16xf32>
        %mul3A_224 = arith.mulf %get3A_2, %exp3A : vector<16xf32>
        %mul3A_225 = arith.mulf %get3A_5, %exp3A_219 : vector<16xf32>
        %add3A_226 = arith.addf %mul3A_224, %mul3A_225 : vector<16xf32>
        %mul3A_227 = arith.mulf %get3A_8, %exp3A_221 : vector<16xf32>
        %add3A_228 = arith.addf %add3A_226, %mul3A_227 : vector<16xf32>
        %mul3A_229 = arith.mulf %get3A_11, %exp3A_223 : vector<16xf32>
        %add3A_230 = arith.addf %add3A_228, %mul3A_229 : vector<16xf32>
        %mul3A_231 = arith.mulf %mul3A_30, %exp3A : vector<16xf32>
        %mul3A_232 = arith.mulf %mul3A_31, %exp3A_219 : vector<16xf32>
        %add3A_233 = arith.addf %mul3A_231, %mul3A_232 : vector<16xf32>
        %mul3A_234 = arith.mulf %mul3A_32, %exp3A_221 : vector<16xf32>
        %add3A_235 = arith.addf %add3A_233, %mul3A_234 : vector<16xf32>
        %mul3A_236 = arith.mulf %mul3A_33, %exp3A_223 : vector<16xf32>
        %add3A_237 = arith.addf %add3A_235, %mul3A_236 : vector<16xf32>
        %mul3A_238 = arith.constant 14.3996449 : f32
        %mul3A_239 = vector.broadcast %mul3A_238 : f32 to vector<16xf32>
        %mul3A_240 = arith.mulf %mul3A_239, %mul3A_173 : vector<16xf32>
        %mul3A_241 = arith.mulf %mul3A_240, %mul3A_171 : vector<16xf32>
        %mul3A_242 = arith.mulf %mul3A_241, %add3A_230 : vector<16xf32>
        %mul3A_243 = arith.mulf %mul3A_242, %sub3A_204 : vector<16xf32>
        %mul3A_244 = arith.mulf %add3A_237, %sub3A_204 : vector<16xf32>
        %mul3A_245 = arith.mulf %mul3A_244, %add3A_174 : vector<16xf32>
        %mul3A_246 = arith.mulf %mul3A_245, %div3A_35 : vector<16xf32>
        %mul3A_247 = arith.mulf %add3A_230, %mul3A_216 : vector<16xf32>
        %add3A_248 = arith.addf %mul3A_246, %mul3A_247 : vector<16xf32>
        %mul3A_249 = arith.mulf %add3A_230, %sub3A_204 : vector<16xf32>
        %mul3A_250 = arith.mulf %mul3A_249, %mul3A_171 : vector<16xf32>
        %sub3A_251 = arith.subf %add3A_248, %mul3A_250 : vector<16xf32>
        %mul3A_252 = arith.constant 5.000000e-01 : f32
        %mul3A_253 = vector.broadcast %mul3A_252 : f32 to vector<16xf32>
        %mul3A_254 = arith.mulf %mul3A_253, %mul3A_240 : vector<16xf32>
        %mul3A_255 = arith.mulf %mul3A_254, %mul3A_171 : vector<16xf32>
        %mul3A_256 = arith.mulf %mul3A_255, %mul3A_171 : vector<16xf32>
        %mul3A_257 = arith.mulf %mul3A_256, %sub3A_251 : vector<16xf32>
        %mul3A_258 = arith.mulf %add3A_130, %mul3A_257 : vector<16xf32>
        %mul3A_259 = arith.mulf %add3A_132, %mul3A_257 : vector<16xf32>
        %mul3A_260 = arith.mulf %add3A_134, %mul3A_257 : vector<16xf32>
        %swap3A = arith.index_cast %mul3A_84 : i32 to index
        %swap3A_261 = tpu.vector_load %arg52[%swap3A] {strides = array<i32>} : memref<512xf32, #tpu.memory_space<vmem>>, vector<16xf32>,
        %swap3A_262 = vector.shape_cast %swap3A_261 : vector<16xf32> to vector<16xf32>
        %swap3A_263 = vector.shape_cast %mul3A_258 : vector<16xf32> to vector<16xf32>
        tpu.vector_store %arg52[%swap3A], %swap3A_263 {strides = array<i32>} : memref<512xf32, #tpu.memory_space<vmem>>, vector<16xf32>,
        %swap3A_264 = arith.index_cast %mul3A_84 : i32 to index
        %swap3A_265 = tpu.vector_load %arg53[%swap3A_264] {strides = array<i32>} : memref<512xf32, #tpu.memory_space<vmem>>, vector<16xf32>,
        %swap3A_266 = vector.shape_cast %swap3A_265 : vector<16xf32> to vector<16xf32>
        %swap3A_267 = vector.shape_cast %mul3A_259 : vector<16xf32> to vector<16xf32>
        tpu.vector_store %arg53[%swap3A_264], %swap3A_267 {strides = array<i32>} : memref<512xf32, #tpu.memory_space<vmem>>, vector<16xf32>,
        %swap3A_268 = arith.index_cast %mul3A_84 : i32 to index
        %swap3A_269 = tpu.vector_load %arg54[%swap3A_268] {strides = array<i32>} : memref<512xf32, #tpu.memory_space<vmem>>, vector<16xf32>,
        %swap3A_270 = vector.shape_cast %swap3A_269 : vector<16xf32> to vector<16xf32>
        %swap3A_271 = vector.shape_cast %mul3A_260 : vector<16xf32> to vector<16xf32>
        tpu.vector_store %arg54[%swap3A_268], %swap3A_271 {strides = array<i32>} : memref<512xf32, #tpu.memory_space<vmem>>, vector<16xf32>,
        %neg3A = arith.constant 0.000000e+00 : f32
        %neg3A_272 = vector.broadcast %neg3A : f32 to vector<16xf32>
        %neg3A_273 = arith.subf %neg3A_272, %mul3A_258 : vector<16xf32>
        %swap3A_274 = arith.index_cast %mul3A_84 : i32 to index
        %swap3A_275 = tpu.vector_load %arg55[%swap3A_274] {strides = array<i32>} : memref<512xf32, #tpu.memory_space<vmem>>, vector<16xf32>,
        %swap3A_276 = vector.shape_cast %swap3A_275 : vector<16xf32> to vector<16xf32>
        %swap3A_277 = vector.shape_cast %neg3A_273 : vector<16xf32> to vector<16xf32>
        tpu.vector_store %arg55[%swap3A_274], %swap3A_277 {strides = array<i32>} : memref<512xf32, #tpu.memory_space<vmem>>, vector<16xf32>,
        %neg3A_278 = arith.constant 0.000000e+00 : f32
        %neg3A_279 = vector.broadcast %neg3A_278 : f32 to vector<16xf32>
        %neg3A_280 = arith.subf %neg3A_279, %mul3A_259 : vector<16xf32>
        %swap3A_281 = arith.index_cast %mul3A_84 : i32 to index
        %swap3A_282 = tpu.vector_load %arg56[%swap3A_281] {strides = array<i32>} : memref<512xf32, #tpu.memory_space<vmem>>, vector<16xf32>,
        %swap3A_283 = vector.shape_cast %swap3A_282 : vector<16xf32> to vector<16xf32>
        %swap3A_284 = vector.shape_cast %neg3A_280 : vector<16xf32> to vector<16xf32>
        tpu.vector_store %arg56[%swap3A_281], %swap3A_284 {strides = array<i32>} : memref<512xf32, #tpu.memory_space<vmem>>, vector<16xf32>,
        %neg3A_285 = arith.constant 0.000000e+00 : f32
        %neg3A_286 = vector.broadcast %neg3A_285 : f32 to vector<16xf32>
        %neg3A_287 = arith.subf %neg3A_286, %mul3A_260 : vector<16xf32>
        %swap3A_288 = arith.index_cast %mul3A_84 : i32 to index
        %swap3A_289 = tpu.vector_load %arg57[%swap3A_288] {strides = array<i32>} : memref<512xf32, #tpu.memory_space<vmem>>, vector<16xf32>,
        %swap3A_290 = vector.shape_cast %swap3A_289 : vector<16xf32> to vector<16xf32>
        %swap3A_291 = vector.shape_cast %neg3A_287 : vector<16xf32> to vector<16xf32>
        tpu.vector_store %arg57[%swap3A_288], %swap3A_291 {strides = array<i32>} : memref<512xf32, #tpu.memory_space<vmem>>, vector<16xf32>,
        %swap3A_292 = arith.index_cast %mul3A_84 : i32 to index
        %swap3A_293 = tpu.vector_load %arg58[%swap3A_292] {strides = array<i32>} : memref<512xf32, #tpu.memory_space<vmem>>, vector<16xf32>,
        %swap3A_294 = vector.shape_cast %swap3A_293 : vector<16xf32> to vector<16xf32>
        %swap3A_295 = vector.shape_cast %mul3A_243 : vector<16xf32> to vector<16xf32>
        tpu.vector_store %arg58[%swap3A_292], %swap3A_295 {strides = array<i32>} : memref<512xf32, #tpu.memory_space<vmem>>, vector<16xf32>,
        %mul3A_296 = arith.mulf %add3A_130, %mul3A_258 : vector<16xf32>
        %swap3A_297 = arith.index_cast %mul3A_84 : i32 to index
        %swap3A_298 = tpu.vector_load %arg59[%swap3A_297] {strides = array<i32>} : memref<512xf32, #tpu.memory_space<vmem>>, vector<16xf32>,
        %swap3A_299 = vector.shape_cast %swap3A_298 : vector<16xf32> to vector<16xf32>
        %swap3A_300 = vector.shape_cast %mul3A_296 : vector<16xf32> to vector<16xf32>
        tpu.vector_store %arg59[%swap3A_297], %swap3A_300 {strides = array<i32>} : memref<512xf32, #tpu.memory_space<vmem>>, vector<16xf32>,
        %mul3A_301 = arith.mulf %add3A_130, %mul3A_259 : vector<16xf32>
        %swap3A_302 = arith.index_cast %mul3A_84 : i32 to index
        %swap3A_303 = tpu.vector_load %arg60[%swap3A_302] {strides = array<i32>} : memref<512xf32, #tpu.memory_space<vmem>>, vector<16xf32>,
        %swap3A_304 = vector.shape_cast %swap3A_303 : vector<16xf32> to vector<16xf32>
        %swap3A_305 = vector.shape_cast %mul3A_301 : vector<16xf32> to vector<16xf32>
        tpu.vector_store %arg60[%swap3A_302], %swap3A_305 {strides = array<i32>} : memref<512xf32, #tpu.memory_space<vmem>>, vector<16xf32>,
        %mul3A_306 = arith.mulf %add3A_130, %mul3A_260 : vector<16xf32>
        %swap3A_307 = arith.index_cast %mul3A_84 : i32 to index
        %swap3A_308 = tpu.vector_load %arg61[%swap3A_307] {strides = array<i32>} : memref<512xf32, #tpu.memory_space<vmem>>, vector<16xf32>,
        %swap3A_309 = vector.shape_cast %swap3A_308 : vector<16xf32> to vector<16xf32>
        %swap3A_310 = vector.shape_cast %mul3A_306 : vector<16xf32> to vector<16xf32>
        tpu.vector_store %arg61[%swap3A_307], %swap3A_310 {strides = array<i32>} : memref<512xf32, #tpu.memory_space<vmem>>, vector<16xf32>,
        %mul3A_311 = arith.mulf %add3A_132, %mul3A_258 : vector<16xf32>
        %swap3A_312 = arith.index_cast %mul3A_84 : i32 to index
        %swap3A_313 = tpu.vector_load %arg62[%swap3A_312] {strides = array<i32>} : memref<512xf32, #tpu.memory_space<vmem>>, vector<16xf32>,
        %swap3A_314 = vector.shape_cast %swap3A_313 : vector<16xf32> to vector<16xf32>
        %swap3A_315 = vector.shape_cast %mul3A_311 : vector<16xf32> to vector<16xf32>
        tpu.vector_store %arg62[%swap3A_312], %swap3A_315 {strides = array<i32>} : memref<512xf32, #tpu.memory_space<vmem>>, vector<16xf32>,
        %mul3A_316 = arith.mulf %add3A_132, %mul3A_259 : vector<16xf32>
        %swap3A_317 = arith.index_cast %mul3A_84 : i32 to index
        %swap3A_318 = tpu.vector_load %arg63[%swap3A_317] {strides = array<i32>} : memref<512xf32, #tpu.memory_space<vmem>>, vector<16xf32>,
        %swap3A_319 = vector.shape_cast %swap3A_318 : vector<16xf32> to vector<16xf32>
        %swap3A_320 = vector.shape_cast %mul3A_316 : vector<16xf32> to vector<16xf32>
        tpu.vector_store %arg63[%swap3A_317], %swap3A_320 {strides = array<i32>} : memref<512xf32, #tpu.memory_space<vmem>>, vector<16xf32>,
        %mul3A_321 = arith.mulf %add3A_132, %mul3A_260 : vector<16xf32>
        %swap3A_322 = arith.index_cast %mul3A_84 : i32 to index
        %swap3A_323 = tpu.vector_load %arg64[%swap3A_322] {strides = array<i32>} : memref<512xf32, #tpu.memory_space<vmem>>, vector<16xf32>,
        %swap3A_324 = vector.shape_cast %swap3A_323 : vector<16xf32> to vector<16xf32>
        %swap3A_325 = vector.shape_cast %mul3A_321 : vector<16xf32> to vector<16xf32>
        tpu.vector_store %arg64[%swap3A_322], %swap3A_325 {strides = array<i32>} : memref<512xf32, #tpu.memory_space<vmem>>, vector<16xf32>,
        %mul3A_326 = arith.mulf %add3A_134, %mul3A_258 : vector<16xf32>
        %swap3A_327 = arith.index_cast %mul3A_84 : i32 to index
        %swap3A_328 = tpu.vector_load %arg65[%swap3A_327] {strides = array<i32>} : memref<512xf32, #tpu.memory_space<vmem>>, vector<16xf32>,
        %swap3A_329 = vector.shape_cast %swap3A_328 : vector<16xf32> to vector<16xf32>
        %swap3A_330 = vector.shape_cast %mul3A_326 : vector<16xf32> to vector<16xf32>
        tpu.vector_store %arg65[%swap3A_327], %swap3A_330 {strides = array<i32>} : memref<512xf32, #tpu.memory_space<vmem>>, vector<16xf32>,
        %mul3A_331 = arith.mulf %add3A_134, %mul3A_259 : vector<16xf32>
        %swap3A_332 = arith.index_cast %mul3A_84 : i32 to index
        %swap3A_333 = tpu.vector_load %arg66[%swap3A_332] {strides = array<i32>} : memref<512xf32, #tpu.memory_space<vmem>>, vector<16xf32>,
        %swap3A_334 = vector.shape_cast %swap3A_333 : vector<16xf32> to vector<16xf32>
        %swap3A_335 = vector.shape_cast %mul3A_331 : vector<16xf32> to vector<16xf32>
        tpu.vector_store %arg66[%swap3A_332], %swap3A_335 {strides = array<i32>} : memref<512xf32, #tpu.memory_space<vmem>>, vector<16xf32>,
        %mul3A_336 = arith.mulf %add3A_134, %mul3A_260 : vector<16xf32>
        %swap3A_337 = arith.index_cast %mul3A_84 : i32 to index
        %swap3A_338 = tpu.vector_load %arg67[%swap3A_337] {strides = array<i32>} : memref<512xf32, #tpu.memory_space<vmem>>, vector<16xf32>,
        %swap3A_339 = vector.shape_cast %swap3A_338 : vector<16xf32> to vector<16xf32>
        %swap3A_340 = vector.shape_cast %mul3A_336 : vector<16xf32> to vector<16xf32>
        tpu.vector_store %arg67[%swap3A_337], %swap3A_340 {strides = array<i32>} : memref<512xf32, #tpu.memory_space<vmem>>, vector<16xf32>,
      }
      %scan3A_72 = arith.constant 32 : i32
      %scan3A_73 = arith.constant 0 : i32
      %scan3A_74 = arith.constant 4 : i32
      %scan3A_75 = arith.addi %scan3A_73, %scan3A_74 : i32
      %scan3A_76 = arith.constant 1 : i32
      scf.for %scan3A_78 = %scan3A_73 to %scan3A_75 step %scan3A_76  : i32 {
        %mul3A_79 = arith.constant 1 : i32
        %mul3A_80 = arith.muli %scan3A_78, %mul3A_79 : i32
        %add3A_81 = arith.constant 0 : i32
        %add3A_82 = arith.addi %add3A_81, %mul3A_80 : i32
        %mul3A_83 = arith.constant 128 : i32
        %mul3A_84 = arith.muli %add3A_82, %mul3A_83 : i32
        "tpu.region"() ({
          %run_scoped3A = tpu.sem_alloc : memref<!tpu.dma_semaphore, #tpu.memory_space<semaphore_mem>>
          %dma_start3A = tpu.memref_slice %arg52[%mul3A_84] : memref<512xf32, #tpu.memory_space<vmem>> -> memref<128xf32, #tpu.memory_space<vmem>>
          %dma_start3A_85 = arith.constant 0 : i32
          %dma_start3A_86 = tpu.memref_slice %arg33[%add3A_82, %dma_start3A_85] : memref<4x128xi32, #tpu.memory_space<vmem>> -> memref<1x128xi32, #tpu.memory_space<vmem>>
          %dma_start3A_87 = tpu.memref_squeeze %dma_start3A_86 : memref<1x128xi32, #tpu.memory_space<vmem>> -> memref<128xi32, #tpu.memory_space<vmem>>
          %dma_start3A_88 = arith.constant 0 : i32
          %dma_start3A_89 = tpu.memref_slice %arg20[%dma_start3A_88] : memref<100008xf32, #tpu.memory_space<vmem_shared>> -> memref<100008xf32, #tpu.memory_space<vmem_shared>>
          tpu.enqueue_indirect_dma source(%dma_start3A : memref<128xf32, #tpu.memory_space<vmem>>) target(%dma_start3A_89 : memref<100008xf32, #tpu.memory_space<vmem_shared>>) offsets(%dma_start3A_87 : memref<128xi32, #tpu.memory_space<vmem>>) semaphore(%run_scoped3A : memref<!tpu.dma_semaphore, #tpu.memory_space<semaphore_mem>>) {add = true}
          %dma_wait3A = tpu.memref_slice %arg52[%mul3A_84] : memref<512xf32, #tpu.memory_space<vmem>> -> memref<128xf32, #tpu.memory_space<vmem>>
          %dma_wait3A_90 = arith.constant 0 : i32
          %dma_wait3A_91 = tpu.memref_slice %arg33[%add3A_82, %dma_wait3A_90] : memref<4x128xi32, #tpu.memory_space<vmem>> -> memref<1x128xi32, #tpu.memory_space<vmem>>
          %dma_wait3A_92 = tpu.memref_squeeze %dma_wait3A_91 : memref<1x128xi32, #tpu.memory_space<vmem>> -> memref<128xi32, #tpu.memory_space<vmem>>
          %dma_wait3A_93 = arith.constant 0 : i32
          %dma_wait3A_94 = tpu.memref_slice %arg20[%dma_wait3A_93] : memref<100008xf32, #tpu.memory_space<vmem_shared>> -> memref<100008xf32, #tpu.memory_space<vmem_shared>>
          tpu.wait_indirect_dma semaphore(%run_scoped3A : memref<!tpu.dma_semaphore, #tpu.memory_space<semaphore_mem>>) src(%dma_wait3A : memref<128xf32, #tpu.memory_space<vmem>>) dst(%dma_wait3A_94 : memref<100008xf32, #tpu.memory_space<vmem_shared>>)
          tpu.yield
        }) : () -> ()
        "tpu.region"() ({
          %run_scoped3A = tpu.sem_alloc : memref<!tpu.dma_semaphore, #tpu.memory_space<semaphore_mem>>
          %dma_start3A = tpu.memref_slice %arg53[%mul3A_84] : memref<512xf32, #tpu.memory_space<vmem>> -> memref<128xf32, #tpu.memory_space<vmem>>
          %dma_start3A_85 = arith.constant 0 : i32
          %dma_start3A_86 = tpu.memref_slice %arg33[%add3A_82, %dma_start3A_85] : memref<4x128xi32, #tpu.memory_space<vmem>> -> memref<1x128xi32, #tpu.memory_space<vmem>>
          %dma_start3A_87 = tpu.memref_squeeze %dma_start3A_86 : memref<1x128xi32, #tpu.memory_space<vmem>> -> memref<128xi32, #tpu.memory_space<vmem>>
          %dma_start3A_88 = arith.constant 0 : i32
          %dma_start3A_89 = tpu.memref_slice %arg21[%dma_start3A_88] : memref<100008xf32, #tpu.memory_space<vmem_shared>> -> memref<100008xf32, #tpu.memory_space<vmem_shared>>
          tpu.enqueue_indirect_dma source(%dma_start3A : memref<128xf32, #tpu.memory_space<vmem>>) target(%dma_start3A_89 : memref<100008xf32, #tpu.memory_space<vmem_shared>>) offsets(%dma_start3A_87 : memref<128xi32, #tpu.memory_space<vmem>>) semaphore(%run_scoped3A : memref<!tpu.dma_semaphore, #tpu.memory_space<semaphore_mem>>) {add = true}
          %dma_wait3A = tpu.memref_slice %arg53[%mul3A_84] : memref<512xf32, #tpu.memory_space<vmem>> -> memref<128xf32, #tpu.memory_space<vmem>>
          %dma_wait3A_90 = arith.constant 0 : i32
          %dma_wait3A_91 = tpu.memref_slice %arg33[%add3A_82, %dma_wait3A_90] : memref<4x128xi32, #tpu.memory_space<vmem>> -> memref<1x128xi32, #tpu.memory_space<vmem>>
          %dma_wait3A_92 = tpu.memref_squeeze %dma_wait3A_91 : memref<1x128xi32, #tpu.memory_space<vmem>> -> memref<128xi32, #tpu.memory_space<vmem>>
          %dma_wait3A_93 = arith.constant 0 : i32
          %dma_wait3A_94 = tpu.memref_slice %arg21[%dma_wait3A_93] : memref<100008xf32, #tpu.memory_space<vmem_shared>> -> memref<100008xf32, #tpu.memory_space<vmem_shared>>
          tpu.wait_indirect_dma semaphore(%run_scoped3A : memref<!tpu.dma_semaphore, #tpu.memory_space<semaphore_mem>>) src(%dma_wait3A : memref<128xf32, #tpu.memory_space<vmem>>) dst(%dma_wait3A_94 : memref<100008xf32, #tpu.memory_space<vmem_shared>>)
          tpu.yield
        }) : () -> ()
        "tpu.region"() ({
          %run_scoped3A = tpu.sem_alloc : memref<!tpu.dma_semaphore, #tpu.memory_space<semaphore_mem>>
          %dma_start3A = tpu.memref_slice %arg54[%mul3A_84] : memref<512xf32, #tpu.memory_space<vmem>> -> memref<128xf32, #tpu.memory_space<vmem>>
          %dma_start3A_85 = arith.constant 0 : i32
          %dma_start3A_86 = tpu.memref_slice %arg33[%add3A_82, %dma_start3A_85] : memref<4x128xi32, #tpu.memory_space<vmem>> -> memref<1x128xi32, #tpu.memory_space<vmem>>
          %dma_start3A_87 = tpu.memref_squeeze %dma_start3A_86 : memref<1x128xi32, #tpu.memory_space<vmem>> -> memref<128xi32, #tpu.memory_space<vmem>>
          %dma_start3A_88 = arith.constant 0 : i32
          %dma_start3A_89 = tpu.memref_slice %arg22[%dma_start3A_88] : memref<100008xf32, #tpu.memory_space<vmem_shared>> -> memref<100008xf32, #tpu.memory_space<vmem_shared>>
          tpu.enqueue_indirect_dma source(%dma_start3A : memref<128xf32, #tpu.memory_space<vmem>>) target(%dma_start3A_89 : memref<100008xf32, #tpu.memory_space<vmem_shared>>) offsets(%dma_start3A_87 : memref<128xi32, #tpu.memory_space<vmem>>) semaphore(%run_scoped3A : memref<!tpu.dma_semaphore, #tpu.memory_space<semaphore_mem>>) {add = true}
          %dma_wait3A = tpu.memref_slice %arg54[%mul3A_84] : memref<512xf32, #tpu.memory_space<vmem>> -> memref<128xf32, #tpu.memory_space<vmem>>
          %dma_wait3A_90 = arith.constant 0 : i32
          %dma_wait3A_91 = tpu.memref_slice %arg33[%add3A_82, %dma_wait3A_90] : memref<4x128xi32, #tpu.memory_space<vmem>> -> memref<1x128xi32, #tpu.memory_space<vmem>>
          %dma_wait3A_92 = tpu.memref_squeeze %dma_wait3A_91 : memref<1x128xi32, #tpu.memory_space<vmem>> -> memref<128xi32, #tpu.memory_space<vmem>>
          %dma_wait3A_93 = arith.constant 0 : i32
          %dma_wait3A_94 = tpu.memref_slice %arg22[%dma_wait3A_93] : memref<100008xf32, #tpu.memory_space<vmem_shared>> -> memref<100008xf32, #tpu.memory_space<vmem_shared>>
          tpu.wait_indirect_dma semaphore(%run_scoped3A : memref<!tpu.dma_semaphore, #tpu.memory_space<semaphore_mem>>) src(%dma_wait3A : memref<128xf32, #tpu.memory_space<vmem>>) dst(%dma_wait3A_94 : memref<100008xf32, #tpu.memory_space<vmem_shared>>)
          tpu.yield
        }) : () -> ()
        "tpu.region"() ({
          %run_scoped3A = tpu.sem_alloc : memref<!tpu.dma_semaphore, #tpu.memory_space<semaphore_mem>>
          %dma_start3A = tpu.memref_slice %arg55[%mul3A_84] : memref<512xf32, #tpu.memory_space<vmem>> -> memref<128xf32, #tpu.memory_space<vmem>>
          %dma_start3A_85 = arith.constant 0 : i32
          %dma_start3A_86 = tpu.memref_slice %arg34[%add3A_82, %dma_start3A_85] : memref<4x128xi32, #tpu.memory_space<vmem>> -> memref<1x128xi32, #tpu.memory_space<vmem>>
          %dma_start3A_87 = tpu.memref_squeeze %dma_start3A_86 : memref<1x128xi32, #tpu.memory_space<vmem>> -> memref<128xi32, #tpu.memory_space<vmem>>
          %dma_start3A_88 = arith.constant 0 : i32
          %dma_start3A_89 = tpu.memref_slice %arg20[%dma_start3A_88] : memref<100008xf32, #tpu.memory_space<vmem_shared>> -> memref<100008xf32, #tpu.memory_space<vmem_shared>>
          tpu.enqueue_indirect_dma source(%dma_start3A : memref<128xf32, #tpu.memory_space<vmem>>) target(%dma_start3A_89 : memref<100008xf32, #tpu.memory_space<vmem_shared>>) offsets(%dma_start3A_87 : memref<128xi32, #tpu.memory_space<vmem>>) semaphore(%run_scoped3A : memref<!tpu.dma_semaphore, #tpu.memory_space<semaphore_mem>>) {add = true}
          %dma_wait3A = tpu.memref_slice %arg55[%mul3A_84] : memref<512xf32, #tpu.memory_space<vmem>> -> memref<128xf32, #tpu.memory_space<vmem>>
          %dma_wait3A_90 = arith.constant 0 : i32
          %dma_wait3A_91 = tpu.memref_slice %arg34[%add3A_82, %dma_wait3A_90] : memref<4x128xi32, #tpu.memory_space<vmem>> -> memref<1x128xi32, #tpu.memory_space<vmem>>
          %dma_wait3A_92 = tpu.memref_squeeze %dma_wait3A_91 : memref<1x128xi32, #tpu.memory_space<vmem>> -> memref<128xi32, #tpu.memory_space<vmem>>
          %dma_wait3A_93 = arith.constant 0 : i32
          %dma_wait3A_94 = tpu.memref_slice %arg20[%dma_wait3A_93] : memref<100008xf32, #tpu.memory_space<vmem_shared>> -> memref<100008xf32, #tpu.memory_space<vmem_shared>>
          tpu.wait_indirect_dma semaphore(%run_scoped3A : memref<!tpu.dma_semaphore, #tpu.memory_space<semaphore_mem>>) src(%dma_wait3A : memref<128xf32, #tpu.memory_space<vmem>>) dst(%dma_wait3A_94 : memref<100008xf32, #tpu.memory_space<vmem_shared>>)
          tpu.yield
        }) : () -> ()
        "tpu.region"() ({
          %run_scoped3A = tpu.sem_alloc : memref<!tpu.dma_semaphore, #tpu.memory_space<semaphore_mem>>
          %dma_start3A = tpu.memref_slice %arg56[%mul3A_84] : memref<512xf32, #tpu.memory_space<vmem>> -> memref<128xf32, #tpu.memory_space<vmem>>
          %dma_start3A_85 = arith.constant 0 : i32
          %dma_start3A_86 = tpu.memref_slice %arg34[%add3A_82, %dma_start3A_85] : memref<4x128xi32, #tpu.memory_space<vmem>> -> memref<1x128xi32, #tpu.memory_space<vmem>>
          %dma_start3A_87 = tpu.memref_squeeze %dma_start3A_86 : memref<1x128xi32, #tpu.memory_space<vmem>> -> memref<128xi32, #tpu.memory_space<vmem>>
          %dma_start3A_88 = arith.constant 0 : i32
          %dma_start3A_89 = tpu.memref_slice %arg21[%dma_start3A_88] : memref<100008xf32, #tpu.memory_space<vmem_shared>> -> memref<100008xf32, #tpu.memory_space<vmem_shared>>
          tpu.enqueue_indirect_dma source(%dma_start3A : memref<128xf32, #tpu.memory_space<vmem>>) target(%dma_start3A_89 : memref<100008xf32, #tpu.memory_space<vmem_shared>>) offsets(%dma_start3A_87 : memref<128xi32, #tpu.memory_space<vmem>>) semaphore(%run_scoped3A : memref<!tpu.dma_semaphore, #tpu.memory_space<semaphore_mem>>) {add = true}
          %dma_wait3A = tpu.memref_slice %arg56[%mul3A_84] : memref<512xf32, #tpu.memory_space<vmem>> -> memref<128xf32, #tpu.memory_space<vmem>>
          %dma_wait3A_90 = arith.constant 0 : i32
          %dma_wait3A_91 = tpu.memref_slice %arg34[%add3A_82, %dma_wait3A_90] : memref<4x128xi32, #tpu.memory_space<vmem>> -> memref<1x128xi32, #tpu.memory_space<vmem>>
          %dma_wait3A_92 = tpu.memref_squeeze %dma_wait3A_91 : memref<1x128xi32, #tpu.memory_space<vmem>> -> memref<128xi32, #tpu.memory_space<vmem>>
          %dma_wait3A_93 = arith.constant 0 : i32
          %dma_wait3A_94 = tpu.memref_slice %arg21[%dma_wait3A_93] : memref<100008xf32, #tpu.memory_space<vmem_shared>> -> memref<100008xf32, #tpu.memory_space<vmem_shared>>
          tpu.wait_indirect_dma semaphore(%run_scoped3A : memref<!tpu.dma_semaphore, #tpu.memory_space<semaphore_mem>>) src(%dma_wait3A : memref<128xf32, #tpu.memory_space<vmem>>) dst(%dma_wait3A_94 : memref<100008xf32, #tpu.memory_space<vmem_shared>>)
          tpu.yield
        }) : () -> ()
        "tpu.region"() ({
          %run_scoped3A = tpu.sem_alloc : memref<!tpu.dma_semaphore, #tpu.memory_space<semaphore_mem>>
          %dma_start3A = tpu.memref_slice %arg57[%mul3A_84] : memref<512xf32, #tpu.memory_space<vmem>> -> memref<128xf32, #tpu.memory_space<vmem>>
          %dma_start3A_85 = arith.constant 0 : i32
          %dma_start3A_86 = tpu.memref_slice %arg34[%add3A_82, %dma_start3A_85] : memref<4x128xi32, #tpu.memory_space<vmem>> -> memref<1x128xi32, #tpu.memory_space<vmem>>
          %dma_start3A_87 = tpu.memref_squeeze %dma_start3A_86 : memref<1x128xi32, #tpu.memory_space<vmem>> -> memref<128xi32, #tpu.memory_space<vmem>>
          %dma_start3A_88 = arith.constant 0 : i32
          %dma_start3A_89 = tpu.memref_slice %arg22[%dma_start3A_88] : memref<100008xf32, #tpu.memory_space<vmem_shared>> -> memref<100008xf32, #tpu.memory_space<vmem_shared>>
          tpu.enqueue_indirect_dma source(%dma_start3A : memref<128xf32, #tpu.memory_space<vmem>>) target(%dma_start3A_89 : memref<100008xf32, #tpu.memory_space<vmem_shared>>) offsets(%dma_start3A_87 : memref<128xi32, #tpu.memory_space<vmem>>) semaphore(%run_scoped3A : memref<!tpu.dma_semaphore, #tpu.memory_space<semaphore_mem>>) {add = true}
          %dma_wait3A = tpu.memref_slice %arg57[%mul3A_84] : memref<512xf32, #tpu.memory_space<vmem>> -> memref<128xf32, #tpu.memory_space<vmem>>
          %dma_wait3A_90 = arith.constant 0 : i32
          %dma_wait3A_91 = tpu.memref_slice %arg34[%add3A_82, %dma_wait3A_90] : memref<4x128xi32, #tpu.memory_space<vmem>> -> memref<1x128xi32, #tpu.memory_space<vmem>>
          %dma_wait3A_92 = tpu.memref_squeeze %dma_wait3A_91 : memref<1x128xi32, #tpu.memory_space<vmem>> -> memref<128xi32, #tpu.memory_space<vmem>>
          %dma_wait3A_93 = arith.constant 0 : i32
          %dma_wait3A_94 = tpu.memref_slice %arg22[%dma_wait3A_93] : memref<100008xf32, #tpu.memory_space<vmem_shared>> -> memref<100008xf32, #tpu.memory_space<vmem_shared>>
          tpu.wait_indirect_dma semaphore(%run_scoped3A : memref<!tpu.dma_semaphore, #tpu.memory_space<semaphore_mem>>) src(%dma_wait3A : memref<128xf32, #tpu.memory_space<vmem>>) dst(%dma_wait3A_94 : memref<100008xf32, #tpu.memory_space<vmem_shared>>)
          tpu.yield
        }) : () -> ()
        "tpu.region"() ({
          %run_scoped3A = tpu.sem_alloc : memref<!tpu.dma_semaphore, #tpu.memory_space<semaphore_mem>>
          %dma_start3A = tpu.memref_slice %arg58[%mul3A_84] : memref<512xf32, #tpu.memory_space<vmem>> -> memref<128xf32, #tpu.memory_space<vmem>>
          %dma_start3A_85 = arith.constant 0 : i32
          %dma_start3A_86 = tpu.memref_slice %arg36[%add3A_82, %dma_start3A_85] : memref<4x128xi32, #tpu.memory_space<vmem>> -> memref<1x128xi32, #tpu.memory_space<vmem>>
          %dma_start3A_87 = tpu.memref_squeeze %dma_start3A_86 : memref<1x128xi32, #tpu.memory_space<vmem>> -> memref<128xi32, #tpu.memory_space<vmem>>
          %dma_start3A_88 = arith.constant 0 : i32
          %dma_start3A_89 = tpu.memref_slice %arg23[%dma_start3A_88] : memref<32xf32, #tpu.memory_space<vmem_shared>> -> memref<32xf32, #tpu.memory_space<vmem_shared>>
          tpu.enqueue_indirect_dma source(%dma_start3A : memref<128xf32, #tpu.memory_space<vmem>>) target(%dma_start3A_89 : memref<32xf32, #tpu.memory_space<vmem_shared>>) offsets(%dma_start3A_87 : memref<128xi32, #tpu.memory_space<vmem>>) semaphore(%run_scoped3A : memref<!tpu.dma_semaphore, #tpu.memory_space<semaphore_mem>>) {add = true}
          %dma_wait3A = tpu.memref_slice %arg58[%mul3A_84] : memref<512xf32, #tpu.memory_space<vmem>> -> memref<128xf32, #tpu.memory_space<vmem>>
          %dma_wait3A_90 = arith.constant 0 : i32
          %dma_wait3A_91 = tpu.memref_slice %arg36[%add3A_82, %dma_wait3A_90] : memref<4x128xi32, #tpu.memory_space<vmem>> -> memref<1x128xi32, #tpu.memory_space<vmem>>
          %dma_wait3A_92 = tpu.memref_squeeze %dma_wait3A_91 : memref<1x128xi32, #tpu.memory_space<vmem>> -> memref<128xi32, #tpu.memory_space<vmem>>
          %dma_wait3A_93 = arith.constant 0 : i32
          %dma_wait3A_94 = tpu.memref_slice %arg23[%dma_wait3A_93] : memref<32xf32, #tpu.memory_space<vmem_shared>> -> memref<32xf32, #tpu.memory_space<vmem_shared>>
          tpu.wait_indirect_dma semaphore(%run_scoped3A : memref<!tpu.dma_semaphore, #tpu.memory_space<semaphore_mem>>) src(%dma_wait3A : memref<128xf32, #tpu.memory_space<vmem>>) dst(%dma_wait3A_94 : memref<32xf32, #tpu.memory_space<vmem_shared>>)
          tpu.yield
        }) : () -> ()
        "tpu.region"() ({
          %run_scoped3A = tpu.sem_alloc : memref<!tpu.dma_semaphore, #tpu.memory_space<semaphore_mem>>
          %dma_start3A = tpu.memref_slice %arg59[%mul3A_84] : memref<512xf32, #tpu.memory_space<vmem>> -> memref<128xf32, #tpu.memory_space<vmem>>
          %dma_start3A_85 = arith.constant 0 : i32
          %dma_start3A_86 = tpu.memref_slice %arg35[%add3A_82, %dma_start3A_85] : memref<4x128xi32, #tpu.memory_space<vmem>> -> memref<1x128xi32, #tpu.memory_space<vmem>>
          %dma_start3A_87 = tpu.memref_squeeze %dma_start3A_86 : memref<1x128xi32, #tpu.memory_space<vmem>> -> memref<128xi32, #tpu.memory_space<vmem>>
          %dma_start3A_88 = arith.constant 0 : i32
          %dma_start3A_89 = tpu.memref_slice %arg24[%dma_start3A_88] : memref<32xf32, #tpu.memory_space<vmem_shared>> -> memref<32xf32, #tpu.memory_space<vmem_shared>>
          tpu.enqueue_indirect_dma source(%dma_start3A : memref<128xf32, #tpu.memory_space<vmem>>) target(%dma_start3A_89 : memref<32xf32, #tpu.memory_space<vmem_shared>>) offsets(%dma_start3A_87 : memref<128xi32, #tpu.memory_space<vmem>>) semaphore(%run_scoped3A : memref<!tpu.dma_semaphore, #tpu.memory_space<semaphore_mem>>) {add = true}
          %dma_wait3A = tpu.memref_slice %arg59[%mul3A_84] : memref<512xf32, #tpu.memory_space<vmem>> -> memref<128xf32, #tpu.memory_space<vmem>>
          %dma_wait3A_90 = arith.constant 0 : i32
          %dma_wait3A_91 = tpu.memref_slice %arg35[%add3A_82, %dma_wait3A_90] : memref<4x128xi32, #tpu.memory_space<vmem>> -> memref<1x128xi32, #tpu.memory_space<vmem>>
          %dma_wait3A_92 = tpu.memref_squeeze %dma_wait3A_91 : memref<1x128xi32, #tpu.memory_space<vmem>> -> memref<128xi32, #tpu.memory_space<vmem>>
          %dma_wait3A_93 = arith.constant 0 : i32
          %dma_wait3A_94 = tpu.memref_slice %arg24[%dma_wait3A_93] : memref<32xf32, #tpu.memory_space<vmem_shared>> -> memref<32xf32, #tpu.memory_space<vmem_shared>>
          tpu.wait_indirect_dma semaphore(%run_scoped3A : memref<!tpu.dma_semaphore, #tpu.memory_space<semaphore_mem>>) src(%dma_wait3A : memref<128xf32, #tpu.memory_space<vmem>>) dst(%dma_wait3A_94 : memref<32xf32, #tpu.memory_space<vmem_shared>>)
          tpu.yield
        }) : () -> ()
        "tpu.region"() ({
          %run_scoped3A = tpu.sem_alloc : memref<!tpu.dma_semaphore, #tpu.memory_space<semaphore_mem>>
          %dma_start3A = tpu.memref_slice %arg60[%mul3A_84] : memref<512xf32, #tpu.memory_space<vmem>> -> memref<128xf32, #tpu.memory_space<vmem>>
          %dma_start3A_85 = arith.constant 0 : i32
          %dma_start3A_86 = tpu.memref_slice %arg35[%add3A_82, %dma_start3A_85] : memref<4x128xi32, #tpu.memory_space<vmem>> -> memref<1x128xi32, #tpu.memory_space<vmem>>
          %dma_start3A_87 = tpu.memref_squeeze %dma_start3A_86 : memref<1x128xi32, #tpu.memory_space<vmem>> -> memref<128xi32, #tpu.memory_space<vmem>>
          %dma_start3A_88 = arith.constant 0 : i32
          %dma_start3A_89 = tpu.memref_slice %arg25[%dma_start3A_88] : memref<32xf32, #tpu.memory_space<vmem_shared>> -> memref<32xf32, #tpu.memory_space<vmem_shared>>
          tpu.enqueue_indirect_dma source(%dma_start3A : memref<128xf32, #tpu.memory_space<vmem>>) target(%dma_start3A_89 : memref<32xf32, #tpu.memory_space<vmem_shared>>) offsets(%dma_start3A_87 : memref<128xi32, #tpu.memory_space<vmem>>) semaphore(%run_scoped3A : memref<!tpu.dma_semaphore, #tpu.memory_space<semaphore_mem>>) {add = true}
          %dma_wait3A = tpu.memref_slice %arg60[%mul3A_84] : memref<512xf32, #tpu.memory_space<vmem>> -> memref<128xf32, #tpu.memory_space<vmem>>
          %dma_wait3A_90 = arith.constant 0 : i32
          %dma_wait3A_91 = tpu.memref_slice %arg35[%add3A_82, %dma_wait3A_90] : memref<4x128xi32, #tpu.memory_space<vmem>> -> memref<1x128xi32, #tpu.memory_space<vmem>>
          %dma_wait3A_92 = tpu.memref_squeeze %dma_wait3A_91 : memref<1x128xi32, #tpu.memory_space<vmem>> -> memref<128xi32, #tpu.memory_space<vmem>>
          %dma_wait3A_93 = arith.constant 0 : i32
          %dma_wait3A_94 = tpu.memref_slice %arg25[%dma_wait3A_93] : memref<32xf32, #tpu.memory_space<vmem_shared>> -> memref<32xf32, #tpu.memory_space<vmem_shared>>
          tpu.wait_indirect_dma semaphore(%run_scoped3A : memref<!tpu.dma_semaphore, #tpu.memory_space<semaphore_mem>>) src(%dma_wait3A : memref<128xf32, #tpu.memory_space<vmem>>) dst(%dma_wait3A_94 : memref<32xf32, #tpu.memory_space<vmem_shared>>)
          tpu.yield
        }) : () -> ()
        "tpu.region"() ({
          %run_scoped3A = tpu.sem_alloc : memref<!tpu.dma_semaphore, #tpu.memory_space<semaphore_mem>>
          %dma_start3A = tpu.memref_slice %arg61[%mul3A_84] : memref<512xf32, #tpu.memory_space<vmem>> -> memref<128xf32, #tpu.memory_space<vmem>>
          %dma_start3A_85 = arith.constant 0 : i32
          %dma_start3A_86 = tpu.memref_slice %arg35[%add3A_82, %dma_start3A_85] : memref<4x128xi32, #tpu.memory_space<vmem>> -> memref<1x128xi32, #tpu.memory_space<vmem>>
          %dma_start3A_87 = tpu.memref_squeeze %dma_start3A_86 : memref<1x128xi32, #tpu.memory_space<vmem>> -> memref<128xi32, #tpu.memory_space<vmem>>
          %dma_start3A_88 = arith.constant 0 : i32
          %dma_start3A_89 = tpu.memref_slice %arg26[%dma_start3A_88] : memref<32xf32, #tpu.memory_space<vmem_shared>> -> memref<32xf32, #tpu.memory_space<vmem_shared>>
          tpu.enqueue_indirect_dma source(%dma_start3A : memref<128xf32, #tpu.memory_space<vmem>>) target(%dma_start3A_89 : memref<32xf32, #tpu.memory_space<vmem_shared>>) offsets(%dma_start3A_87 : memref<128xi32, #tpu.memory_space<vmem>>) semaphore(%run_scoped3A : memref<!tpu.dma_semaphore, #tpu.memory_space<semaphore_mem>>) {add = true}
          %dma_wait3A = tpu.memref_slice %arg61[%mul3A_84] : memref<512xf32, #tpu.memory_space<vmem>> -> memref<128xf32, #tpu.memory_space<vmem>>
          %dma_wait3A_90 = arith.constant 0 : i32
          %dma_wait3A_91 = tpu.memref_slice %arg35[%add3A_82, %dma_wait3A_90] : memref<4x128xi32, #tpu.memory_space<vmem>> -> memref<1x128xi32, #tpu.memory_space<vmem>>
          %dma_wait3A_92 = tpu.memref_squeeze %dma_wait3A_91 : memref<1x128xi32, #tpu.memory_space<vmem>> -> memref<128xi32, #tpu.memory_space<vmem>>
          %dma_wait3A_93 = arith.constant 0 : i32
          %dma_wait3A_94 = tpu.memref_slice %arg26[%dma_wait3A_93] : memref<32xf32, #tpu.memory_space<vmem_shared>> -> memref<32xf32, #tpu.memory_space<vmem_shared>>
          tpu.wait_indirect_dma semaphore(%run_scoped3A : memref<!tpu.dma_semaphore, #tpu.memory_space<semaphore_mem>>) src(%dma_wait3A : memref<128xf32, #tpu.memory_space<vmem>>) dst(%dma_wait3A_94 : memref<32xf32, #tpu.memory_space<vmem_shared>>)
          tpu.yield
        }) : () -> ()
        "tpu.region"() ({
          %run_scoped3A = tpu.sem_alloc : memref<!tpu.dma_semaphore, #tpu.memory_space<semaphore_mem>>
          %dma_start3A = tpu.memref_slice %arg62[%mul3A_84] : memref<512xf32, #tpu.memory_space<vmem>> -> memref<128xf32, #tpu.memory_space<vmem>>
          %dma_start3A_85 = arith.constant 0 : i32
          %dma_start3A_86 = tpu.memref_slice %arg35[%add3A_82, %dma_start3A_85] : memref<4x128xi32, #tpu.memory_space<vmem>> -> memref<1x128xi32, #tpu.memory_space<vmem>>
          %dma_start3A_87 = tpu.memref_squeeze %dma_start3A_86 : memref<1x128xi32, #tpu.memory_space<vmem>> -> memref<128xi32, #tpu.memory_space<vmem>>
          %dma_start3A_88 = arith.constant 0 : i32
          %dma_start3A_89 = tpu.memref_slice %arg27[%dma_start3A_88] : memref<32xf32, #tpu.memory_space<vmem_shared>> -> memref<32xf32, #tpu.memory_space<vmem_shared>>
          tpu.enqueue_indirect_dma source(%dma_start3A : memref<128xf32, #tpu.memory_space<vmem>>) target(%dma_start3A_89 : memref<32xf32, #tpu.memory_space<vmem_shared>>) offsets(%dma_start3A_87 : memref<128xi32, #tpu.memory_space<vmem>>) semaphore(%run_scoped3A : memref<!tpu.dma_semaphore, #tpu.memory_space<semaphore_mem>>) {add = true}
          %dma_wait3A = tpu.memref_slice %arg62[%mul3A_84] : memref<512xf32, #tpu.memory_space<vmem>> -> memref<128xf32, #tpu.memory_space<vmem>>
          %dma_wait3A_90 = arith.constant 0 : i32
          %dma_wait3A_91 = tpu.memref_slice %arg35[%add3A_82, %dma_wait3A_90] : memref<4x128xi32, #tpu.memory_space<vmem>> -> memref<1x128xi32, #tpu.memory_space<vmem>>
          %dma_wait3A_92 = tpu.memref_squeeze %dma_wait3A_91 : memref<1x128xi32, #tpu.memory_space<vmem>> -> memref<128xi32, #tpu.memory_space<vmem>>
          %dma_wait3A_93 = arith.constant 0 : i32
          %dma_wait3A_94 = tpu.memref_slice %arg27[%dma_wait3A_93] : memref<32xf32, #tpu.memory_space<vmem_shared>> -> memref<32xf32, #tpu.memory_space<vmem_shared>>
          tpu.wait_indirect_dma semaphore(%run_scoped3A : memref<!tpu.dma_semaphore, #tpu.memory_space<semaphore_mem>>) src(%dma_wait3A : memref<128xf32, #tpu.memory_space<vmem>>) dst(%dma_wait3A_94 : memref<32xf32, #tpu.memory_space<vmem_shared>>)
          tpu.yield
        }) : () -> ()
        "tpu.region"() ({
          %run_scoped3A = tpu.sem_alloc : memref<!tpu.dma_semaphore, #tpu.memory_space<semaphore_mem>>
          %dma_start3A = tpu.memref_slice %arg63[%mul3A_84] : memref<512xf32, #tpu.memory_space<vmem>> -> memref<128xf32, #tpu.memory_space<vmem>>
          %dma_start3A_85 = arith.constant 0 : i32
          %dma_start3A_86 = tpu.memref_slice %arg35[%add3A_82, %dma_start3A_85] : memref<4x128xi32, #tpu.memory_space<vmem>> -> memref<1x128xi32, #tpu.memory_space<vmem>>
          %dma_start3A_87 = tpu.memref_squeeze %dma_start3A_86 : memref<1x128xi32, #tpu.memory_space<vmem>> -> memref<128xi32, #tpu.memory_space<vmem>>
          %dma_start3A_88 = arith.constant 0 : i32
          %dma_start3A_89 = tpu.memref_slice %arg28[%dma_start3A_88] : memref<32xf32, #tpu.memory_space<vmem_shared>> -> memref<32xf32, #tpu.memory_space<vmem_shared>>
          tpu.enqueue_indirect_dma source(%dma_start3A : memref<128xf32, #tpu.memory_space<vmem>>) target(%dma_start3A_89 : memref<32xf32, #tpu.memory_space<vmem_shared>>) offsets(%dma_start3A_87 : memref<128xi32, #tpu.memory_space<vmem>>) semaphore(%run_scoped3A : memref<!tpu.dma_semaphore, #tpu.memory_space<semaphore_mem>>) {add = true}
          %dma_wait3A = tpu.memref_slice %arg63[%mul3A_84] : memref<512xf32, #tpu.memory_space<vmem>> -> memref<128xf32, #tpu.memory_space<vmem>>
          %dma_wait3A_90 = arith.constant 0 : i32
          %dma_wait3A_91 = tpu.memref_slice %arg35[%add3A_82, %dma_wait3A_90] : memref<4x128xi32, #tpu.memory_space<vmem>> -> memref<1x128xi32, #tpu.memory_space<vmem>>
          %dma_wait3A_92 = tpu.memref_squeeze %dma_wait3A_91 : memref<1x128xi32, #tpu.memory_space<vmem>> -> memref<128xi32, #tpu.memory_space<vmem>>
          %dma_wait3A_93 = arith.constant 0 : i32
          %dma_wait3A_94 = tpu.memref_slice %arg28[%dma_wait3A_93] : memref<32xf32, #tpu.memory_space<vmem_shared>> -> memref<32xf32, #tpu.memory_space<vmem_shared>>
          tpu.wait_indirect_dma semaphore(%run_scoped3A : memref<!tpu.dma_semaphore, #tpu.memory_space<semaphore_mem>>) src(%dma_wait3A : memref<128xf32, #tpu.memory_space<vmem>>) dst(%dma_wait3A_94 : memref<32xf32, #tpu.memory_space<vmem_shared>>)
          tpu.yield
        }) : () -> ()
        "tpu.region"() ({
          %run_scoped3A = tpu.sem_alloc : memref<!tpu.dma_semaphore, #tpu.memory_space<semaphore_mem>>
          %dma_start3A = tpu.memref_slice %arg64[%mul3A_84] : memref<512xf32, #tpu.memory_space<vmem>> -> memref<128xf32, #tpu.memory_space<vmem>>
          %dma_start3A_85 = arith.constant 0 : i32
          %dma_start3A_86 = tpu.memref_slice %arg35[%add3A_82, %dma_start3A_85] : memref<4x128xi32, #tpu.memory_space<vmem>> -> memref<1x128xi32, #tpu.memory_space<vmem>>
          %dma_start3A_87 = tpu.memref_squeeze %dma_start3A_86 : memref<1x128xi32, #tpu.memory_space<vmem>> -> memref<128xi32, #tpu.memory_space<vmem>>
          %dma_start3A_88 = arith.constant 0 : i32
          %dma_start3A_89 = tpu.memref_slice %arg29[%dma_start3A_88] : memref<32xf32, #tpu.memory_space<vmem_shared>> -> memref<32xf32, #tpu.memory_space<vmem_shared>>
          tpu.enqueue_indirect_dma source(%dma_start3A : memref<128xf32, #tpu.memory_space<vmem>>) target(%dma_start3A_89 : memref<32xf32, #tpu.memory_space<vmem_shared>>) offsets(%dma_start3A_87 : memref<128xi32, #tpu.memory_space<vmem>>) semaphore(%run_scoped3A : memref<!tpu.dma_semaphore, #tpu.memory_space<semaphore_mem>>) {add = true}
          %dma_wait3A = tpu.memref_slice %arg64[%mul3A_84] : memref<512xf32, #tpu.memory_space<vmem>> -> memref<128xf32, #tpu.memory_space<vmem>>
          %dma_wait3A_90 = arith.constant 0 : i32
          %dma_wait3A_91 = tpu.memref_slice %arg35[%add3A_82, %dma_wait3A_90] : memref<4x128xi32, #tpu.memory_space<vmem>> -> memref<1x128xi32, #tpu.memory_space<vmem>>
          %dma_wait3A_92 = tpu.memref_squeeze %dma_wait3A_91 : memref<1x128xi32, #tpu.memory_space<vmem>> -> memref<128xi32, #tpu.memory_space<vmem>>
          %dma_wait3A_93 = arith.constant 0 : i32
          %dma_wait3A_94 = tpu.memref_slice %arg29[%dma_wait3A_93] : memref<32xf32, #tpu.memory_space<vmem_shared>> -> memref<32xf32, #tpu.memory_space<vmem_shared>>
          tpu.wait_indirect_dma semaphore(%run_scoped3A : memref<!tpu.dma_semaphore, #tpu.memory_space<semaphore_mem>>) src(%dma_wait3A : memref<128xf32, #tpu.memory_space<vmem>>) dst(%dma_wait3A_94 : memref<32xf32, #tpu.memory_space<vmem_shared>>)
          tpu.yield
        }) : () -> ()
        "tpu.region"() ({
          %run_scoped3A = tpu.sem_alloc : memref<!tpu.dma_semaphore, #tpu.memory_space<semaphore_mem>>
          %dma_start3A = tpu.memref_slice %arg65[%mul3A_84] : memref<512xf32, #tpu.memory_space<vmem>> -> memref<128xf32, #tpu.memory_space<vmem>>
          %dma_start3A_85 = arith.constant 0 : i32
          %dma_start3A_86 = tpu.memref_slice %arg35[%add3A_82, %dma_start3A_85] : memref<4x128xi32, #tpu.memory_space<vmem>> -> memref<1x128xi32, #tpu.memory_space<vmem>>
          %dma_start3A_87 = tpu.memref_squeeze %dma_start3A_86 : memref<1x128xi32, #tpu.memory_space<vmem>> -> memref<128xi32, #tpu.memory_space<vmem>>
          %dma_start3A_88 = arith.constant 0 : i32
          %dma_start3A_89 = tpu.memref_slice %arg30[%dma_start3A_88] : memref<32xf32, #tpu.memory_space<vmem_shared>> -> memref<32xf32, #tpu.memory_space<vmem_shared>>
          tpu.enqueue_indirect_dma source(%dma_start3A : memref<128xf32, #tpu.memory_space<vmem>>) target(%dma_start3A_89 : memref<32xf32, #tpu.memory_space<vmem_shared>>) offsets(%dma_start3A_87 : memref<128xi32, #tpu.memory_space<vmem>>) semaphore(%run_scoped3A : memref<!tpu.dma_semaphore, #tpu.memory_space<semaphore_mem>>) {add = true}
          %dma_wait3A = tpu.memref_slice %arg65[%mul3A_84] : memref<512xf32, #tpu.memory_space<vmem>> -> memref<128xf32, #tpu.memory_space<vmem>>
          %dma_wait3A_90 = arith.constant 0 : i32
          %dma_wait3A_91 = tpu.memref_slice %arg35[%add3A_82, %dma_wait3A_90] : memref<4x128xi32, #tpu.memory_space<vmem>> -> memref<1x128xi32, #tpu.memory_space<vmem>>
          %dma_wait3A_92 = tpu.memref_squeeze %dma_wait3A_91 : memref<1x128xi32, #tpu.memory_space<vmem>> -> memref<128xi32, #tpu.memory_space<vmem>>
          %dma_wait3A_93 = arith.constant 0 : i32
          %dma_wait3A_94 = tpu.memref_slice %arg30[%dma_wait3A_93] : memref<32xf32, #tpu.memory_space<vmem_shared>> -> memref<32xf32, #tpu.memory_space<vmem_shared>>
          tpu.wait_indirect_dma semaphore(%run_scoped3A : memref<!tpu.dma_semaphore, #tpu.memory_space<semaphore_mem>>) src(%dma_wait3A : memref<128xf32, #tpu.memory_space<vmem>>) dst(%dma_wait3A_94 : memref<32xf32, #tpu.memory_space<vmem_shared>>)
          tpu.yield
        }) : () -> ()
        "tpu.region"() ({
          %run_scoped3A = tpu.sem_alloc : memref<!tpu.dma_semaphore, #tpu.memory_space<semaphore_mem>>
          %dma_start3A = tpu.memref_slice %arg66[%mul3A_84] : memref<512xf32, #tpu.memory_space<vmem>> -> memref<128xf32, #tpu.memory_space<vmem>>
          %dma_start3A_85 = arith.constant 0 : i32
          %dma_start3A_86 = tpu.memref_slice %arg35[%add3A_82, %dma_start3A_85] : memref<4x128xi32, #tpu.memory_space<vmem>> -> memref<1x128xi32, #tpu.memory_space<vmem>>
          %dma_start3A_87 = tpu.memref_squeeze %dma_start3A_86 : memref<1x128xi32, #tpu.memory_space<vmem>> -> memref<128xi32, #tpu.memory_space<vmem>>
          %dma_start3A_88 = arith.constant 0 : i32
          %dma_start3A_89 = tpu.memref_slice %arg31[%dma_start3A_88] : memref<32xf32, #tpu.memory_space<vmem_shared>> -> memref<32xf32, #tpu.memory_space<vmem_shared>>
          tpu.enqueue_indirect_dma source(%dma_start3A : memref<128xf32, #tpu.memory_space<vmem>>) target(%dma_start3A_89 : memref<32xf32, #tpu.memory_space<vmem_shared>>) offsets(%dma_start3A_87 : memref<128xi32, #tpu.memory_space<vmem>>) semaphore(%run_scoped3A : memref<!tpu.dma_semaphore, #tpu.memory_space<semaphore_mem>>) {add = true}
          %dma_wait3A = tpu.memref_slice %arg66[%mul3A_84] : memref<512xf32, #tpu.memory_space<vmem>> -> memref<128xf32, #tpu.memory_space<vmem>>
          %dma_wait3A_90 = arith.constant 0 : i32
          %dma_wait3A_91 = tpu.memref_slice %arg35[%add3A_82, %dma_wait3A_90] : memref<4x128xi32, #tpu.memory_space<vmem>> -> memref<1x128xi32, #tpu.memory_space<vmem>>
          %dma_wait3A_92 = tpu.memref_squeeze %dma_wait3A_91 : memref<1x128xi32, #tpu.memory_space<vmem>> -> memref<128xi32, #tpu.memory_space<vmem>>
          %dma_wait3A_93 = arith.constant 0 : i32
          %dma_wait3A_94 = tpu.memref_slice %arg31[%dma_wait3A_93] : memref<32xf32, #tpu.memory_space<vmem_shared>> -> memref<32xf32, #tpu.memory_space<vmem_shared>>
          tpu.wait_indirect_dma semaphore(%run_scoped3A : memref<!tpu.dma_semaphore, #tpu.memory_space<semaphore_mem>>) src(%dma_wait3A : memref<128xf32, #tpu.memory_space<vmem>>) dst(%dma_wait3A_94 : memref<32xf32, #tpu.memory_space<vmem_shared>>)
          tpu.yield
        }) : () -> ()
        "tpu.region"() ({
          %run_scoped3A = tpu.sem_alloc : memref<!tpu.dma_semaphore, #tpu.memory_space<semaphore_mem>>
          %dma_start3A = tpu.memref_slice %arg67[%mul3A_84] : memref<512xf32, #tpu.memory_space<vmem>> -> memref<128xf32, #tpu.memory_space<vmem>>
          %dma_start3A_85 = arith.constant 0 : i32
          %dma_start3A_86 = tpu.memref_slice %arg35[%add3A_82, %dma_start3A_85] : memref<4x128xi32, #tpu.memory_space<vmem>> -> memref<1x128xi32, #tpu.memory_space<vmem>>
          %dma_start3A_87 = tpu.memref_squeeze %dma_start3A_86 : memref<1x128xi32, #tpu.memory_space<vmem>> -> memref<128xi32, #tpu.memory_space<vmem>>
          %dma_start3A_88 = arith.constant 0 : i32
          %dma_start3A_89 = tpu.memref_slice %arg32[%dma_start3A_88] : memref<32xf32, #tpu.memory_space<vmem_shared>> -> memref<32xf32, #tpu.memory_space<vmem_shared>>
          tpu.enqueue_indirect_dma source(%dma_start3A : memref<128xf32, #tpu.memory_space<vmem>>) target(%dma_start3A_89 : memref<32xf32, #tpu.memory_space<vmem_shared>>) offsets(%dma_start3A_87 : memref<128xi32, #tpu.memory_space<vmem>>) semaphore(%run_scoped3A : memref<!tpu.dma_semaphore, #tpu.memory_space<semaphore_mem>>) {add = true}
          %dma_wait3A = tpu.memref_slice %arg67[%mul3A_84] : memref<512xf32, #tpu.memory_space<vmem>> -> memref<128xf32, #tpu.memory_space<vmem>>
          %dma_wait3A_90 = arith.constant 0 : i32
          %dma_wait3A_91 = tpu.memref_slice %arg35[%add3A_82, %dma_wait3A_90] : memref<4x128xi32, #tpu.memory_space<vmem>> -> memref<1x128xi32, #tpu.memory_space<vmem>>
          %dma_wait3A_92 = tpu.memref_squeeze %dma_wait3A_91 : memref<1x128xi32, #tpu.memory_space<vmem>> -> memref<128xi32, #tpu.memory_space<vmem>>
          %dma_wait3A_93 = arith.constant 0 : i32
          %dma_wait3A_94 = tpu.memref_slice %arg32[%dma_wait3A_93] : memref<32xf32, #tpu.memory_space<vmem_shared>> -> memref<32xf32, #tpu.memory_space<vmem_shared>>
          tpu.wait_indirect_dma semaphore(%run_scoped3A : memref<!tpu.dma_semaphore, #tpu.memory_space<semaphore_mem>>) src(%dma_wait3A : memref<128xf32, #tpu.memory_space<vmem>>) dst(%dma_wait3A_94 : memref<32xf32, #tpu.memory_space<vmem_shared>>)
          tpu.yield
        }) : () -> ()
      }
      %scan3A_77 = arith.constant 4 : i32
    }
    %scan3A_41 = arith.constant 196 : i32
    %barrier3A_42 = arith.constant 0 : index
    tpu.barrier barrier_id(%barrier3A_42)
    %eq3A_43 = arith.constant 0 : i32
    %eq3A_44 = arith.cmpi eq, %arg1, %eq3A_43 : i32
    %convert_element_type3A_45 = arith.extui %eq3A_44 : i1 to i32
    %cond3A_46 = arith.constant 0 : i32
    %cond3A_47 = arith.cmpi ne, %convert_element_type3A_45, %cond3A_46 : i32
    scf.if %cond3A_47 {
      %mul3A_48 = arith.constant 3 : i32
      %mul3A_49 = arith.muli %arg0, %mul3A_48 : i32
      %add3A_50 = arith.constant 0 : i32
      %add3A_51 = arith.addi %mul3A_49, %add3A_50 : i32
      "tpu.region"() ({
        %run_scoped3A = tpu.sem_alloc : memref<!tpu.dma_semaphore, #tpu.memory_space<semaphore_mem>>
        %dma_start3A = arith.constant 0 : i32
        %dma_start3A_96 = tpu.memref_slice %arg17[%add3A_51, %dma_start3A] : memref<6x100008xf32, #tpu.memory_space<hbm>> -> memref<1x100008xf32, #tpu.memory_space<hbm>>
        %dma_start3A_97 = tpu.memref_squeeze %dma_start3A_96 : memref<1x100008xf32, #tpu.memory_space<hbm>> -> memref<100008xf32, #tpu.memory_space<hbm>>
        tpu.enqueue_dma source(%arg20 : memref<100008xf32, #tpu.memory_space<vmem_shared>>) target(%dma_start3A_97 : memref<100008xf32, #tpu.memory_space<hbm>>) target_semaphore(%run_scoped3A : memref<!tpu.dma_semaphore, #tpu.memory_space<semaphore_mem>>)
        %dma_wait3A = arith.constant 0 : i32
        %dma_wait3A_98 = tpu.memref_slice %arg17[%add3A_51, %dma_wait3A] : memref<6x100008xf32, #tpu.memory_space<hbm>> -> memref<1x100008xf32, #tpu.memory_space<hbm>>
        %dma_wait3A_99 = tpu.memref_squeeze %dma_wait3A_98 : memref<1x100008xf32, #tpu.memory_space<hbm>> -> memref<100008xf32, #tpu.memory_space<hbm>>
        tpu.wait_dma2 semaphore(%run_scoped3A : memref<!tpu.dma_semaphore, #tpu.memory_space<semaphore_mem>>) src(%arg20 : memref<100008xf32, #tpu.memory_space<vmem_shared>>) dst(%dma_wait3A_99 : memref<100008xf32, #tpu.memory_space<hbm>>)
        tpu.yield
      }) : () -> ()
      %mul3A_52 = arith.constant 3 : i32
      %mul3A_53 = arith.muli %arg0, %mul3A_52 : i32
      %add3A_54 = arith.constant 1 : i32
      %add3A_55 = arith.addi %mul3A_53, %add3A_54 : i32
      "tpu.region"() ({
        %run_scoped3A = tpu.sem_alloc : memref<!tpu.dma_semaphore, #tpu.memory_space<semaphore_mem>>
        %dma_start3A = arith.constant 0 : i32
        %dma_start3A_96 = tpu.memref_slice %arg17[%add3A_55, %dma_start3A] : memref<6x100008xf32, #tpu.memory_space<hbm>> -> memref<1x100008xf32, #tpu.memory_space<hbm>>
        %dma_start3A_97 = tpu.memref_squeeze %dma_start3A_96 : memref<1x100008xf32, #tpu.memory_space<hbm>> -> memref<100008xf32, #tpu.memory_space<hbm>>
        tpu.enqueue_dma source(%arg21 : memref<100008xf32, #tpu.memory_space<vmem_shared>>) target(%dma_start3A_97 : memref<100008xf32, #tpu.memory_space<hbm>>) target_semaphore(%run_scoped3A : memref<!tpu.dma_semaphore, #tpu.memory_space<semaphore_mem>>)
        %dma_wait3A = arith.constant 0 : i32
        %dma_wait3A_98 = tpu.memref_slice %arg17[%add3A_55, %dma_wait3A] : memref<6x100008xf32, #tpu.memory_space<hbm>> -> memref<1x100008xf32, #tpu.memory_space<hbm>>
        %dma_wait3A_99 = tpu.memref_squeeze %dma_wait3A_98 : memref<1x100008xf32, #tpu.memory_space<hbm>> -> memref<100008xf32, #tpu.memory_space<hbm>>
        tpu.wait_dma2 semaphore(%run_scoped3A : memref<!tpu.dma_semaphore, #tpu.memory_space<semaphore_mem>>) src(%arg21 : memref<100008xf32, #tpu.memory_space<vmem_shared>>) dst(%dma_wait3A_99 : memref<100008xf32, #tpu.memory_space<hbm>>)
        tpu.yield
      }) : () -> ()
      %mul3A_56 = arith.constant 3 : i32
      %mul3A_57 = arith.muli %arg0, %mul3A_56 : i32
      %add3A_58 = arith.constant 2 : i32
      %add3A_59 = arith.addi %mul3A_57, %add3A_58 : i32
      "tpu.region"() ({
        %run_scoped3A = tpu.sem_alloc : memref<!tpu.dma_semaphore, #tpu.memory_space<semaphore_mem>>
        %dma_start3A = arith.constant 0 : i32
        %dma_start3A_96 = tpu.memref_slice %arg17[%add3A_59, %dma_start3A] : memref<6x100008xf32, #tpu.memory_space<hbm>> -> memref<1x100008xf32, #tpu.memory_space<hbm>>
        %dma_start3A_97 = tpu.memref_squeeze %dma_start3A_96 : memref<1x100008xf32, #tpu.memory_space<hbm>> -> memref<100008xf32, #tpu.memory_space<hbm>>
        tpu.enqueue_dma source(%arg22 : memref<100008xf32, #tpu.memory_space<vmem_shared>>) target(%dma_start3A_97 : memref<100008xf32, #tpu.memory_space<hbm>>) target_semaphore(%run_scoped3A : memref<!tpu.dma_semaphore, #tpu.memory_space<semaphore_mem>>)
        %dma_wait3A = arith.constant 0 : i32
        %dma_wait3A_98 = tpu.memref_slice %arg17[%add3A_59, %dma_wait3A] : memref<6x100008xf32, #tpu.memory_space<hbm>> -> memref<1x100008xf32, #tpu.memory_space<hbm>>
        %dma_wait3A_99 = tpu.memref_squeeze %dma_wait3A_98 : memref<1x100008xf32, #tpu.memory_space<hbm>> -> memref<100008xf32, #tpu.memory_space<hbm>>
        tpu.wait_dma2 semaphore(%run_scoped3A : memref<!tpu.dma_semaphore, #tpu.memory_space<semaphore_mem>>) src(%arg22 : memref<100008xf32, #tpu.memory_space<vmem_shared>>) dst(%dma_wait3A_99 : memref<100008xf32, #tpu.memory_space<hbm>>)
        tpu.yield
      }) : () -> ()
      "tpu.region"() ({
        %run_scoped3A = tpu.sem_alloc : memref<!tpu.dma_semaphore, #tpu.memory_space<semaphore_mem>>
        %dma_start3A = arith.constant 0 : i32
        %dma_start3A_96 = tpu.memref_slice %arg18[%arg0, %dma_start3A] : memref<2x32xf32, #tpu.memory_space<hbm>> -> memref<1x32xf32, #tpu.memory_space<hbm>>
        %dma_start3A_97 = tpu.memref_squeeze %dma_start3A_96 : memref<1x32xf32, #tpu.memory_space<hbm>> -> memref<32xf32, #tpu.memory_space<hbm>>
        tpu.enqueue_dma source(%arg23 : memref<32xf32, #tpu.memory_space<vmem_shared>>) target(%dma_start3A_97 : memref<32xf32, #tpu.memory_space<hbm>>) target_semaphore(%run_scoped3A : memref<!tpu.dma_semaphore, #tpu.memory_space<semaphore_mem>>)
        %dma_wait3A = arith.constant 0 : i32
        %dma_wait3A_98 = tpu.memref_slice %arg18[%arg0, %dma_wait3A] : memref<2x32xf32, #tpu.memory_space<hbm>> -> memref<1x32xf32, #tpu.memory_space<hbm>>
        %dma_wait3A_99 = tpu.memref_squeeze %dma_wait3A_98 : memref<1x32xf32, #tpu.memory_space<hbm>> -> memref<32xf32, #tpu.memory_space<hbm>>
        tpu.wait_dma2 semaphore(%run_scoped3A : memref<!tpu.dma_semaphore, #tpu.memory_space<semaphore_mem>>) src(%arg23 : memref<32xf32, #tpu.memory_space<vmem_shared>>) dst(%dma_wait3A_99 : memref<32xf32, #tpu.memory_space<hbm>>)
        tpu.yield
      }) : () -> ()
      %mul3A_60 = arith.constant 9 : i32
      %mul3A_61 = arith.muli %arg0, %mul3A_60 : i32
      %add3A_62 = arith.constant 0 : i32
      %add3A_63 = arith.addi %mul3A_61, %add3A_62 : i32
      "tpu.region"() ({
        %run_scoped3A = tpu.sem_alloc : memref<!tpu.dma_semaphore, #tpu.memory_space<semaphore_mem>>
        %dma_start3A = arith.constant 0 : i32
        %dma_start3A_96 = tpu.memref_slice %arg19[%add3A_63, %dma_start3A] : memref<18x32xf32, #tpu.memory_space<hbm>> -> memref<1x32xf32, #tpu.memory_space<hbm>>
        %dma_start3A_97 = tpu.memref_squeeze %dma_start3A_96 : memref<1x32xf32, #tpu.memory_space<hbm>> -> memref<32xf32, #tpu.memory_space<hbm>>
        tpu.enqueue_dma source(%arg24 : memref<32xf32, #tpu.memory_space<vmem_shared>>) target(%dma_start3A_97 : memref<32xf32, #tpu.memory_space<hbm>>) target_semaphore(%run_scoped3A : memref<!tpu.dma_semaphore, #tpu.memory_space<semaphore_mem>>)
        %dma_wait3A = arith.constant 0 : i32
        %dma_wait3A_98 = tpu.memref_slice %arg19[%add3A_63, %dma_wait3A] : memref<18x32xf32, #tpu.memory_space<hbm>> -> memref<1x32xf32, #tpu.memory_space<hbm>>
        %dma_wait3A_99 = tpu.memref_squeeze %dma_wait3A_98 : memref<1x32xf32, #tpu.memory_space<hbm>> -> memref<32xf32, #tpu.memory_space<hbm>>
        tpu.wait_dma2 semaphore(%run_scoped3A : memref<!tpu.dma_semaphore, #tpu.memory_space<semaphore_mem>>) src(%arg24 : memref<32xf32, #tpu.memory_space<vmem_shared>>) dst(%dma_wait3A_99 : memref<32xf32, #tpu.memory_space<hbm>>)
        tpu.yield
      }) : () -> ()
      %mul3A_64 = arith.constant 9 : i32
      %mul3A_65 = arith.muli %arg0, %mul3A_64 : i32
      %add3A_66 = arith.constant 1 : i32
      %add3A_67 = arith.addi %mul3A_65, %add3A_66 : i32
      "tpu.region"() ({
        %run_scoped3A = tpu.sem_alloc : memref<!tpu.dma_semaphore, #tpu.memory_space<semaphore_mem>>
        %dma_start3A = arith.constant 0 : i32
        %dma_start3A_96 = tpu.memref_slice %arg19[%add3A_67, %dma_start3A] : memref<18x32xf32, #tpu.memory_space<hbm>> -> memref<1x32xf32, #tpu.memory_space<hbm>>
        %dma_start3A_97 = tpu.memref_squeeze %dma_start3A_96 : memref<1x32xf32, #tpu.memory_space<hbm>> -> memref<32xf32, #tpu.memory_space<hbm>>
        tpu.enqueue_dma source(%arg25 : memref<32xf32, #tpu.memory_space<vmem_shared>>) target(%dma_start3A_97 : memref<32xf32, #tpu.memory_space<hbm>>) target_semaphore(%run_scoped3A : memref<!tpu.dma_semaphore, #tpu.memory_space<semaphore_mem>>)
        %dma_wait3A = arith.constant 0 : i32
        %dma_wait3A_98 = tpu.memref_slice %arg19[%add3A_67, %dma_wait3A] : memref<18x32xf32, #tpu.memory_space<hbm>> -> memref<1x32xf32, #tpu.memory_space<hbm>>
        %dma_wait3A_99 = tpu.memref_squeeze %dma_wait3A_98 : memref<1x32xf32, #tpu.memory_space<hbm>> -> memref<32xf32, #tpu.memory_space<hbm>>
        tpu.wait_dma2 semaphore(%run_scoped3A : memref<!tpu.dma_semaphore, #tpu.memory_space<semaphore_mem>>) src(%arg25 : memref<32xf32, #tpu.memory_space<vmem_shared>>) dst(%dma_wait3A_99 : memref<32xf32, #tpu.memory_space<hbm>>)
        tpu.yield
      }) : () -> ()
      %mul3A_68 = arith.constant 9 : i32
      %mul3A_69 = arith.muli %arg0, %mul3A_68 : i32
      %add3A_70 = arith.constant 2 : i32
      %add3A_71 = arith.addi %mul3A_69, %add3A_70 : i32
      "tpu.region"() ({
        %run_scoped3A = tpu.sem_alloc : memref<!tpu.dma_semaphore, #tpu.memory_space<semaphore_mem>>
        %dma_start3A = arith.constant 0 : i32
        %dma_start3A_96 = tpu.memref_slice %arg19[%add3A_71, %dma_start3A] : memref<18x32xf32, #tpu.memory_space<hbm>> -> memref<1x32xf32, #tpu.memory_space<hbm>>
        %dma_start3A_97 = tpu.memref_squeeze %dma_start3A_96 : memref<1x32xf32, #tpu.memory_space<hbm>> -> memref<32xf32, #tpu.memory_space<hbm>>
        tpu.enqueue_dma source(%arg26 : memref<32xf32, #tpu.memory_space<vmem_shared>>) target(%dma_start3A_97 : memref<32xf32, #tpu.memory_space<hbm>>) target_semaphore(%run_scoped3A : memref<!tpu.dma_semaphore, #tpu.memory_space<semaphore_mem>>)
        %dma_wait3A = arith.constant 0 : i32
        %dma_wait3A_98 = tpu.memref_slice %arg19[%add3A_71, %dma_wait3A] : memref<18x32xf32, #tpu.memory_space<hbm>> -> memref<1x32xf32, #tpu.memory_space<hbm>>
        %dma_wait3A_99 = tpu.memref_squeeze %dma_wait3A_98 : memref<1x32xf32, #tpu.memory_space<hbm>> -> memref<32xf32, #tpu.memory_space<hbm>>
        tpu.wait_dma2 semaphore(%run_scoped3A : memref<!tpu.dma_semaphore, #tpu.memory_space<semaphore_mem>>) src(%arg26 : memref<32xf32, #tpu.memory_space<vmem_shared>>) dst(%dma_wait3A_99 : memref<32xf32, #tpu.memory_space<hbm>>)
        tpu.yield
      }) : () -> ()
      %mul3A_72 = arith.constant 9 : i32
      %mul3A_73 = arith.muli %arg0, %mul3A_72 : i32
      %add3A_74 = arith.constant 3 : i32
      %add3A_75 = arith.addi %mul3A_73, %add3A_74 : i32
      "tpu.region"() ({
        %run_scoped3A = tpu.sem_alloc : memref<!tpu.dma_semaphore, #tpu.memory_space<semaphore_mem>>
        %dma_start3A = arith.constant 0 : i32
        %dma_start3A_96 = tpu.memref_slice %arg19[%add3A_75, %dma_start3A] : memref<18x32xf32, #tpu.memory_space<hbm>> -> memref<1x32xf32, #tpu.memory_space<hbm>>
        %dma_start3A_97 = tpu.memref_squeeze %dma_start3A_96 : memref<1x32xf32, #tpu.memory_space<hbm>> -> memref<32xf32, #tpu.memory_space<hbm>>
        tpu.enqueue_dma source(%arg27 : memref<32xf32, #tpu.memory_space<vmem_shared>>) target(%dma_start3A_97 : memref<32xf32, #tpu.memory_space<hbm>>) target_semaphore(%run_scoped3A : memref<!tpu.dma_semaphore, #tpu.memory_space<semaphore_mem>>)
        %dma_wait3A = arith.constant 0 : i32
        %dma_wait3A_98 = tpu.memref_slice %arg19[%add3A_75, %dma_wait3A] : memref<18x32xf32, #tpu.memory_space<hbm>> -> memref<1x32xf32, #tpu.memory_space<hbm>>
        %dma_wait3A_99 = tpu.memref_squeeze %dma_wait3A_98 : memref<1x32xf32, #tpu.memory_space<hbm>> -> memref<32xf32, #tpu.memory_space<hbm>>
        tpu.wait_dma2 semaphore(%run_scoped3A : memref<!tpu.dma_semaphore, #tpu.memory_space<semaphore_mem>>) src(%arg27 : memref<32xf32, #tpu.memory_space<vmem_shared>>) dst(%dma_wait3A_99 : memref<32xf32, #tpu.memory_space<hbm>>)
        tpu.yield
      }) : () -> ()
      %mul3A_76 = arith.constant 9 : i32
      %mul3A_77 = arith.muli %arg0, %mul3A_76 : i32
      %add3A_78 = arith.constant 4 : i32
      %add3A_79 = arith.addi %mul3A_77, %add3A_78 : i32
      "tpu.region"() ({
        %run_scoped3A = tpu.sem_alloc : memref<!tpu.dma_semaphore, #tpu.memory_space<semaphore_mem>>
        %dma_start3A = arith.constant 0 : i32
        %dma_start3A_96 = tpu.memref_slice %arg19[%add3A_79, %dma_start3A] : memref<18x32xf32, #tpu.memory_space<hbm>> -> memref<1x32xf32, #tpu.memory_space<hbm>>
        %dma_start3A_97 = tpu.memref_squeeze %dma_start3A_96 : memref<1x32xf32, #tpu.memory_space<hbm>> -> memref<32xf32, #tpu.memory_space<hbm>>
        tpu.enqueue_dma source(%arg28 : memref<32xf32, #tpu.memory_space<vmem_shared>>) target(%dma_start3A_97 : memref<32xf32, #tpu.memory_space<hbm>>) target_semaphore(%run_scoped3A : memref<!tpu.dma_semaphore, #tpu.memory_space<semaphore_mem>>)
        %dma_wait3A = arith.constant 0 : i32
        %dma_wait3A_98 = tpu.memref_slice %arg19[%add3A_79, %dma_wait3A] : memref<18x32xf32, #tpu.memory_space<hbm>> -> memref<1x32xf32, #tpu.memory_space<hbm>>
        %dma_wait3A_99 = tpu.memref_squeeze %dma_wait3A_98 : memref<1x32xf32, #tpu.memory_space<hbm>> -> memref<32xf32, #tpu.memory_space<hbm>>
        tpu.wait_dma2 semaphore(%run_scoped3A : memref<!tpu.dma_semaphore, #tpu.memory_space<semaphore_mem>>) src(%arg28 : memref<32xf32, #tpu.memory_space<vmem_shared>>) dst(%dma_wait3A_99 : memref<32xf32, #tpu.memory_space<hbm>>)
        tpu.yield
      }) : () -> ()
      %mul3A_80 = arith.constant 9 : i32
      %mul3A_81 = arith.muli %arg0, %mul3A_80 : i32
      %add3A_82 = arith.constant 5 : i32
      %add3A_83 = arith.addi %mul3A_81, %add3A_82 : i32
      "tpu.region"() ({
        %run_scoped3A = tpu.sem_alloc : memref<!tpu.dma_semaphore, #tpu.memory_space<semaphore_mem>>
        %dma_start3A = arith.constant 0 : i32
        %dma_start3A_96 = tpu.memref_slice %arg19[%add3A_83, %dma_start3A] : memref<18x32xf32, #tpu.memory_space<hbm>> -> memref<1x32xf32, #tpu.memory_space<hbm>>
        %dma_start3A_97 = tpu.memref_squeeze %dma_start3A_96 : memref<1x32xf32, #tpu.memory_space<hbm>> -> memref<32xf32, #tpu.memory_space<hbm>>
        tpu.enqueue_dma source(%arg29 : memref<32xf32, #tpu.memory_space<vmem_shared>>) target(%dma_start3A_97 : memref<32xf32, #tpu.memory_space<hbm>>) target_semaphore(%run_scoped3A : memref<!tpu.dma_semaphore, #tpu.memory_space<semaphore_mem>>)
        %dma_wait3A = arith.constant 0 : i32
        %dma_wait3A_98 = tpu.memref_slice %arg19[%add3A_83, %dma_wait3A] : memref<18x32xf32, #tpu.memory_space<hbm>> -> memref<1x32xf32, #tpu.memory_space<hbm>>
        %dma_wait3A_99 = tpu.memref_squeeze %dma_wait3A_98 : memref<1x32xf32, #tpu.memory_space<hbm>> -> memref<32xf32, #tpu.memory_space<hbm>>
        tpu.wait_dma2 semaphore(%run_scoped3A : memref<!tpu.dma_semaphore, #tpu.memory_space<semaphore_mem>>) src(%arg29 : memref<32xf32, #tpu.memory_space<vmem_shared>>) dst(%dma_wait3A_99 : memref<32xf32, #tpu.memory_space<hbm>>)
        tpu.yield
      }) : () -> ()
      %mul3A_84 = arith.constant 9 : i32
      %mul3A_85 = arith.muli %arg0, %mul3A_84 : i32
      %add3A_86 = arith.constant 6 : i32
      %add3A_87 = arith.addi %mul3A_85, %add3A_86 : i32
      "tpu.region"() ({
        %run_scoped3A = tpu.sem_alloc : memref<!tpu.dma_semaphore, #tpu.memory_space<semaphore_mem>>
        %dma_start3A = arith.constant 0 : i32
        %dma_start3A_96 = tpu.memref_slice %arg19[%add3A_87, %dma_start3A] : memref<18x32xf32, #tpu.memory_space<hbm>> -> memref<1x32xf32, #tpu.memory_space<hbm>>
        %dma_start3A_97 = tpu.memref_squeeze %dma_start3A_96 : memref<1x32xf32, #tpu.memory_space<hbm>> -> memref<32xf32, #tpu.memory_space<hbm>>
        tpu.enqueue_dma source(%arg30 : memref<32xf32, #tpu.memory_space<vmem_shared>>) target(%dma_start3A_97 : memref<32xf32, #tpu.memory_space<hbm>>) target_semaphore(%run_scoped3A : memref<!tpu.dma_semaphore, #tpu.memory_space<semaphore_mem>>)
        %dma_wait3A = arith.constant 0 : i32
        %dma_wait3A_98 = tpu.memref_slice %arg19[%add3A_87, %dma_wait3A] : memref<18x32xf32, #tpu.memory_space<hbm>> -> memref<1x32xf32, #tpu.memory_space<hbm>>
        %dma_wait3A_99 = tpu.memref_squeeze %dma_wait3A_98 : memref<1x32xf32, #tpu.memory_space<hbm>> -> memref<32xf32, #tpu.memory_space<hbm>>
        tpu.wait_dma2 semaphore(%run_scoped3A : memref<!tpu.dma_semaphore, #tpu.memory_space<semaphore_mem>>) src(%arg30 : memref<32xf32, #tpu.memory_space<vmem_shared>>) dst(%dma_wait3A_99 : memref<32xf32, #tpu.memory_space<hbm>>)
        tpu.yield
      }) : () -> ()
      %mul3A_88 = arith.constant 9 : i32
      %mul3A_89 = arith.muli %arg0, %mul3A_88 : i32
      %add3A_90 = arith.constant 7 : i32
      %add3A_91 = arith.addi %mul3A_89, %add3A_90 : i32
      "tpu.region"() ({
        %run_scoped3A = tpu.sem_alloc : memref<!tpu.dma_semaphore, #tpu.memory_space<semaphore_mem>>
        %dma_start3A = arith.constant 0 : i32
        %dma_start3A_96 = tpu.memref_slice %arg19[%add3A_91, %dma_start3A] : memref<18x32xf32, #tpu.memory_space<hbm>> -> memref<1x32xf32, #tpu.memory_space<hbm>>
        %dma_start3A_97 = tpu.memref_squeeze %dma_start3A_96 : memref<1x32xf32, #tpu.memory_space<hbm>> -> memref<32xf32, #tpu.memory_space<hbm>>
        tpu.enqueue_dma source(%arg31 : memref<32xf32, #tpu.memory_space<vmem_shared>>) target(%dma_start3A_97 : memref<32xf32, #tpu.memory_space<hbm>>) target_semaphore(%run_scoped3A : memref<!tpu.dma_semaphore, #tpu.memory_space<semaphore_mem>>)
        %dma_wait3A = arith.constant 0 : i32
        %dma_wait3A_98 = tpu.memref_slice %arg19[%add3A_91, %dma_wait3A] : memref<18x32xf32, #tpu.memory_space<hbm>> -> memref<1x32xf32, #tpu.memory_space<hbm>>
        %dma_wait3A_99 = tpu.memref_squeeze %dma_wait3A_98 : memref<1x32xf32, #tpu.memory_space<hbm>> -> memref<32xf32, #tpu.memory_space<hbm>>
        tpu.wait_dma2 semaphore(%run_scoped3A : memref<!tpu.dma_semaphore, #tpu.memory_space<semaphore_mem>>) src(%arg31 : memref<32xf32, #tpu.memory_space<vmem_shared>>) dst(%dma_wait3A_99 : memref<32xf32, #tpu.memory_space<hbm>>)
        tpu.yield
      }) : () -> ()
      %mul3A_92 = arith.constant 9 : i32
      %mul3A_93 = arith.muli %arg0, %mul3A_92 : i32
      %add3A_94 = arith.constant 8 : i32
      %add3A_95 = arith.addi %mul3A_93, %add3A_94 : i32
      "tpu.region"() ({
        %run_scoped3A = tpu.sem_alloc : memref<!tpu.dma_semaphore, #tpu.memory_space<semaphore_mem>>
        %dma_start3A = arith.constant 0 : i32
        %dma_start3A_96 = tpu.memref_slice %arg19[%add3A_95, %dma_start3A] : memref<18x32xf32, #tpu.memory_space<hbm>> -> memref<1x32xf32, #tpu.memory_space<hbm>>
        %dma_start3A_97 = tpu.memref_squeeze %dma_start3A_96 : memref<1x32xf32, #tpu.memory_space<hbm>> -> memref<32xf32, #tpu.memory_space<hbm>>
        tpu.enqueue_dma source(%arg32 : memref<32xf32, #tpu.memory_space<vmem_shared>>) target(%dma_start3A_97 : memref<32xf32, #tpu.memory_space<hbm>>) target_semaphore(%run_scoped3A : memref<!tpu.dma_semaphore, #tpu.memory_space<semaphore_mem>>)
        %dma_wait3A = arith.constant 0 : i32
        %dma_wait3A_98 = tpu.memref_slice %arg19[%add3A_95, %dma_wait3A] : memref<18x32xf32, #tpu.memory_space<hbm>> -> memref<1x32xf32, #tpu.memory_space<hbm>>
        %dma_wait3A_99 = tpu.memref_squeeze %dma_wait3A_98 : memref<1x32xf32, #tpu.memory_space<hbm>> -> memref<32xf32, #tpu.memory_space<hbm>>
        tpu.wait_dma2 semaphore(%run_scoped3A : memref<!tpu.dma_semaphore, #tpu.memory_space<semaphore_mem>>) src(%arg32 : memref<32xf32, #tpu.memory_space<vmem_shared>>) dst(%dma_wait3A_99 : memref<32xf32, #tpu.memory_space<hbm>>)
        tpu.yield
      }) : () -> ()
    } else {
    }
    return
  }
}

</mosaic_0001>

<sc_bundles>
// kernel: kernel.3.cloned.1.call-start
scs
__scs_entry_jumppad:
0x0: {  	(pc) =	sbr.rel $0x88, $3  }
0x1: {  	(tag) =	ssettag $0x0;
	lr =	simm.s32 $0x1  }
0x2: {  	[smem:$0x3F95] =	sst lr;
	_ =	strace $0xD0000000  }
0x3: {  	_ = 	snop  }
0x4: {  	_ = 	snop  }
0x5: {  	_ = 	snop  }
0x6: {  	_ = 	snop  }
0x7: {  	_ = 	snop  }
__scs_overlays_trampoline_lowered:
0x8: {  	[smem:$0x3FA4] =	sst s0  }
0x9: {  	[smem:$0x3FA5] =	sst s1  }
0xa: {  	[smem:$0x3FA6] =	sst s2  }
0xb: {  	[smem:$0x3FA7] =	sst s3  }
0xc: {  	[smem:$0x3FA8] =	sst s4  }
0xd: {  	[smem:$0x3FA9] =	sst s5  }
0xe: {  	[smem:$0x3FAA] =	sst s6  }
0xf: {  	[smem:$0x3FAB] =	sst s7  }
0x10: {  	[smem:$0x3FAC] =	sst s8  }
0x11: {  	[smem:$0x3FAD] =	sst s9;
	s0 =	simm.s32 @!p0 $0x0  }
0x12: {  	s1 =	sld [smem:$0x3F93];
	s0 =	simm.s32 @p0 $0x1  }
0x13: {  	[smem:$0x3FAE] =	sst s0;
	s0 =	simm.s32 @!p1 $0x0  }
0x14: {  	s2 =	sld [smem:$0x3F92];
	s0 =	simm.s32 @p1 $0x1  }
0x15: {  	[smem:$0x3FAF] =	sst s0;
	s0 =	simm.s32 @!p2 $0x0  }
0x16: {  	s3 =	sld [smem:$0x3FDB];
	s0 =	simm.s32 @p2 $0x1  }
0x17: {  	s4 =	simm.s32 $0x1BF5;
	[smem:$0x3FB1] =	sst s0  }
0x18: {  	s0 =	sld [smem:$0x3F94];
	_ =	swait.ge [sflag:s4], $0x0  }
0x19: {  	s7 =	sld [smem:$0x3F95]  }
0x1a: {  	s8 =	sadd.s32 $0xFFFFE003, lr  }
0x1b: {  	s9 =	sadd.s32 $0xFFFFFEF7, lr;
	s5 =	simm.s32 $0xFFFFFFFF;
	p2 =	slt.u32 s8, $0xFFFFF086  }
0x1c: {  	p1 =	slt.u32 s9, $0xF7A;
	s5 =	simm.s32 @!p2 $0x0  }
0x1d: {  	s5 =	simm.s32 @p1 $0x1;
	p0 =	seq.s32 s7, s2  }
0x1e: {  	s7 =	smul.u32 @!p0 $0xF7A, s2;
	p2 =	seq.s32 @!p0 s5, $0x0  }
0x1f: {  	s9 =	smul.u32 $0xF7A, s1;
	s8 =	simm.s32 @!p0 $0x1BF5;
	p2 =	por !p2, p0  }
0x20: {  	[sflag:s8] =	ssyncset.s32 @!p0 $0xFFFFF086;
	s6 =	sadd.s32 @!p0 s3, s7;
	s7 =	simm.s32 @!p0 $0x108  }
0x21: {  	s3 =	sadd.s32 s3, s9;
	s6 =	sadd.s32 @!p0 $0x88, s6;
	s7 =	simm.s32 @p2 $0x1082  }
0x22: {  	[simem:s7], [sflag:s8] =	dma.local @!p0 [hbm:s6], $0xF7A  }
0x23: {  	s9 =	sor.u32 $0xD0000000, s2;
	s6 =	simm.s32 $0x108;
	_ =	swait.ge @!p0 [sflag:s8], $0x0  }
0x24: {  	s3 =	sadd.s32 $0x88, s3;
	s6 =	simm.s32 @!p1 $0x1082;
	[sflag:s4] =	ssyncset.s32 $0xFFFFF086  }
0x25: {  	[simem:s6], [sflag:s4] =	dma.local [hbm:s3], $0xF7A  }
0x26: {  	[smem:$0x3F95] =	sst s1;
	(tag) =	ssettag s2;
	_ =	strace s9  }
0x27: {  	s1 =	sld [smem:$0x3FA5]  }
0x28: {  	s2 =	sld [smem:$0x3FA6]  }
0x29: {  	s4 =	sld [smem:$0x3FA8]  }
0x2a: {  	p0 =	seq.s32 s5, $0x0;
	s5 =	sld [smem:$0x3FA9]  }
0x2b: {  	s6 =	sld [smem:$0x3FAA]  }
0x2c: {  	s7 =	sld [smem:$0x3FAB]  }
0x2d: {  	s3 =	simm.s32 $0x108;
	s8 =	sld [smem:$0x3FAC]  }
0x2e: {  	s3 =	simm.s32 @!p0 $0x1082;
	s9 =	sld [smem:$0x3FAD]  }
0x2f: {  	lr =	sadd.s32 s0, s3;
	s0 =	sld [smem:$0x3FA4]  }
0x30: {  	s3 =	sld [smem:$0x3FA7]  }
0x31: {  	[smem:$0x3FB0] =	sst s10  }
0x32: {  	s10 =	sld [smem:$0x3FAE];
	_ =	sdelay $0x3  }
0x33: {  	p0 =	seq.s32 s10, $0x1;
	s10 =	sld [smem:$0x3FB0];
	_ =	sdelay $0x3  }
0x34: {  	[smem:$0x3FB0] =	sst s10  }
0x35: {  	s10 =	sld [smem:$0x3FAF];
	_ =	sdelay $0x3  }
0x36: {  	p1 =	seq.s32 s10, $0x1;
	s10 =	sld [smem:$0x3FB0];
	_ =	sdelay $0x3  }
0x37: {  	[smem:$0x3FB0] =	sst s10  }
0x38: {  	s10 =	sld [smem:$0x3FB1]  }
0x39: {  	_ = 	snop;
	(pc) =	sbr.ind lr, $3  }
0x3a: {  	_ = 	snop  }
0x3b: {  	_ = 	snop  }
0x3c: {  	p2 =	seq.s32 s10, $0x1;
	s10 =	sld [smem:$0x3FB0]  }
0x3d: {  	_ =	shalt  }
0x3e: {  	_ =	shalt  }
0x3f: {  	_ =	shalt  }
0x40: {  	_ =	shalt  }
0x41: {  	_ =	shalt  }
0x42: {  	_ =	shalt  }
0x43: {  	_ =	shalt  }
0x44: {  	_ =	shalt  }
0x45: {  	_ =	shalt  }
0x46: {  	_ =	shalt  }
0x47: {  	_ =	shalt  }
0x48: {  	_ =	shalt  }
0x49: {  	_ =	shalt  }
0x4a: {  	_ =	shalt  }
0x4b: {  	_ =	shalt  }
0x4c: {  	_ =	shalt  }
0x4d: {  	_ =	shalt  }
0x4e: {  	_ =	shalt  }
0x4f: {  	_ =	shalt  }
0x50: {  	_ =	shalt  }
0x51: {  	_ =	shalt  }
0x52: {  	_ =	shalt  }
0x53: {  	_ =	shalt  }
0x54: {  	_ =	shalt  }
0x55: {  	_ =	shalt  }
0x56: {  	_ =	shalt  }
0x57: {  	_ =	shalt  }
0x58: {  	_ =	shalt  }
0x59: {  	_ =	shalt  }
0x5a: {  	_ =	shalt  }
0x5b: {  	_ =	shalt  }
0x5c: {  	_ =	shalt  }
0x5d: {  	_ =	shalt  }
0x5e: {  	_ =	shalt  }
0x5f: {  	_ =	shalt  }
0x60: {  	_ =	shalt  }
0x61: {  	_ =	shalt  }
0x62: {  	_ =	shalt  }
0x63: {  	_ =	shalt  }
0x64: {  	_ =	shalt  }
0x65: {  	_ =	shalt  }
0x66: {  	_ =	shalt  }
0x67: {  	_ =	shalt  }
0x68: {  	_ =	shalt  }
0x69: {  	_ =	shalt  }
0x6a: {  	_ =	shalt  }
0x6b: {  	_ =	shalt  }
0x6c: {  	_ =	shalt  }
0x6d: {  	_ =	shalt  }
0x6e: {  	_ =	shalt  }
0x6f: {  	_ =	shalt  }
0x70: {  	_ =	shalt  }
0x71: {  	_ =	shalt  }
0x72: {  	_ =	shalt  }
0x73: {  	_ =	shalt  }
0x74: {  	_ =	shalt  }
0x75: {  	_ =	shalt  }
0x76: {  	_ =	shalt  }
0x77: {  	_ =	shalt  }
0x78: {  	_ =	shalt  }
0x79: {  	_ =	shalt  }
0x7a: {  	_ =	shalt  }
0x7b: {  	_ =	shalt  }
0x7c: {  	_ =	shalt  }
0x7d: {  	_ =	shalt  }
0x7e: {  	_ =	shalt  }
0x7f: {  	_ =	shalt  }
0x80: {  	_ =	shalt  }
0x81: {  	_ =	shalt  }
0x82: {  	_ =	shalt  }
0x83: {  	_ =	shalt  }
0x84: {  	_ =	shalt  }
0x85: {  	_ =	shalt  }
0x86: {  	_ =	shalt  }
0x87: {  	_ =	shalt  }
.Lfunc_end0:
.L_simem_size_0:
called_computation_lowered:
.L_overlay_start_0:
0x88: {  	s2 =	sld [smem:$0x3FD9]  }
0x89: {  	s3 =	sld [smem:$0x3FFE];
	_ =	sdelay $0x1  }
0x8a: {  	s1 =	srdreg.scid  }
0x8b: {  	s0 =	sand.u32 $0x1, s1  }
0x8c: {  	s9 =	sshll.u32 s0, $0xA;
	s2 =	sadd.s32 s3, s2  }
0x8d: {  	s2 =	sadd.s32 s2, s9  }
0x8e: {  	[smem:$0x3FBC] =	sst s2  }
0x8f: {  	_ = 	snop  }
0x90: {  	s2 =	sld [smem:$0x3FD0];
	_ =	sdelay $0x2  }
0x91: {  	s10 =	simm.s32 $0xA;
	s4 =	simm.s32 $0x10  }
0x92: {  	[smem:s4], [sflag:s10] =	dma.local [hbm:s2], $0x1  }
0x93: {  	_ =	swait.eq [sflag:s10], $0x1  }
0x94: {  	s11 =	sld [smem:$0x10];
	[sflag:s10] =	ssyncset.done $0x0  }
0x95: {  	s12 =	sld [smem:$0x11];
	[sflag:s10] =	ssyncadd.s32 $0xFFFFFFFF  }
0x96: {  	s5 =	sld [smem:$0x12];
	(tm) =	ssettm $0x1  }
0x97: {  	s13 =	sld [smem:$0x3FFB];
	_ =	sdelay $0x3  }
0x98: {  	_ =	strace s13  }
0x99: {  	s3 =	sld [smem:$0x3FFC];
	_ =	sdelay $0x3  }
0x9a: {  	_ =	strace s3  }
0x9b: {  	s3 =	sld [smem:$0x3FFD];
	_ =	sdelay $0x3  }
0x9c: {  	_ =	strace s3  }
0x9d: {  	_ =	strace $0x8FFFFFFF  }
0x9e: {  	s14 =	sld [smem:$0x3FDB];
	_ =	sdelay $0x1  }
0x9f: {  	s6 =	simm.s32 $_scs_section_size  }
0xa0: {  	s7 =	simm.s32 $_size__tile_task_arg_handler_lowered;
	s8 =	simm.s32 $_tile_task_arg_handler_lowered  }
0xa1: {  	s17 =	simm.s32 $0x1BFF;
	s16 =	sshll.u32 s8, $0x1;
	s6 =	sadd.s32 s6, s14  }
0xa2: {  	s15 =	sshll.u32 s7, $0x1;
	s9 =	simm.s32 $0x60;
	s7 =	sadd.s32 s16, s6  }
0xa3: {  	[timem:s9], [sflag:s17] =	dma.local [hbm:s7], s15  }
0xa4: {  	_ =	swait.ge [sflag:s17], s15  }
0xa5: {  	s18 =	simm.s32 $_tile_overlayer_lowered;
	s3 =	ssub.s32 $0x0, s15;
	[sflag:s17] =	ssyncset.done $0x0  }
0xa6: {  	s19 =	simm.s32 $_size__tile_overlayer_lowered;
	s7 =	sshll.u32 s18, $0x1;
	[sflag:s17] =	ssyncadd.s32 s3  }
0xa7: {  	s21 =	simm.s32 $0x0;
	s20 =	sshll.u32 s19, $0x1;
	s7 =	sadd.s32 s7, s6  }
0xa8: {  	[timem:s21], [sflag:s17] =	dma.local [hbm:s7], s20  }
0xa9: {  	_ =	swait.ge [sflag:s17], s20  }
0xaa: {  	s22 =	ssub.s32 $0x0, s20;
	[sflag:s17] =	ssyncset.done $0x0  }
0xab: {  	[sflag:s17] =	ssyncadd.s32 s22;
	_ =	sdelay $0x1  }
0xac: {  	s23 =	simm.s32 $0x1B8B  }
0xad: {  	_ =	swait.ge [sflag:s23], $0x1  }
0xae: {  	[sflag:s23] =	ssyncset.done $0x0  }
0xaf: {  	s25 =	simm.s32 $0x1B8E;
	s24 =	sld [smem:$0x3FFE];
	[sflag:s23] =	ssyncadd.s32 $0xFFFFFFFF  }
0xb0: {  	s26 =	simm.s32 $execute0_lowered;
	[smem:$0x3FD2] =	sst s25  }
0xb1: {  	s8 =	sshll.u32 s26, $0x1;
	_ =	strace $0x80000046;
	[dreg:$0x1] =	wrdreg $0xFFFFFFFF  }
0xb2: {  	s28 =	simm.s32 $_size_execute0_lowered;
	s6 =	sadd.s32 s6, s8;
	[dreg:$0x0] =	wrdreg $0x0  }
0xb3: {  	s8 =	sshll.u32 s28, $0x1;
	[dreg:$0x2] =	wrdreg s6  }
0xb4: {  	[dreg:$0x3] =	wrdreg s8  }
0xb5: {  	[dreg:$0x4] =	wrdreg $0xC0  }
0xb6: {  	_ =	task [dreg:s21], $0x5FFFF  }
0xb7: {  	[dreg:$0x1] =	wrdreg $0xFFFFFFFF  }
0xb8: {  	[dreg:$0x0] =	wrdreg $0x30  }
0xb9: {  	[dreg:$0x2] =	wrdreg $0x0  }
0xba: {  	[dreg:$0x3] =	wrdreg $0x49880  }
0xbb: {  	[dreg:$0x4] =	wrdreg $0x49900  }
0xbc: {  	[dreg:$0x5] =	wrdreg $0x49980  }
0xbd: {  	[dreg:$0x6] =	wrdreg $0x9  }
0xbe: {  	_ =	task [dreg:s21], $0x7FFFF  }
0xbf: {  	[dreg:$0x1] =	wrdreg $0xFFFFFFFF  }
0xc0: {  	[dreg:$0x0] =	wrdreg $0x60  }
0xc1: {  	[dreg:$0x2] =	wrdreg s12  }
0xc2: {  	[dreg:$0x3] =	wrdreg s24  }
0xc3: {  	[dreg:$0x4] =	wrdreg s5  }
0xc4: {  	[dreg:$0x5] =	wrdreg s11  }
0xc5: {  	[dreg:$0x6] =	wrdreg $0x0  }
0xc6: {  	[dreg:$0x7] =	wrdreg $0x18700  }
0xc7: {  	[dreg:$0x8] =	wrdreg $0x30E00  }
0xc8: {  	[dreg:$0x9] =	wrdreg $0x49500  }
0xc9: {  	[dreg:$0xa] =	wrdreg $0x49580  }
0xca: {  	[dreg:$0xb] =	wrdreg $0x49600  }
0xcb: {  	[dreg:$0xc] =	wrdreg $0x49680  }
0xcc: {  	[dreg:$0xd] =	wrdreg $0x49700  }
0xcd: {  	[dreg:$0xe] =	wrdreg $0x49780  }
0xce: {  	[dreg:$0xf] =	wrdreg $0x49800  }
0xcf: {  	_ =	task.clear_ibuf [dreg:s21], $0x10FFFF;
	_ =	strace $0x90000046  }
0xd0: {  	s29 =	simm.s32 $0x9;
	_ =	strace $0x80000048  }
0xd1: {  	_ =	swait.ge [sflag:s29], $0x1  }
0xd2: {  	[sflag:s29] =	ssyncadd.s32 $0xFFFFFFFF  }
0xd3: {  	_ =	strace $0x90000048  }
0xd4: {  	_ =	sfence  }
0xd5: {  	s30 =	sld [smem:$0x0];
	_ =	sdelay $0x2  }
0xd6: {  	s31 =	sshll.u32 s1, $0xD;
	s1 =	sshrl.u32 s1, $0x2  }
0xd7: {  	s4 =	sand.u32 $0x4000, s31;
	s1 =	sadd.s32 s1, s30  }
0xd8: {  	s0 =	sor.u32 s4, s0;
	s1 =	sshll.u32 s1, $0x11  }
0xd9: {  	s0 =	sor.u32 s1, s0  }
0xda: {  	s0 =	sadd.s32 $0x8F2B, s0  }
0xdb: {  	[sflag:s0] =	ssyncadd.remote.s32 $0x1  }
0xdc: {  	_ =	sfence.sel $0xFFFF  }
0xdd: {  	[dreg:$0x0] =	wrdreg $0xFFFFFFFF;
	(pc) =	sbr.abs _section_cstart, $3  }
0xde: {  	[dreg:$0x1] =	wrdreg $0xFFFFFFFF  }
0xdf: {  	_ =	task.clear_ibuf [dreg:s21], $0x2FFFF;
	_ =	strace $0x9FFFFFFF  }
0xe0: {  	(tm) =	ssettm $0x7FFFFFFF  }
0xe1: {  	_ =	shalt  }
tec
_tile_task_arg_handler_lowered:
.L_overlay_start_1:
0x0: {  	(tag) =	ssettag $0x1  }
0x1: {  	s0 =	rddreg [dreg:$0x0]  }
0x2: {  	s1 =	rddreg [dreg:$0x1]  }
0x3: {  	s2 =	rddreg [dreg:$0x2]  }
0x4: {  	s3 =	rddreg [dreg:$0x3]  }
0x5: {  	s4 =	rddreg [dreg:$0x4]  }
0x6: {  	s5 =	rddreg [dreg:$0x5]  }
0x7: {  	s6 =	rddreg [dreg:$0x6]  }
0x8: {  	s7 =	rddreg [dreg:$0x7]  }
0x9: {  	s8 =	rddreg [dreg:$0x8]  }
0xa: {  	s9 =	rddreg [dreg:$0x9]  }
0xb: {  	s10 =	rddreg [dreg:$0xa]  }
0xc: {  	s11 =	rddreg [dreg:$0xb]  }
0xd: {  	s12 =	rddreg [dreg:$0xc]  }
0xe: {  	s13 =	rddreg [dreg:$0xd]  }
0xf: {  	[smem:s0] =	sst s1  }
0x10: {  	[smem:s0+$0x1] =	sst s2  }
0x11: {  	[smem:s0+$0x2] =	sst s3  }
0x12: {  	[smem:s0+$0x3] =	sst s4  }
0x13: {  	[smem:s0+$0x4] =	sst s5  }
0x14: {  	[smem:s0+$0x5] =	sst s6  }
0x15: {  	[smem:s0+$0x6] =	sst s7  }
0x16: {  	[smem:s0+$0x7] =	sst s8  }
0x17: {  	[smem:s0+$0x8] =	sst s9  }
0x18: {  	[smem:s0+$0x9] =	sst s10  }
0x19: {  	[smem:s0+$0xA] =	sst s11  }
0x1a: {  	[smem:s0+$0xB] =	sst s12  }
0x1b: {  	[smem:s0+$0xC] =	sst s13;
	_ =	shalt  }
.Lfunc_end2:
execute0_lowered:
.L_overlay_start_2:
0x1c: {  	(tag) =	ssettag $0x2  }
0x1d: {  	s0 =	rddreg [dreg:$0x0]  }
0x1e: {  	s1 =	rddreg [dreg:$0x1]  }
0x1f: {  	s3 =	rddreg [dreg:$0x4]  }
0x20: {  	s4 =	rddreg [dreg:$0x5]  }
0x21: {  	s5 =	rddreg [dreg:$0x6]  }
0x22: {  	s6 =	rddreg [dreg:$0x7]  }
0x23: {  	s7 =	rddreg [dreg:$0x8]  }
0x24: {  	s8 =	rddreg [dreg:$0x9]  }
0x25: {  	s9 =	rddreg [dreg:$0xa]  }
0x26: {  	s10 =	rddreg [dreg:$0xb]  }
0x27: {  	s11 =	rddreg [dreg:$0xc]  }
0x28: {  	s12 =	rddreg [dreg:$0xd];
	s13 =	simm.s32 $0x0;
	s2 =	srdreg.scid  }
0x29: {  	s30 =	stileid.u32;
	[smem:$0x7FF] =	sst s13;
	s2 =	sand.u32 $0x1, s2  }
0x2a: {  	s19 =	sadd.s32 $0x201400, s1;
	s26 =	sadd.s32 $0x219C00, s1;
	p0 =	sne.s32 s30, $0x0  }
0x2b: {  	s31 =	sadd.s32 $0x195E00, s1;
	s14 =	sld [smem:$0x0];
	s22 =	smul.u32 $0x30, s2  }
0x2c: {  	s28 =	sadd.s32 $0x1FB000, s1;
	s15 =	sld [smem:$0x1];
	s18 =	smul.u32 $0x180, s2  }
0x2d: {  	s17 =	ssub.s32 $0x2, s2;
	s21 =	smul.u32 $0x480, s2;
	s16 =	sld [smem:$0x2]  }
0x2e: {  	s25 =	sshll.u32 s2, $0x7;
	s29 =	sld [smem:$0x3];
	s20 =	sshrl.u32 s17, $0x1  }
0x2f: {  	s17 =	ssub.s32 s17, s20;
	s13 =	sadd.s32 s19, s22;
	s24 =	sand.u32 $0x400, s21  }
0x30: {  	s23 =	sshrl.u32 s18, $0x3;
	s21 =	sshrl.u32 s21, $0x3;
	s18 =	sor.u32 s25, s24  }
0x31: {  	[dreg:$0xe] =	wrdreg s13;
	s20 =	sshrl.u32 s18, $0x3;
	s18 =	sadd.s32 $0x400, s18  }
0x32: {  	[dreg:$0xf] =	wrdreg s29;
	s20 =	sadd.s32 s26, s20;
	s18 =	sshrl.u32 s18, $0x3  }
0x33: {  	s22 =	sadd.s32 $0x12A800, s1;
	[dreg:$0x10] =	wrdreg s20;
	s18 =	sadd.s32 s26, s18  }
0x34: {  	s13 =	sadd.s32 s19, s23;
	s20 =	sadd.s32 s26, s21;
	[dreg:$0x11] =	wrdreg s18  }
0x35: {  	s26 =	sadd.s32 $0x133E00, s1;
	_ =	strace $0x80000047;
	[dreg:$0x12] =	wrdreg s31  }
0x36: {  	s23 =	sadd.s32 $0x12DA00, s1;
	s29 =	sadd.s32 $0xC5600, s1;
	[dreg:$0x13] =	wrdreg s26  }
0x37: {  	s18 =	sshll.u32 s30, $0x1;
	s30 =	sadd.s32 $0x63600, s1;
	[dreg:$0x14] =	wrdreg s29  }
0x38: {  	s24 =	sadd.s32 $0x130C00, s1;
	s19 =	sadd.s32 $0x40, s20;
	[dreg:$0x15] =	wrdreg s30  }
0x39: {  	s25 =	sadd.s32 $0x1F7E00, s1;
	s31 =	sadd.s32 $0x1600, s1;
	[dreg:$0x1f] =	wrdreg s19  }
0x3a: {  	s21 =	sadd.s32 $0x127600, s1;
	s29 =	sadd.s32 $0x10, s13;
	[dreg:$0x16] =	wrdreg s31  }
0x3b: {  	s18 =	sor.u32 s2, s18;
	s30 =	sadd.s32 $0x20, s13;
	[dreg:$0x19] =	wrdreg s29  }
0x3c: {  	s2 =	sshll.u32 s2, $0x4;
	s13 =	sadd.s32 $0x20, s20;
	[dreg:$0x1a] =	wrdreg s30  }
0x3d: {  	s2 =	sadd.s32 s2, s1;
	s1 =	sadd.s32 $0x1FE200, s1;
	[dreg:$0x1d] =	wrdreg s13  }
0x3e: {  	s26 =	smul.u32 $0xC4, s18;
	s18 =	sadd.s32 $0x30, s20;
	[dreg:$0x17] =	wrdreg s1  }
0x3f: {  	s29 =	sadd.s32 $0x60, s20;
	[dreg:$0x1e] =	wrdreg s18  }
0x40: {  	s30 =	sadd.s32 $0x70, s20;
	[smem:$0x7FB] =	sst s29  }
0x41: {  	[smem:$0x7FC] =	sst s30  }
.Ltmp0:
0x42: {  	s31 =	sadd.s32 $0x219E00, s2;
	[dreg:$0x18] =	wrdreg s26;
	(pc) =	sbr.rel .LBB3_1-.Ltmp0, $4  }
0x43: {  	s2 =	sadd.s32 $0x10, s20;
	[dreg:$0x1b] =	wrdreg s31  }
0x44: {  	s13 =	simm.s32 $0x2;
	[dreg:$0x1c] =	wrdreg s2;
	s26 =	sadd.s32 $0x50, s20  }
0x45: {  	s31 =	smax.u32 s17, $0x1;
	s17 =	simm.s32 $0x80;
	[smem:$0x7FA] =	sst s26  }
0x46: {  	s2 =	simm.s32 $0x1;
	[smem:$0x7FD] =	sst s31;
	s26 =	simm.s32 $0x0  }
.LBB3_20:
.Ltmp1:
0x47: {  	(pc) =	sbr.rel @!p0 .LBB3_21-.Ltmp1, $3  }
0x48: {  	_ =	sdelay $0x1  }
0x49: {  	[bflag:$0x0] =	sbarrier.arrive $0xFFFF  }
0x4a: {  	s26 =	sld [smem:$0x7F9]  }
.LBB3_22:
0x4b: {  	s1 =	sld [smem:$0x7FD];
	_ =	sdelay $0x1  }
0x4c: {  	s26 =	sadd.s32 $0x1, s26  }
0x4d: {  	p1 =	sne.s32 s26, s1  }
.Ltmp2:
0x4e: {  	_ = 	snop;
	(pc) =	sbr.rel @!p1 .LBB3_23-.Ltmp2, $1  }
0x4f: {  	_ =	sdelay $0x3  }
.LBB3_1:
0x50: {  	[smem:$0x7F9] =	sst s26  }
0x51: {  	s1 =	rddreg [dreg:$0x2];
	s18 =	simm.s32 $0x0;
	s19 =	simm.s32 $0x8FA0  }
0x52: {  	[tilespmem:s19], [sflag:$0x2] =	stream.linear.gather [hbm4b:s1+s18], $0x100, $0x38;
	[tilespmem:$0x90A0] =	vst v63  }
0x53: {  	_ =	swait.ge [sflag:s13], $0x100  }
0x54: {  	[sflag:s13] =	ssyncset.done $0x0  }
0x55: {  	[sflag:s13] =	ssyncadd.s32 $0xFFFFFF00  }
0x56: {  	v0 =	vld [tilespmem:$0x9020];
	_ =	sdelay $0x4  }
0x57: {  	(erf) = vrcp.f32 v0  }
0x58: {  	v55 =	vld [tilespmem:$0x8FA0]  }
0x59: {  	v59 =	vld [tilespmem:$0x8FB0]  }
0x5a: {  	v10 =	vld [tilespmem:$0x8FC0]  }
0x5b: {  	v62 =	vld [tilespmem:$0x8FD0]  }
.Ltmp3:
0x5c: {  	v61 =	vld [tilespmem:$0x8FE0];
	(pc) =	sbr.rel @p0 .LBB3_3-.Ltmp3, $4  }
0x5d: {  	v7 =	vld [tilespmem:$0x8FF0]  }
0x5e: {  	v6 =	vld [tilespmem:$0x9000]  }
0x5f: {  	v63 =	vld [tilespmem:$0x9010]  }
0x60: {  	v0 =	vld [tilespmem:$0x9030];
	v9 =	vpop (erf)  }
0x61: {  	s1 =	sshrl.u32 s3, $0x3;
	s18 =	rddreg [dreg:$0x17];
	s19 =	simm.s32 $0x1C02  }
0x62: {  	[spmem:s1], [sflag:s19] =	dma.local [hbm:s18], $0x30E0  }
0x63: {  	_ =	swait.ge [sflag:s13], $0x30E0  }
0x64: {  	[sflag:s13] =	ssyncset.done $0x0  }
0x65: {  	s30 =	sshrl.u32 s4, $0x3;
	[sflag:s13] =	ssyncadd.s32 $0xFFFFCF20  }
0x66: {  	[spmem:s30], [sflag:s19] =	dma.local [hbm:s18], $0x30E0  }
0x67: {  	_ =	swait.ge [sflag:s13], $0x30E0  }
0x68: {  	[sflag:s13] =	ssyncset.done $0x0  }
0x69: {  	s31 =	sshrl.u32 s5, $0x3;
	[sflag:s13] =	ssyncadd.s32 $0xFFFFCF20  }
0x6a: {  	[spmem:s31], [sflag:s19] =	dma.local [hbm:s18], $0x30E0  }
0x6b: {  	_ =	swait.ge [sflag:s13], $0x30E0  }
0x6c: {  	[sflag:s13] =	ssyncset.done $0x0  }
0x6d: {  	[sflag:s13] =	ssyncadd.s32 $0xFFFFCF20  }
0x6e: {  	s20 =	sshrl.u32 s6, $0x3;
	s18 =	rddreg [dreg:$0x3]  }
0x6f: {  	[spmem:s20], [sflag:s19] =	dma.local [hbm:s18], $0x10  }
0x70: {  	_ =	swait.ge [sflag:s13], $0x10  }
0x71: {  	[sflag:s13] =	ssyncset.done $0x0  }
0x72: {  	s26 =	sshrl.u32 s7, $0x3;
	[sflag:s13] =	ssyncadd.s32 $0xFFFFFFF0  }
0x73: {  	[spmem:s26], [sflag:s19] =	dma.local [hbm:s18], $0x10  }
0x74: {  	_ =	swait.ge [sflag:s13], $0x10  }
0x75: {  	[sflag:s13] =	ssyncset.done $0x0  }
0x76: {  	s29 =	sshrl.u32 s8, $0x3;
	[sflag:s13] =	ssyncadd.s32 $0xFFFFFFF0  }
0x77: {  	[spmem:s29], [sflag:s19] =	dma.local [hbm:s18], $0x10  }
0x78: {  	_ =	swait.ge [sflag:s13], $0x10  }
0x79: {  	[sflag:s13] =	ssyncset.done $0x0  }
0x7a: {  	s30 =	sshrl.u32 s9, $0x3;
	[sflag:s13] =	ssyncadd.s32 $0xFFFFFFF0  }
0x7b: {  	[spmem:s30], [sflag:s19] =	dma.local [hbm:s18], $0x10  }
0x7c: {  	_ =	swait.ge [sflag:s13], $0x10  }
0x7d: {  	[sflag:s13] =	ssyncset.done $0x0  }
0x7e: {  	s31 =	sshrl.u32 s10, $0x3;
	[sflag:s13] =	ssyncadd.s32 $0xFFFFFFF0  }
0x7f: {  	[spmem:s31], [sflag:s19] =	dma.local [hbm:s18], $0x10  }
0x80: {  	_ =	swait.ge [sflag:s13], $0x10  }
0x81: {  	[sflag:s13] =	ssyncset.done $0x0  }
0x82: {  	s20 =	sshrl.u32 s11, $0x3;
	[sflag:s13] =	ssyncadd.s32 $0xFFFFFFF0  }
0x83: {  	[spmem:s20], [sflag:s19] =	dma.local [hbm:s18], $0x10  }
0x84: {  	_ =	swait.ge [sflag:s13], $0x10  }
0x85: {  	[sflag:s13] =	ssyncset.done $0x0  }
0x86: {  	s26 =	sshrl.u32 s12, $0x3;
	[sflag:s13] =	ssyncadd.s32 $0xFFFFFFF0  }
0x87: {  	[spmem:s26], [sflag:s19] =	dma.local [hbm:s18], $0x10  }
0x88: {  	_ =	swait.ge [sflag:s13], $0x10  }
0x89: {  	[sflag:s13] =	ssyncset.done $0x0  }
0x8a: {  	s29 =	sshrl.u32 s14, $0x3;
	[sflag:s13] =	ssyncadd.s32 $0xFFFFFFF0  }
0x8b: {  	[spmem:s29], [sflag:s19] =	dma.local [hbm:s18], $0x10  }
0x8c: {  	_ =	swait.ge [sflag:s13], $0x10  }
0x8d: {  	[sflag:s13] =	ssyncset.done $0x0  }
0x8e: {  	s30 =	sshrl.u32 s15, $0x3;
	[sflag:s13] =	ssyncadd.s32 $0xFFFFFFF0  }
0x8f: {  	[spmem:s30], [sflag:s19] =	dma.local [hbm:s18], $0x10  }
0x90: {  	_ =	swait.ge [sflag:s13], $0x10  }
0x91: {  	[sflag:s13] =	ssyncset.done $0x0  }
0x92: {  	s31 =	sshrl.u32 s16, $0x3;
	[sflag:s13] =	ssyncadd.s32 $0xFFFFFFF0  }
0x93: {  	[spmem:s31], [sflag:s19] =	dma.local [hbm:s18], $0x10  }
0x94: {  	_ =	swait.ge [sflag:s13], $0x10  }
0x95: {  	[sflag:s13] =	ssyncset.done $0x0  }
0x96: {  	[sflag:s13] =	ssyncadd.s32 $0xFFFFFFF0  }
.LBB3_3:
0x97: {  	[bflag:$0x0] =	sbarrier.arrive $0xFFFF  }
0x98: {  	[tilespmem:$0x1FF90] =	vst v55  }
0x99: {  	[tilespmem:$0x1FFD0] =	vst v62  }
0x9a: {  	[tilespmem:$0x1FFE0] =	vst v61  }
0x9b: {  	[tilespmem:$0x1FFF0] =	vst v59  }
0x9c: {  	[tilespmem:$0x1FFC0] =	vst v6  }
0x9d: {  	v13 =	vmul.f32 v61, v55;
	v11 =	vmul.f32 v7, v59;
	[tilespmem:$0x1FFB0] =	vst v63  }
0x9e: {  	s20 =	simm.s32 $0x0;
	v12 =	vmul.f32 v6, v10;
	v8 =	vmul.f32 v63, v62;
	[tilespmem:$0x1FFA0] =	vst v0  }
.LBB3_4:
0x9f: {  	s1 =	rddreg [dreg:$0x18]  }
0xa0: {  	s18 =	sadd.s32 s1, s20  }
0xa1: {  	s19 =	sshll.u32 s20, $0x6;
	s18 =	sshll.u32 s18, $0x6  }
0xa2: {  	s19 =	sand.u32 $0x40, s19;
	s26 =	sand.u32 $0xFFFFF80, s18  }
0xa3: {  	s30 =	rddreg [dreg:$0x12];
	s19 =	sor.u32 s19, s26  }
0xa4: {  	s31 =	simm.s32 $0x49A0;
	s29 =	simm.s32 $0x0;
	s26 =	sadd.s32 s30, s19  }
0xa5: {  	[tilespmem:s31], [sflag:$0x2] =	stream.linear.gather [hbm4b:s26+s29], $0x200, $0x38;
	[tilespmem:$0x90A0] =	vst v63  }
0xa6: {  	_ =	swait.ge [sflag:s13], $0x200  }
0xa7: {  	[sflag:s13] =	ssyncset.done $0x0;
	s30 =	rddreg [dreg:$0x13]  }
0xa8: {  	s31 =	simm.s32 $0x4BA0;
	[sflag:s13] =	ssyncadd.s32 $0xFFFFFE00;
	s19 =	sadd.s32 s30, s19  }
0xa9: {  	[tilespmem:s31], [sflag:$0x2] =	stream.linear.gather [hbm4b:s19+s29], $0x200, $0x38;
	[tilespmem:$0x90A0] =	vst v63  }
0xaa: {  	_ =	swait.ge [sflag:s13], $0x200  }
0xab: {  	[sflag:s13] =	ssyncset.done $0x0;
	s26 =	rddreg [dreg:$0x14]  }
0xac: {  	s31 =	simm.s32 $0x51A0;
	[sflag:s13] =	ssyncadd.s32 $0xFFFFFE00;
	s30 =	sadd.s32 s26, s18  }
0xad: {  	[tilespmem:s31], [sflag:$0x2] =	stream.linear.gather [hbm4b:s30+s29], $0x200, $0x38;
	[tilespmem:$0x90A0] =	vst v63  }
0xae: {  	_ =	swait.ge [sflag:s13], $0x200  }
0xaf: {  	[sflag:s13] =	ssyncset.done $0x0;
	s19 =	rddreg [dreg:$0x15]  }
0xb0: {  	s30 =	simm.s32 $0x53A0;
	[sflag:s13] =	ssyncadd.s32 $0xFFFFFE00;
	s26 =	sadd.s32 s19, s18  }
0xb1: {  	[tilespmem:s30], [sflag:$0x2] =	stream.linear.gather [hbm4b:s26+s29], $0x200, $0x38;
	[tilespmem:$0x90A0] =	vst v63  }
0xb2: {  	_ =	swait.ge [sflag:s13], $0x200  }
0xb3: {  	[sflag:s13] =	ssyncset.done $0x0;
	s31 =	rddreg [dreg:$0x16]  }
0xb4: {  	s19 =	simm.s32 $0x55A0;
	[sflag:s13] =	ssyncadd.s32 $0xFFFFFE00;
	s18 =	sadd.s32 s31, s18  }
0xb5: {  	[tilespmem:s19], [sflag:$0x2] =	stream.linear.gather [hbm4b:s18+s29], $0x200, $0x38;
	[tilespmem:$0x90A0] =	vst v63  }
0xb6: {  	_ =	swait.ge [sflag:s13], $0x200  }
0xb7: {  	[sflag:s13] =	ssyncset.done $0x0  }
0xb8: {  	s26 =	simm.s32 $0x57A0;
	s19 =	simm.s32 $0x49A0;
	[sflag:s13] =	ssyncadd.s32 $0xFFFFFE00  }
0xb9: {  	[tilespmem:s26], [sflag:$0x1] =	stream.indirect.gather [hbm4b:s0+s17], $0x1, s19, s17, $0xb8;
	[tilespmem:$0x90A0] =	vst v63  }
0xba: {  	s29 =	simm.s32 $0x59A0  }
0xbb: {  	[tilespmem:s29], [sflag:$0x1] =	stream.indirect.gather [hbm4b:s21+s17], $0x1, s19, s17, $0xb8;
	[tilespmem:$0x90A0] =	vst v63  }
0xbc: {  	s30 =	simm.s32 $0x5BA0  }
0xbd: {  	[tilespmem:s30], [sflag:$0x1] =	stream.indirect.gather [hbm4b:s22+s17], $0x1, s19, s17, $0xb8;
	[tilespmem:$0x90A0] =	vst v63  }
0xbe: {  	s31 =	simm.s32 $0x5DA0  }
0xbf: {  	[tilespmem:s31], [sflag:$0x1] =	stream.indirect.gather [hbm4b:s23+s17], $0x1, s19, s17, $0xb8;
	[tilespmem:$0x90A0] =	vst v63  }
0xc0: {  	s1 =	simm.s32 $0x5FA0  }
0xc1: {  	[tilespmem:s1], [sflag:$0x1] =	stream.indirect.gather [hbm4b:s24+s17], $0x1, s19, s17, $0xb8;
	[tilespmem:$0x90A0] =	vst v63  }
0xc2: {  	s26 =	simm.s32 $0x61A0  }
0xc3: {  	[tilespmem:s26], [sflag:$0x1] =	stream.indirect.gather [hbm4b:s25+s17], $0x1, s19, s17, $0xb8;
	[tilespmem:$0x90A0] =	vst v63  }
0xc4: {  	s29 =	simm.s32 $0x4DA0  }
0xc5: {  	[tilespmem:s29], [sflag:$0x1] =	stream.indirect.gather [hbm4b:s28+s17], $0x1, s19, s17, $0xb8;
	[tilespmem:$0x90A0] =	vst v63  }
0xc6: {  	s30 =	simm.s32 $0x63A0;
	s19 =	simm.s32 $0x4BA0  }
0xc7: {  	[tilespmem:s30], [sflag:$0x1] =	stream.indirect.gather [hbm4b:s0+s17], $0x1, s19, s17, $0xb8;
	[tilespmem:$0x90A0] =	vst v63  }
0xc8: {  	s31 =	simm.s32 $0x65A0  }
0xc9: {  	[tilespmem:s31], [sflag:$0x1] =	stream.indirect.gather [hbm4b:s21+s17], $0x1, s19, s17, $0xb8;
	[tilespmem:$0x90A0] =	vst v63  }
0xca: {  	s1 =	simm.s32 $0x67A0  }
0xcb: {  	[tilespmem:s1], [sflag:$0x1] =	stream.indirect.gather [hbm4b:s22+s17], $0x1, s19, s17, $0xb8;
	[tilespmem:$0x90A0] =	vst v63  }
0xcc: {  	s26 =	simm.s32 $0x69A0  }
0xcd: {  	[tilespmem:s26], [sflag:$0x1] =	stream.indirect.gather [hbm4b:s23+s17], $0x1, s19, s17, $0xb8;
	[tilespmem:$0x90A0] =	vst v63  }
0xce: {  	s29 =	simm.s32 $0x6BA0  }
0xcf: {  	[tilespmem:s29], [sflag:$0x1] =	stream.indirect.gather [hbm4b:s24+s17], $0x1, s19, s17, $0xb8;
	[tilespmem:$0x90A0] =	vst v63  }
0xd0: {  	s30 =	simm.s32 $0x6DA0  }
0xd1: {  	[tilespmem:s30], [sflag:$0x1] =	stream.indirect.gather [hbm4b:s25+s17], $0x1, s19, s17, $0xb8;
	[tilespmem:$0x90A0] =	vst v63  }
0xd2: {  	s31 =	simm.s32 $0x4FA0  }
0xd3: {  	[tilespmem:s31], [sflag:$0x1] =	stream.indirect.gather [hbm4b:s28+s17], $0x1, s19, s17, $0xb8;
	[tilespmem:$0x90A0] =	vst v63  }
0xd4: {  	_ =	swait.ge [sflag:s2], $0x80  }
0xd5: {  	[sflag:s2] =	ssyncset.done $0x0  }
0xd6: {  	[sflag:s2] =	ssyncadd.s32 $0xFFFFFF80  }
0xd7: {  	_ =	swait.ge [sflag:s2], $0x80  }
0xd8: {  	[sflag:s2] =	ssyncset.done $0x0  }
0xd9: {  	[sflag:s2] =	ssyncadd.s32 $0xFFFFFF80  }
0xda: {  	_ =	swait.ge [sflag:s2], $0x80  }
0xdb: {  	[sflag:s2] =	ssyncset.done $0x0  }
0xdc: {  	[sflag:s2] =	ssyncadd.s32 $0xFFFFFF80  }
0xdd: {  	_ =	swait.ge [sflag:s2], $0x80  }
0xde: {  	[sflag:s2] =	ssyncset.done $0x0  }
0xdf: {  	[sflag:s2] =	ssyncadd.s32 $0xFFFFFF80  }
0xe0: {  	_ =	swait.ge [sflag:s2], $0x80  }
0xe1: {  	[sflag:s2] =	ssyncset.done $0x0  }
0xe2: {  	[sflag:s2] =	ssyncadd.s32 $0xFFFFFF80  }
0xe3: {  	_ =	swait.ge [sflag:s2], $0x80  }
0xe4: {  	[sflag:s2] =	ssyncset.done $0x0  }
0xe5: {  	[sflag:s2] =	ssyncadd.s32 $0xFFFFFF80  }
0xe6: {  	_ =	swait.ge [sflag:s2], $0x80  }
0xe7: {  	[sflag:s2] =	ssyncset.done $0x0  }
0xe8: {  	[sflag:s2] =	ssyncadd.s32 $0xFFFFFF80  }
0xe9: {  	_ =	swait.ge [sflag:s2], $0x80  }
0xea: {  	[sflag:s2] =	ssyncset.done $0x0  }
0xeb: {  	[sflag:s2] =	ssyncadd.s32 $0xFFFFFF80  }
0xec: {  	_ =	swait.ge [sflag:s2], $0x80  }
0xed: {  	[sflag:s2] =	ssyncset.done $0x0  }
0xee: {  	[sflag:s2] =	ssyncadd.s32 $0xFFFFFF80  }
0xef: {  	_ =	swait.ge [sflag:s2], $0x80  }
0xf0: {  	[sflag:s2] =	ssyncset.done $0x0  }
0xf1: {  	[sflag:s2] =	ssyncadd.s32 $0xFFFFFF80  }
0xf2: {  	_ =	swait.ge [sflag:s2], $0x80  }
0xf3: {  	[sflag:s2] =	ssyncset.done $0x0  }
0xf4: {  	[sflag:s2] =	ssyncadd.s32 $0xFFFFFF80  }
0xf5: {  	_ =	swait.ge [sflag:s2], $0x80  }
0xf6: {  	[sflag:s2] =	ssyncset.done $0x0  }
0xf7: {  	[sflag:s2] =	ssyncadd.s32 $0xFFFFFF80  }
0xf8: {  	_ =	swait.ge [sflag:s2], $0x80  }
0xf9: {  	[sflag:s2] =	ssyncset.done $0x0  }
0xfa: {  	[sflag:s2] =	ssyncadd.s32 $0xFFFFFF80  }
0xfb: {  	_ =	swait.ge [sflag:s2], $0x80  }
0xfc: {  	s18 =	simm.s32 $0x400;
	s26 =	simm.s32 $0x80;
	[sflag:s2] =	ssyncset.done $0x0  }
.LBB3_5:
0xfd: {  	s29 =	sadd.s32 $0x57A0, s26  }
0xfe: {  	s30 =	sadd.s32 $0x49A0, s26;
	[sflag:s2] =	ssyncadd.s32 $0xFFFFFF80;
	s19 =	smov.u32 s18  }
0xff: {  	[tilespmem:s29], [sflag:$0x1] =	stream.indirect.gather [hbm4b:s0+s17], $0x1, s30, s17, $0xb8;
	[tilespmem:$0x90A0] =	vst v63  }
0x100: {  	p1 =	sne.s32 s18, $0x600;
	s18 =	sadd.s32 $0x200, s18;
	s29 =	sadd.s32 $0x59A0, s26  }
0x101: {  	[tilespmem:s29], [sflag:$0x1] =	stream.indirect.gather [hbm4b:s21+s17], $0x1, s30, s17, $0xb8;
	[tilespmem:$0x90A0] =	vst v63  }
0x102: {  	s29 =	sadd.s32 $0x5BA0, s26  }
0x103: {  	[tilespmem:s29], [sflag:$0x1] =	stream.indirect.gather [hbm4b:s22+s17], $0x1, s30, s17, $0xb8;
	[tilespmem:$0x90A0] =	vst v63  }
0x104: {  	s29 =	sadd.s32 $0x5DA0, s26  }
0x105: {  	[tilespmem:s29], [sflag:$0x1] =	stream.indirect.gather [hbm4b:s23+s17], $0x1, s30, s17, $0xb8;
	[tilespmem:$0x90A0] =	vst v63  }
0x106: {  	s29 =	sadd.s32 $0x5FA0, s26  }
0x107: {  	[tilespmem:s29], [sflag:$0x1] =	stream.indirect.gather [hbm4b:s24+s17], $0x1, s30, s17, $0xb8;
	[tilespmem:$0x90A0] =	vst v63  }
0x108: {  	s29 =	sadd.s32 $0x61A0, s26  }
0x109: {  	[tilespmem:s29], [sflag:$0x1] =	stream.indirect.gather [hbm4b:s25+s17], $0x1, s30, s17, $0xb8;
	[tilespmem:$0x90A0] =	vst v63  }
0x10a: {  	s29 =	sadd.s32 $0x4DA0, s26  }
0x10b: {  	[tilespmem:s29], [sflag:$0x1] =	stream.indirect.gather [hbm4b:s28+s17], $0x1, s30, s17, $0xb8;
	[tilespmem:$0x90A0] =	vst v63  }
0x10c: {  	s29 =	sadd.s32 $0x63A0, s26;
	s30 =	sadd.s32 $0x4BA0, s26  }
0x10d: {  	[tilespmem:s29], [sflag:$0x1] =	stream.indirect.gather [hbm4b:s0+s17], $0x1, s30, s17, $0xb8;
	[tilespmem:$0x90A0] =	vst v63  }
0x10e: {  	s29 =	sadd.s32 $0x65A0, s26  }
0x10f: {  	[tilespmem:s29], [sflag:$0x1] =	stream.indirect.gather [hbm4b:s21+s17], $0x1, s30, s17, $0xb8;
	[tilespmem:$0x90A0] =	vst v63  }
0x110: {  	s29 =	sadd.s32 $0x67A0, s26  }
0x111: {  	[tilespmem:s29], [sflag:$0x1] =	stream.indirect.gather [hbm4b:s22+s17], $0x1, s30, s17, $0xb8;
	[tilespmem:$0x90A0] =	vst v63  }
0x112: {  	s29 =	sadd.s32 $0x69A0, s26  }
0x113: {  	[tilespmem:s29], [sflag:$0x1] =	stream.indirect.gather [hbm4b:s23+s17], $0x1, s30, s17, $0xb8;
	[tilespmem:$0x90A0] =	vst v63  }
0x114: {  	s29 =	sadd.s32 $0x6BA0, s26  }
0x115: {  	[tilespmem:s29], [sflag:$0x1] =	stream.indirect.gather [hbm4b:s24+s17], $0x1, s30, s17, $0xb8;
	[tilespmem:$0x90A0] =	vst v63  }
0x116: {  	s29 =	sadd.s32 $0x6DA0, s26  }
0x117: {  	[tilespmem:s29], [sflag:$0x1] =	stream.indirect.gather [hbm4b:s25+s17], $0x1, s30, s17, $0xb8;
	[tilespmem:$0x90A0] =	vst v63  }
0x118: {  	s26 =	sadd.s32 $0x4FA0, s26  }
0x119: {  	[tilespmem:s26], [sflag:$0x1] =	stream.indirect.gather [hbm4b:s28+s17], $0x1, s30, s17, $0xb8;
	[tilespmem:$0x90A0] =	vst v63  }
0x11a: {  	_ =	swait.ge [sflag:s2], $0x80  }
0x11b: {  	[sflag:s2] =	ssyncset.done $0x0  }
0x11c: {  	[sflag:s2] =	ssyncadd.s32 $0xFFFFFF80  }
0x11d: {  	_ =	swait.ge [sflag:s2], $0x80  }
0x11e: {  	[sflag:s2] =	ssyncset.done $0x0  }
0x11f: {  	[sflag:s2] =	ssyncadd.s32 $0xFFFFFF80  }
0x120: {  	_ =	swait.ge [sflag:s2], $0x80  }
0x121: {  	[sflag:s2] =	ssyncset.done $0x0  }
0x122: {  	[sflag:s2] =	ssyncadd.s32 $0xFFFFFF80  }
0x123: {  	_ =	swait.ge [sflag:s2], $0x80  }
0x124: {  	[sflag:s2] =	ssyncset.done $0x0  }
0x125: {  	[sflag:s2] =	ssyncadd.s32 $0xFFFFFF80  }
0x126: {  	_ =	swait.ge [sflag:s2], $0x80  }
0x127: {  	[sflag:s2] =	ssyncset.done $0x0  }
0x128: {  	[sflag:s2] =	ssyncadd.s32 $0xFFFFFF80  }
0x129: {  	_ =	swait.ge [sflag:s2], $0x80  }
0x12a: {  	[sflag:s2] =	ssyncset.done $0x0  }
0x12b: {  	[sflag:s2] =	ssyncadd.s32 $0xFFFFFF80  }
0x12c: {  	_ =	swait.ge [sflag:s2], $0x80  }
0x12d: {  	[sflag:s2] =	ssyncset.done $0x0  }
0x12e: {  	[sflag:s2] =	ssyncadd.s32 $0xFFFFFF80  }
0x12f: {  	_ =	swait.ge [sflag:s2], $0x80  }
0x130: {  	[sflag:s2] =	ssyncset.done $0x0  }
0x131: {  	[sflag:s2] =	ssyncadd.s32 $0xFFFFFF80  }
0x132: {  	_ =	swait.ge [sflag:s2], $0x80  }
0x133: {  	[sflag:s2] =	ssyncset.done $0x0  }
0x134: {  	[sflag:s2] =	ssyncadd.s32 $0xFFFFFF80  }
0x135: {  	_ =	swait.ge [sflag:s2], $0x80  }
0x136: {  	[sflag:s2] =	ssyncset.done $0x0  }
0x137: {  	[sflag:s2] =	ssyncadd.s32 $0xFFFFFF80  }
0x138: {  	_ =	swait.ge [sflag:s2], $0x80  }
0x139: {  	[sflag:s2] =	ssyncset.done $0x0  }
0x13a: {  	[sflag:s2] =	ssyncadd.s32 $0xFFFFFF80  }
0x13b: {  	_ =	swait.ge [sflag:s2], $0x80  }
0x13c: {  	[sflag:s2] =	ssyncset.done $0x0  }
0x13d: {  	[sflag:s2] =	ssyncadd.s32 $0xFFFFFF80  }
.Ltmp4:
0x13e: {  	_ =	swait.ge [sflag:s2], $0x80;
	(pc) =	sbr.rel @p1 .LBB3_5-.Ltmp4, $4  }
0x13f: {  	[sflag:s2] =	ssyncset.done $0x0  }
0x140: {  	[sflag:s2] =	ssyncadd.s32 $0xFFFFFF80  }
0x141: {  	_ =	swait.ge [sflag:s2], $0x80  }
0x142: {  	s26 =	sshra.s32 s19, $0x2;
	[sflag:s2] =	ssyncset.done $0x0  }
0x143: {  	s18 =	sadd.s32 $0x57A0, s26;
	s19 =	sadd.s32 $0x49A0, s26;
	[sflag:s2] =	ssyncadd.s32 $0xFFFFFF80  }
0x144: {  	[tilespmem:s18], [sflag:$0x1] =	stream.indirect.gather [hbm4b:s0+s17], $0x1, s19, s17, $0xb8;
	[tilespmem:$0x90A0] =	vst v63  }
0x145: {  	s31 =	sadd.s32 $0x59A0, s26  }
0x146: {  	[tilespmem:s31], [sflag:$0x1] =	stream.indirect.gather [hbm4b:s21+s17], $0x1, s19, s17, $0xb8;
	[tilespmem:$0x90A0] =	vst v63  }
0x147: {  	s1 =	sadd.s32 $0x5BA0, s26  }
0x148: {  	[tilespmem:s1], [sflag:$0x1] =	stream.indirect.gather [hbm4b:s22+s17], $0x1, s19, s17, $0xb8;
	[tilespmem:$0x90A0] =	vst v63  }
0x149: {  	s29 =	sadd.s32 $0x5DA0, s26  }
0x14a: {  	[tilespmem:s29], [sflag:$0x1] =	stream.indirect.gather [hbm4b:s23+s17], $0x1, s19, s17, $0xb8;
	[tilespmem:$0x90A0] =	vst v63  }
0x14b: {  	s30 =	sadd.s32 $0x5FA0, s26  }
0x14c: {  	[tilespmem:s30], [sflag:$0x1] =	stream.indirect.gather [hbm4b:s24+s17], $0x1, s19, s17, $0xb8;
	[tilespmem:$0x90A0] =	vst v63  }
0x14d: {  	s31 =	sadd.s32 $0x61A0, s26  }
0x14e: {  	[tilespmem:s31], [sflag:$0x1] =	stream.indirect.gather [hbm4b:s25+s17], $0x1, s19, s17, $0xb8;
	[tilespmem:$0x90A0] =	vst v63  }
0x14f: {  	s1 =	sadd.s32 $0x4DA0, s26  }
0x150: {  	[tilespmem:s1], [sflag:$0x1] =	stream.indirect.gather [hbm4b:s28+s17], $0x1, s19, s17, $0xb8;
	[tilespmem:$0x90A0] =	vst v63  }
0x151: {  	s29 =	sadd.s32 $0x63A0, s26;
	s19 =	sadd.s32 $0x4BA0, s26  }
0x152: {  	[tilespmem:s29], [sflag:$0x1] =	stream.indirect.gather [hbm4b:s0+s17], $0x1, s19, s17, $0xb8;
	[tilespmem:$0x90A0] =	vst v63  }
0x153: {  	s30 =	sadd.s32 $0x65A0, s26  }
0x154: {  	[tilespmem:s30], [sflag:$0x1] =	stream.indirect.gather [hbm4b:s21+s17], $0x1, s19, s17, $0xb8;
	[tilespmem:$0x90A0] =	vst v63  }
0x155: {  	s31 =	sadd.s32 $0x67A0, s26  }
0x156: {  	[tilespmem:s31], [sflag:$0x1] =	stream.indirect.gather [hbm4b:s22+s17], $0x1, s19, s17, $0xb8;
	[tilespmem:$0x90A0] =	vst v63  }
0x157: {  	s1 =	sadd.s32 $0x69A0, s26  }
0x158: {  	[tilespmem:s1], [sflag:$0x1] =	stream.indirect.gather [hbm4b:s23+s17], $0x1, s19, s17, $0xb8;
	[tilespmem:$0x90A0] =	vst v63  }
0x159: {  	s29 =	sadd.s32 $0x6BA0, s26  }
0x15a: {  	[tilespmem:s29], [sflag:$0x1] =	stream.indirect.gather [hbm4b:s24+s17], $0x1, s19, s17, $0xb8;
	[tilespmem:$0x90A0] =	vst v63  }
0x15b: {  	s30 =	sadd.s32 $0x6DA0, s26  }
0x15c: {  	[tilespmem:s30], [sflag:$0x1] =	stream.indirect.gather [hbm4b:s25+s17], $0x1, s19, s17, $0xb8;
	[tilespmem:$0x90A0] =	vst v63  }
0x15d: {  	s31 =	sadd.s32 $0x4FA0, s26  }
0x15e: {  	[tilespmem:s31], [sflag:$0x1] =	stream.indirect.gather [hbm4b:s28+s17], $0x1, s19, s17, $0xb8;
	[tilespmem:$0x90A0] =	vst v63  }
0x15f: {  	_ =	swait.ge [sflag:s2], $0x80  }
0x160: {  	[sflag:s2] =	ssyncset.done $0x0  }
0x161: {  	[sflag:s2] =	ssyncadd.s32 $0xFFFFFF80  }
0x162: {  	_ =	swait.ge [sflag:s2], $0x80  }
0x163: {  	[sflag:s2] =	ssyncset.done $0x0  }
0x164: {  	[sflag:s2] =	ssyncadd.s32 $0xFFFFFF80  }
0x165: {  	_ =	swait.ge [sflag:s2], $0x80  }
0x166: {  	[sflag:s2] =	ssyncset.done $0x0  }
0x167: {  	[sflag:s2] =	ssyncadd.s32 $0xFFFFFF80  }
0x168: {  	_ =	swait.ge [sflag:s2], $0x80  }
0x169: {  	[sflag:s2] =	ssyncset.done $0x0  }
0x16a: {  	[sflag:s2] =	ssyncadd.s32 $0xFFFFFF80  }
0x16b: {  	_ =	swait.ge [sflag:s2], $0x80  }
0x16c: {  	[sflag:s2] =	ssyncset.done $0x0  }
0x16d: {  	[sflag:s2] =	ssyncadd.s32 $0xFFFFFF80  }
0x16e: {  	_ =	swait.ge [sflag:s2], $0x80  }
0x16f: {  	[sflag:s2] =	ssyncset.done $0x0  }
0x170: {  	[sflag:s2] =	ssyncadd.s32 $0xFFFFFF80  }
0x171: {  	_ =	swait.ge [sflag:s2], $0x80  }
0x172: {  	[sflag:s2] =	ssyncset.done $0x0  }
0x173: {  	[sflag:s2] =	ssyncadd.s32 $0xFFFFFF80  }
0x174: {  	_ =	swait.ge [sflag:s2], $0x80  }
0x175: {  	[sflag:s2] =	ssyncset.done $0x0  }
0x176: {  	[sflag:s2] =	ssyncadd.s32 $0xFFFFFF80  }
0x177: {  	_ =	swait.ge [sflag:s2], $0x80  }
0x178: {  	[sflag:s2] =	ssyncset.done $0x0  }
0x179: {  	[sflag:s2] =	ssyncadd.s32 $0xFFFFFF80  }
0x17a: {  	_ =	swait.ge [sflag:s2], $0x80  }
0x17b: {  	[sflag:s2] =	ssyncset.done $0x0  }
0x17c: {  	[sflag:s2] =	ssyncadd.s32 $0xFFFFFF80  }
0x17d: {  	_ =	swait.ge [sflag:s2], $0x80  }
0x17e: {  	[sflag:s2] =	ssyncset.done $0x0  }
0x17f: {  	[sflag:s2] =	ssyncadd.s32 $0xFFFFFF80  }
0x180: {  	_ =	swait.ge [sflag:s2], $0x80  }
0x181: {  	[sflag:s2] =	ssyncset.done $0x0  }
0x182: {  	[sflag:s2] =	ssyncadd.s32 $0xFFFFFF80  }
0x183: {  	_ =	swait.ge [sflag:s2], $0x80  }
0x184: {  	[sflag:s2] =	ssyncset.done $0x0  }
0x185: {  	[sflag:s2] =	ssyncadd.s32 $0xFFFFFF80  }
0x186: {  	_ =	swait.ge [sflag:s2], $0x80  }
0x187: {  	[sflag:s2] =	ssyncset.done $0x0  }
0x188: {  	s26 =	simm.s32 $0x0;
	[sflag:s2] =	ssyncadd.s32 $0xFFFFFF80  }
0x189: {  	v14 =	vld [tilespmem:s26+$0x65A0]  }
0x18a: {  	v15 =	vld [tilespmem:s26+$0x67A0]  }
0x18b: {  	v16 =	vld [tilespmem:s26+$0x5BA0]  }
0x18c: {  	v17 =	vld [tilespmem:s26+$0x57A0]  }
0x18d: {  	v18 =	vld [tilespmem:s26+$0x63A0]  }
0x18e: {  	v19 =	vld [tilespmem:s26+$0x59A0]  }
0x18f: {  	v20 =	vld [tilespmem:s26+$0x53A0]  }
0x190: {  	v21 =	vld [tilespmem:s26+$0x51A0];
	_ =	sdelay $0x1  }
0x191: {  	v22 =	vld [tilespmem:s26+$0x55A0]  }
0x192: {  	v17 =	vsub.f32 v18, v17;
	v14 =	vsub.f32 v14, v19  }
0x193: {  	v15 =	vsub.f32 v15, v16  }
0x194: {  	v4 =	vadd.f32 v21, v17;
	v3 =	vadd.f32 v20, v14;
	_ =	sdelay $0x1  }
0x195: {  	v2 =	vadd.f32 v22, v15;
	v14 =	vmul.f32 v3, v3;
	v15 =	vmul.f32 v4, v4;
	_ =	sdelay $0x1  }
0x196: {  	v14 =	vadd.f32 v14, v15;
	v15 =	vmul.f32 v2, v2;
	_ =	sdelay $0x1  }
0x197: {  	v29 =	vadd.f32 v15, v14;
	_ =	sdelay $0x1  }
0x198: {  	v14 =	vshra.s32 v29, $0x1;
	v49 =	vmul.f32 $5.000000000e-01, v29  }
0x199: {  	v14 =	vsub.s32 $0x5F3759DF, v14  }
0x19a: {  	v15 =	vmul.f32 v14, v49;
	_ =	sdelay $0x1  }
0x19b: {  	v15 =	vmul.f32 v14, v15;
	_ =	sdelay $0x1  }
0x19c: {  	v15 =	vsub.f32 $1.500000000e+00, v15  }
0x19d: {  	v58 =	vld [tilespmem:s26+$0x61A0]  }
0x19e: {  	v60 =	vld [tilespmem:s26+$0x6DA0];
	v14 =	vmul.f32 v14, v15;
	_ =	sdelay $0x1  }
0x19f: {  	v15 =	vmul.f32 v14, v49  }
0x1a0: {  	p4 =	por $0x1, $0x1  }
.Ltmp5:
0x1a1: {  	v15 =	vmul.f32 v15, v14;
	(pc) =	sbr.rel @!p4 .LBB3_7-.Ltmp5, $4  }
0x1a2: {  	v16 =	vadd.f32 v60, v58  }
0x1a3: {  	v54 =	vld [tilespmem:s26+$0x69A0];
	v15 =	vsub.f32 $1.500000000e+00, v15  }
0x1a4: {  	v56 =	vld [tilespmem:s26+$0x5DA0];
	v16 =	vmin.f32 v0, v16  }
0x1a5: {  	p2 =	por $0x0, $0x0;
	p3 =	por $0x0, $0x0;
	p1 =	por $0x0, $0x0;
	v60 =	vld [tilespmem:s26+$0x6BA0];
	(erf) = vrcp.f32 v16;
	v42 =	vmul.f32 v15, v14  }
0x1a6: {  	s18 =	simm.s32 $0x10  }
0x1a7: {  	v14 =	vld [tilespmem:s18+$0x65A0]  }
0x1a8: {  	v15 =	vld [tilespmem:s18+$0x67A0]  }
0x1a9: {  	v16 =	vld [tilespmem:s18+$0x5BA0]  }
0x1aa: {  	v17 =	vld [tilespmem:s18+$0x57A0]  }
0x1ab: {  	v18 =	vld [tilespmem:s18+$0x63A0]  }
0x1ac: {  	v19 =	vmul.f32 v42, v49;
	v20 =	vld [tilespmem:s18+$0x59A0]  }
0x1ad: {  	v21 =	vld [tilespmem:s18+$0x53A0]  }
0x1ae: {  	v22 =	vld [tilespmem:s18+$0x51A0];
	v19 =	vmul.f32 v19, v42  }
0x1af: {  	v23 =	vld [tilespmem:s26+$0x5FA0]  }
0x1b0: {  	v24 =	vld [tilespmem:s18+$0x55A0];
	v19 =	vsub.f32 $1.500000000e+00, v19  }
0x1b1: {  	v17 =	vsub.f32 v18, v17;
	v14 =	vsub.f32 v14, v20  }
0x1b2: {  	v15 =	vsub.f32 v15, v16;
	v5 =	vmul.f32 v19, v42  }
0x1b3: {  	v19 =	vadd.f32 v22, v17;
	v18 =	vadd.f32 v21, v14  }
0x1b4: {  	v53 =	vadd.f32 v60, v23;
	v14 =	vmul.f32 v5, v29  }
0x1b5: {  	v16 =	vadd.f32 v24, v15;
	v17 =	vmul.f32 v18, v18;
	v15 =	vmul.f32 v19, v19  }
0x1b6: {  	v20 =	vmul.f32 v14, v53  }
0x1b7: {  	v15 =	vadd.f32 v17, v15;
	v17 =	vmul.f32 v16, v16  }
0x1b8: {  	v32 =	vmul.f32 v20, v9  }
0x1b9: {  	v29 =	vadd.f32 v17, v15  }
0x1ba: {  	v15 =	vmul.f32 v32, v6  }
0x1bb: {  	v17 =	vshra.s32 v29, $0x1;
	v49 =	vmul.f32 $5.000000000e-01, v29  }
0x1bc: {  	v17 =	vsub.s32 $0x5F3759DF, v17;
	v15 =	vmul.f32 $1.442695020e+00, v15  }
0x1bd: {  	v1 =	vpop (erf);
	v20 =	vmul.f32 v17, v49  }
0x1be: {  	v14 =	vmul.f32 v14, v1;
	(erf) = vpow2.f32 v15  }
0x1bf: {  	v15 =	vmul.f32 v17, v20  }
0x1c0: {  	v50 =	vmul.f32 v54, v56;
	v14 =	vmin.f32 v14, $1.000000000e+00  }
0x1c1: {  	v40 =	vmul.f32 v14, v14;
	v15 =	vsub.f32 $1.500000000e+00, v15  }
0x1c2: {  	v21 =	vmul.f32 $1.439964490e+01, v50  }
0x1c3: {  	v51 =	vld [tilespmem:s18+$0x6DA0];
	v15 =	vmul.f32 v17, v15;
	v17 =	vmul.f32 v40, v40  }
0x1c4: {  	v52 =	vmul.f32 $5.000000000e-01, v21;
	v20 =	vld [tilespmem:s18+$0x61A0]  }
0x1c5: {  	v54 =	vmul.f32 v15, v49;
	v36 =	vmul.f32 v17, v14  }
0x1c6: {  	v23 =	vmul.f32 v5, v52;
	v17 =	vmul.f32 v32, v61  }
0x1c7: {  	p4 =	por $0x1, $0x1;
	v60 =	vmul.f32 v54, v15;
	v43 =	vpop (erf);
	v39 =	vmul.f32 v36, v14  }
.Ltmp6:
0x1c8: {  	v38 =	vmul.f32 $1.442695020e+00, v17;
	v17 =	vmul.f32 v43, v10;
	(pc) =	sbr.rel @!p4 .LBB3_9-.Ltmp6, $4  }
0x1c9: {  	v20 =	vadd.f32 v51, v20  }
0x1ca: {  	v56 =	vld [tilespmem:s18+$0x5DA0];
	v41 =	vmul.f32 v39, v14;
	v14 =	vmul.f32 v23, v5;
	[tilespmem:$0x1FF70] =	vst v17;
	v17 =	vsub.f32 $1.500000000e+00, v60  }
0x1cb: {  	v57 =	vmul.f32 v5, v21;
	v33 =	vmul.f32 v32, v7;
	v20 =	vmin.f32 v0, v20;
	v54 =	vld [tilespmem:s18+$0x69A0]  }
0x1cc: {  	p2 =	por $0x1, $0x1;
	(erf) = vrcp.f32 v20;
	v60 =	vld [tilespmem:s18+$0x6BA0];
	[tilespmem:$0x1FF80] =	vst v14;
	v42 =	vmul.f32 v17, v15  }
0x1cd: {  	s29 =	simm.s32 $0x20  }
0x1ce: {  	v14 =	vld [tilespmem:s29+$0x65A0]  }
0x1cf: {  	v15 =	vld [tilespmem:s29+$0x67A0]  }
0x1d0: {  	v17 =	vld [tilespmem:s29+$0x5BA0]  }
0x1d1: {  	v20 =	vld [tilespmem:s29+$0x57A0]  }
0x1d2: {  	v21 =	vld [tilespmem:s29+$0x63A0]  }
0x1d3: {  	v22 =	vmul.f32 v42, v49;
	v23 =	vld [tilespmem:s29+$0x59A0]  }
0x1d4: {  	v25 =	vld [tilespmem:s29+$0x53A0]  }
0x1d5: {  	v26 =	vld [tilespmem:s29+$0x51A0];
	v22 =	vmul.f32 v22, v42  }
0x1d6: {  	v27 =	vld [tilespmem:s18+$0x5FA0]  }
0x1d7: {  	v28 =	vld [tilespmem:s29+$0x55A0];
	v22 =	vsub.f32 $1.500000000e+00, v22  }
0x1d8: {  	v20 =	vsub.f32 v21, v20;
	v14 =	vsub.f32 v14, v23  }
0x1d9: {  	(erf) = vpow2.f32 v38;
	v15 =	vsub.f32 v15, v17;
	v24 =	vmul.f32 v22, v42  }
0x1da: {  	v21 =	vmul.f32 $-2.800000000e+01, v39;
	v51 =	vadd.f32 v26, v20;
	v50 =	vadd.f32 v25, v14  }
0x1db: {  	v27 =	vadd.f32 v60, v27;
	v14 =	vmul.f32 v54, v56;
	v17 =	vmul.f32 v24, v29  }
0x1dc: {  	v52 =	vadd.f32 v28, v15;
	v20 =	vmul.f32 v50, v50;
	v15 =	vmul.f32 v51, v51  }
0x1dd: {  	v23 =	vmul.f32 $4.800000000e+01, v41;
	v14 =	vmul.f32 $1.439964490e+01, v14  }
0x1de: {  	v31 =	vpop (erf);
	v22 =	vmul.f32 v17, v27;
	v15 =	vadd.f32 v20, v15;
	v20 =	vmul.f32 v52, v52  }
0x1df: {  	v25 =	vmul.f32 v32, v63;
	v17 =	vmul.f32 v17, v31  }
0x1e0: {  	v26 =	vmul.f32 $5.000000000e-01, v14;
	v32 =	vmul.f32 v22, v9;
	v29 =	vadd.f32 v20, v15  }
0x1e1: {  	v30 =	vmul.f32 v24, v14;
	v20 =	vmul.f32 $1.442695020e+00, v25  }
0x1e2: {  	v22 =	vmul.f32 v32, v6;
	v25 =	vshra.s32 v29, $0x1;
	v49 =	vmul.f32 $5.000000000e-01, v29  }
0x1e3: {  	v14 =	vmul.f32 $1.442695020e+00, v33;
	v28 =	vmul.f32 v24, v26;
	v25 =	vsub.s32 $0x5F3759DF, v25  }
0x1e4: {  	[tilespmem:$0x1FE80] =	vst v2;
	v22 =	vmul.f32 $1.442695020e+00, v22;
	v26 =	vmul.f32 v25, v49  }
0x1e5: {  	[tilespmem:$0x1FE90] =	vst v3;
	v15 =	vmul.f32 $-2.100000000e+01, v39;
	(erf) = vpow2.f32 v20  }
0x1e6: {  	[tilespmem:$0x1FEA0] =	vst v4;
	v35 =	vadd.f32 $1.000000000e+00, v21;
	v20 =	vld [tilespmem:s29+$0x61A0];
	(erf) = vpow2.f32 v22;
	v22 =	vmul.f32 v25, v26  }
0x1e7: {  	[tilespmem:$0x1FEB0] =	vst v5;
	v21 =	vmul.f32 $3.360000000e+02, v39;
	v17 =	vmin.f32 v17, $1.000000000e+00;
	v26 =	vld [tilespmem:s29+$0x6DA0];
	(erf) = vpow2.f32 v14  }
0x1e8: {  	[tilespmem:$0x1FEC0] =	vst v53;
	v34 =	vpop (erf);
	v48 =	vmul.f32 v15, v40;
	v15 =	vmul.f32 v32, v61;
	v22 =	vsub.f32 $1.500000000e+00, v22  }
0x1e9: {  	[tilespmem:$0x1FED0] =	vst v57;
	v37 =	vmul.f32 v34, v55;
	v40 =	vmul.f32 v17, v17  }
0x1ea: {  	[tilespmem:$0x1FEE0] =	vst v1;
	v38 =	vmul.f32 $1.442695020e+00, v15;
	v14 =	vmul.f32 v25, v22  }
0x1eb: {  	[tilespmem:$0x1FEF0] =	vst v43;
	v58 =	vadd.f32 v23, v35;
	v15 =	vmul.f32 v40, v40;
	v22 =	vmul.f32 $1.680000000e+02, v36  }
0x1ec: {  	v45 =	vmul.f32 v34, v13;
	[tilespmem:$0x1FF10] =	vst v37;
	v20 =	vadd.f32 v26, v20;
	v25 =	vmul.f32 v14, v49  }
0x1ed: {  	p4 =	por $0x1, $0x1;
	[tilespmem:$0x1FF40] =	vst v58;
	v36 =	vmul.f32 v15, v17;
	v22 =	vsub.f32 v21, v22  }
.Ltmp7:
0x1ee: {  	[tilespmem:$0x1FF50] =	vst v45;
	v44 =	vpop (erf);
	v15 =	vmin.f32 v0, v20;
	v20 =	vmul.f32 $1.680000000e+02, v41;
	v25 =	vmul.f32 v25, v14;
	(pc) =	sbr.rel @!p4 .LBB3_11-.Ltmp7, $4  }
0x1ef: {  	v33 =	vmul.f32 v32, v7;
	[tilespmem:$0x1FF00] =	vst v48;
	v39 =	vmul.f32 v36, v17;
	v21 =	vpop (erf)  }
0x1f0: {  	v60 =	vld [tilespmem:s29+$0x6BA0];
	v28 =	vmul.f32 v28, v24;
	[tilespmem:$0x1FF20] =	vst v44;
	v47 =	vsub.f32 v22, v20;
	v46 =	vpop (erf);
	v25 =	vsub.f32 $1.500000000e+00, v25  }
0x1f1: {  	v54 =	vld [tilespmem:s29+$0x69A0];
	(erf) = vrcp.f32 v15;
	v41 =	vmul.f32 v39, v17;
	[tilespmem:$0x1FF60] =	vst v46  }
0x1f2: {  	p3 =	por $0x1, $0x1;
	v56 =	vld [tilespmem:s29+$0x5DA0];
	v26 =	vmul.f32 v21, v10;
	[tilespmem:$0x1FF30] =	vst v47;
	v42 =	vmul.f32 v25, v14  }
0x1f3: {  	s30 =	simm.s32 $0x30;
	v20 =	vld [tilespmem:s29+$0x5FA0];
	v22 =	vmul.f32 v46, v11  }
0x1f4: {  	v14 =	vmul.f32 v43, v12;
	v15 =	vmul.f32 v42, v49;
	v34 =	vld [tilespmem:s30+$0x65A0]  }
0x1f5: {  	v25 =	vmul.f32 v44, v62;
	v62 =	vmul.f32 v44, v8;
	v44 =	vld [tilespmem:s30+$0x5BA0];
	v22 =	vadd.f32 v22, v45  }
0x1f6: {  	v35 =	vmul.f32 $4.800000000e+01, v41;
	v49 =	vld [tilespmem:s30+$0x63A0];
	v15 =	vmul.f32 v15, v42  }
0x1f7: {  	v45 =	vmul.f32 v46, v59;
	v46 =	vld [tilespmem:s30+$0x57A0];
	v23 =	vmul.f32 v54, v56;
	v14 =	vadd.f32 v22, v14  }
0x1f8: {  	v17 =	vmov v37;
	v32 =	vmul.f32 v32, v63;
	[tilespmem:$0x1FE60] =	vst v35;
	v35 =	vld [tilespmem:s30+$0x67A0];
	v15 =	vsub.f32 $1.500000000e+00, v15  }
0x1f9: {  	v54 =	vmovc v47;
	v22 =	vadd.f32 v48, v58;
	v23 =	vmul.f32 $1.439964490e+01, v23;
	v14 =	vadd.f32 v14, v62;
	v62 =	vld [tilespmem:$0x1FF70]  }
0x1fa: {  	v59 =	vmovc v61;
	v61 =	vadd.f32 v60, v20;
	v58 =	vmul.f32 v15, v42;
	v42 =	vmul.f32 v54, v1;
	v15 =	vld [tilespmem:s30+$0x59A0]  }
0x1fb: {  	v43 =	vld [tilespmem:s30+$0x51A0];
	v54 =	vmul.f32 $1.442695020e+00, v32;
	v32 =	vadd.f32 v45, v17;
	v17 =	vmovc v6;
	v47 =	vmul.f32 $5.000000000e-01, v23  }
0x1fc: {  	v20 =	vld [tilespmem:s30+$0x53A0];
	v6 =	vmovc v59;
	v60 =	vsub.f32 v49, v46;
	v14 =	vmul.f32 v22, v14;
	v29 =	vmul.f32 v58, v29  }
0x1fd: {  	v63 =	vpop (erf);
	v59 =	vmul.f32 v58, v23;
	v23 =	vsub.f32 v35, v44;
	v44 =	vmul.f32 $1.442695020e+00, v33;
	v33 =	vld [tilespmem:s30+$0x55A0]  }
0x1fe: {  	v56 =	vmul.f32 v29, v61;
	v46 =	vmul.f32 v29, v63;
	v29 =	vadd.f32 v32, v62  }
0x1ff: {  	v37 =	vmul.f32 $-2.800000000e+01, v39;
	v1 =	vmul.f32 v14, v53;
	v15 =	vsub.f32 v34, v15  }
0x200: {  	(erf) = vpow2.f32 v38;
	v14 =	vadd.f32 v43, v60;
	v25 =	vadd.f32 v29, v25  }
0x201: {  	v32 =	vmul.f32 v56, v9;
	v15 =	vadd.f32 v20, v15;
	v20 =	vmul.f32 v1, v9  }
0x202: {  	v62 =	vadd.f32 v33, v23;
	v23 =	vmul.f32 v14, v14;
	v29 =	vmul.f32 v22, v25  }
0x203: {  	v49 =	vmul.f32 v42, v25;
	v56 =	vmul.f32 v15, v15  }
0x204: {  	v41 =	vmul.f32 $1.680000000e+02, v41;
	v45 =	vmul.f32 v62, v62  }
0x205: {  	v20 =	vadd.f32 v20, v49;
	v29 =	vmul.f32 v29, v5;
	v23 =	vadd.f32 v56, v23;
	v56 =	vld [tilespmem:$0x1FF80]  }
0x206: {  	v48 =	vmul.f32 $-2.100000000e+01, v39;
	(erf) = vpow2.f32 v54  }
0x207: {  	v47 =	vmul.f32 v58, v47;
	v20 =	vsub.f32 v20, v29;
	v29 =	vadd.f32 v45, v23  }
0x208: {  	v60 =	vmul.f32 v32, v17;
	v1 =	vmul.f32 v32, v6  }
0x209: {  	v23 =	vmul.f32 v25, v57;
	v57 =	vshra.s32 v29, $0x1;
	v49 =	vmul.f32 $5.000000000e-01, v29  }
0x20a: {  	[tilespmem:$0x1FE70] =	vst v47;
	v47 =	vmul.f32 $1.442695020e+00, v60;
	v20 =	vmul.f32 v20, v56;
	v34 =	vsub.s32 $0x5F3759DF, v57  }
0x20b: {  	v22 =	vmul.f32 v22, v23;
	v60 =	vmul.f32 v34, v49  }
0x20c: {  	(erf) = vpow2.f32 v47;
	v25 =	vld [tilespmem:s30+$0x61A0];
	v42 =	vmul.f32 v20, v4  }
0x20d: {  	v23 =	vld [tilespmem:s30+$0x6DA0];
	[tilespmem:s26+$0x7BA0] =	vst v22;
	v47 =	vmul.f32 v20, v3;
	v35 =	vmul.f32 v34, v60  }
0x20e: {  	v53 =	vmul.f32 v48, v40;
	v20 =	vmul.f32 v20, v2;
	[tilespmem:s26+$0x6FA0] =	vst v42  }
0x20f: {  	v48 =	vpop (erf);
	v38 =	vmul.f32 $1.442695020e+00, v1;
	[tilespmem:s26+$0x71A0] =	vst v47;
	v1 =	vsub.f32 $0.0e+00, v42;
	v35 =	vsub.f32 $1.500000000e+00, v35  }
0x210: {  	v43 =	vmul.f32 v48, v55;
	v45 =	vmul.f32 $3.360000000e+02, v39;
	[tilespmem:s26+$0x73A0] =	vst v20;
	v54 =	vsub.f32 $0.0e+00, v20  }
0x211: {  	(erf) = vpow2.f32 v44;
	v56 =	vsub.f32 $0.0e+00, v47;
	[tilespmem:s26+$0x75A0] =	vst v1;
	v60 =	vmul.f32 v34, v35  }
0x212: {  	v22 =	vmin.f32 v46, $1.000000000e+00;
	v46 =	vmul.f32 $1.680000000e+02, v36;
	v57 =	vmul.f32 v20, v3;
	[tilespmem:s26+$0x79A0] =	vst v54  }
0x213: {  	[tilespmem:s26+$0x77A0] =	vst v56;
	v34 =	vmul.f32 v47, v4;
	v1 =	vmul.f32 v60, v49  }
0x214: {  	v40 =	vmul.f32 v22, v22;
	[tilespmem:s26+$0x87A0] =	vst v57;
	v56 =	vmul.f32 v42, v3  }
0x215: {  	v23 =	vadd.f32 v23, v25;
	v25 =	vadd.f32 $1.000000000e+00, v37;
	[tilespmem:s26+$0x7FA0] =	vst v34;
	v37 =	vmul.f32 v1, v60  }
0x216: {  	v57 =	vmul.f32 v20, v4;
	v20 =	vmul.f32 v20, v2;
	v54 =	vld [tilespmem:s30+$0x69A0];
	[tilespmem:s26+$0x83A0] =	vst v56  }
0x217: {  	v5 =	vmovc v55;
	v55 =	vmul.f32 v42, v4;
	v35 =	vmul.f32 v40, v40;
	v56 =	vld [tilespmem:s30+$0x5DA0];
	v37 =	vsub.f32 $1.500000000e+00, v37  }
0x218: {  	v1 =	vmul.f32 v47, v3;
	[tilespmem:s26+$0x8DA0] =	vst v20;
	v20 =	vmul.f32 v47, v2;
	v47 =	vld [tilespmem:$0x1FE60]  }
0x219: {  	p5 =	por $0x1, $0x1;
	v17 =	vsub.f32 v45, v46;
	v45 =	vmul.f32 v42, v2;
	v42 =	vmul.f32 v37, v60;
	v37 =	vld [tilespmem:$0x1FE70]  }
.Ltmp8:
0x21a: {  	v33 =	vmul.f32 v32, v7;
	v44 =	vpop (erf);
	v23 =	vmin.f32 v0, v23;
	v36 =	vmul.f32 v35, v22;
	(pc) =	sbr.rel @!p5 .LBB3_13-.Ltmp8, $4  }
0x21b: {  	(erf) = vrcp.f32 v23;
	v23 =	vmul.f32 v48, v13;
	v34 =	vpop (erf)  }
0x21c: {  	v6 =	vmovc v7;
	v7 =	vmovc v10;
	v39 =	vmul.f32 v36, v22;
	v35 =	vmul.f32 v34, v10;
	v10 =	vmov v8  }
0x21d: {  	v8 =	vmovc v12;
	v12 =	vmovc v11;
	v11 =	vmov v13;
	v13 =	vmov v0;
	[tilespmem:s26+$0x85A0] =	vst v1;
	v46 =	vadd.f32 v47, v25  }
0x21e: {  	s19 =	simm.s32 $0x100;
	p4 =	por $0x1, $0x1;
	s31 =	simm.s32 $0x0;
	v48 =	vpop (erf);
	v60 =	vld [tilespmem:s30+$0x6BA0];
	[tilespmem:s26+$0x8BA0] =	vst v20;
	v47 =	vsub.f32 v17, v41;
	v41 =	vmul.f32 v39, v22;
	v37 =	vmul.f32 v37, v58  }
.LBB3_14:
0x21f: {  	v17 =	vld [tilespmem:s30+$0x5FA0]  }
0x220: {  	v0 =	vld [tilespmem:$0x1FFD0]  }
0x221: {  	s1 =	sshra.s32 s19, $0x2;
	v1 =	vld [tilespmem:$0x1FFB0];
	[tilespmem:s31+$0x89A0] =	vst v45  }
0x222: {  	v20 =	vmul.f32 $-2.800000000e+01, v39;
	v25 =	vld [tilespmem:s1+$0x61A0];
	[tilespmem:s31+$0x81A0] =	vst v57  }
0x223: {  	v22 =	vmul.f32 v21, v8;
	v21 =	vmov v34;
	v34 =	vmul.f32 v42, v49;
	v49 =	vld [tilespmem:s1+$0x6DA0];
	[tilespmem:s31+$0x7DA0] =	vst v55  }
0x224: {  	v45 =	vmul.f32 v48, v12;
	v54 =	vmul.f32 v54, v56;
	v56 =	vadd.f32 $1.000000000e+00, v20;
	s31 =	smov.u32 s18;
	v55 =	vld [tilespmem:s1+$0x65A0]  }
0x225: {  	s18 =	smov.u32 s29;
	s29 =	smov.u32 s30;
	v20 =	vmul.f32 v34, v42;
	s30 =	smov.u32 s1;
	v57 =	vmul.f32 v44, v0;
	v0 =	vadd.f32 v53, v46;
	v53 =	vld [tilespmem:$0x1FFF0]  }
0x226: {  	v2 =	vmul.f32 $-2.100000000e+01, v39;
	v23 =	vadd.f32 v45, v23;
	v45 =	vld [tilespmem:s30+$0x67A0]  }
0x227: {  	v47 =	vmul.f32 v47, v31;
	v34 =	vmul.f32 $4.800000000e+01, v41;
	v3 =	vld [tilespmem:s30+$0x59A0];
	v20 =	vsub.f32 $1.500000000e+00, v20  }
0x228: {  	v54 =	vmul.f32 $1.439964490e+01, v54;
	v44 =	vmul.f32 v44, v10;
	v46 =	vld [tilespmem:s30+$0x5BA0]  }
0x229: {  	v32 =	vmul.f32 v32, v1;
	v22 =	vadd.f32 v23, v22;
	v23 =	vld [tilespmem:s30+$0x63A0];
	v42 =	vmul.f32 v20, v42  }
0x22a: {  	v31 =	vmov v63;
	v1 =	vmul.f32 $5.000000000e-01, v54;
	v48 =	vmul.f32 v48, v53;
	v53 =	vld [tilespmem:s30+$0x57A0]  }
0x22b: {  	v4 =	vld [tilespmem:$0x1FFE0];
	v60 =	vadd.f32 v60, v17;
	v22 =	vadd.f32 v22, v44;
	v17 =	vpop (erf);
	v29 =	vmul.f32 v42, v29  }
0x22c: {  	v20 =	vadd.f32 v49, v25;
	v63 =	vmovc v17;
	v17 =	vmul.f32 v42, v1;
	v1 =	vadd.f32 v48, v43;
	v43 =	vld [tilespmem:s30+$0x51A0]  }
0x22d: {  	v25 =	vmul.f32 $1.442695020e+00, v32;
	v45 =	vsub.f32 v45, v46;
	v46 =	vmul.f32 v29, v60  }
0x22e: {  	v44 =	vld [tilespmem:s30+$0x53A0];
	(erf) = vpow2.f32 v38;
	v22 =	vmul.f32 v0, v22;
	v3 =	vsub.f32 v55, v3  }
0x22f: {  	v55 =	vmul.f32 $1.680000000e+02, v36;
	v32 =	vmul.f32 v46, v9;
	v23 =	vsub.f32 v23, v53  }
0x230: {  	v49 =	vld [tilespmem:s30+$0x55A0];
	(erf) = vpow2.f32 v25;
	v25 =	vmul.f32 $3.360000000e+02, v39;
	v1 =	vadd.f32 v1, v26  }
0x231: {  	v53 =	vmul.f32 v2, v40;
	v2 =	vadd.f32 v43, v23;
	v23 =	vmul.f32 v32, v4;
	v4 =	vld [tilespmem:$0x1FFC0]  }
0x232: {  	v29 =	vmul.f32 v29, v63;
	v22 =	vmul.f32 v22, v27  }
0x233: {  	v48 =	vmul.f32 v42, v54;
	v3 =	vadd.f32 v44, v3;
	v1 =	vadd.f32 v1, v57  }
0x234: {  	v54 =	vmul.f32 $1.442695020e+00, v33;
	v22 =	vmul.f32 v22, v9  }
0x235: {  	v27 =	vmovc v61;
	v61 =	vmovc v60;
	v60 =	vmin.f32 v29, $1.000000000e+00;
	v29 =	vmul.f32 v3, v3;
	v47 =	vmul.f32 v47, v1  }
0x236: {  	v38 =	vmul.f32 v2, v2;
	v57 =	vmul.f32 v32, v4;
	v4 =	vadd.f32 v49, v45  }
0x237: {  	v40 =	vmul.f32 v60, v60;
	v22 =	vadd.f32 v22, v47;
	v45 =	vmul.f32 v0, v1  }
0x238: {  	v47 =	vmul.f32 $1.680000000e+02, v41;
	v29 =	vadd.f32 v29, v38;
	v49 =	vmul.f32 v4, v4  }
0x239: {  	v25 =	vsub.f32 v25, v55;
	v38 =	vmul.f32 $1.442695020e+00, v23;
	v23 =	vmul.f32 v45, v24  }
0x23a: {  	v33 =	vmul.f32 v32, v6;
	v1 =	vmul.f32 v1, v30;
	v29 =	vadd.f32 v49, v29  }
0x23b: {  	v47 =	vsub.f32 v25, v47;
	v25 =	vmul.f32 v40, v40;
	v22 =	vsub.f32 v22, v23  }
0x23c: {  	v26 =	vmovc v35;
	v35 =	vmul.f32 $1.442695020e+00, v57;
	v23 =	vshra.s32 v29, $0x1;
	v49 =	vmul.f32 $5.000000000e-01, v29  }
0x23d: {  	v0 =	vmul.f32 v0, v1;
	v57 =	vmul.f32 v22, v28;
	v23 =	vsub.s32 $0x5F3759DF, v23  }
0x23e: {  	v30 =	vmov v59;
	(erf) = vpow2.f32 v35;
	v22 =	vmul.f32 v23, v49  }
0x23f: {  	v59 =	vmovc v48;
	v24 =	vmovc v58;
	v36 =	vmul.f32 v25, v60;
	v28 =	vmov v37;
	v37 =	vmul.f32 v57, v19  }
0x240: {  	v58 =	vmov v42;
	v42 =	vpop (erf);
	[tilespmem:s31+$0x7BA0] =	vst v0;
	v41 =	vmul.f32 v57, v18;
	v48 =	vmul.f32 v23, v22  }
0x241: {  	v43 =	vmul.f32 v42, v5;
	v1 =	vmul.f32 v57, v16;
	[tilespmem:s31+$0x6FA0] =	vst v37  }
0x242: {  	(erf) = vpow2.f32 v54;
	[tilespmem:s31+$0x71A0] =	vst v41;
	v22 =	vsub.f32 $0.0e+00, v37;
	v0 =	vsub.f32 $1.500000000e+00, v48  }
0x243: {  	v39 =	vmul.f32 v36, v60;
	v55 =	vmul.f32 v37, v19;
	[tilespmem:s31+$0x73A0] =	vst v1;
	v54 =	vsub.f32 $0.0e+00, v1  }
0x244: {  	v57 =	vmul.f32 v1, v19;
	[tilespmem:s31+$0x75A0] =	vst v22;
	v22 =	vsub.f32 $0.0e+00, v41;
	v0 =	vmul.f32 v23, v0  }
0x245: {  	v25 =	vmul.f32 v37, v18;
	[tilespmem:s31+$0x79A0] =	vst v54;
	v23 =	vmul.f32 v1, v18  }
0x246: {  	v46 =	vadd.f32 v34, v56;
	v44 =	vpop (erf);
	[tilespmem:s31+$0x77A0] =	vst v22;
	v22 =	vmul.f32 v41, v19;
	v56 =	vmul.f32 v0, v49  }
0x247: {  	p5 =	sne.s32 s19, $0x7C0;
	v45 =	vmul.f32 v37, v16;
	v37 =	vmul.f32 v17, v58;
	v34 =	vpop (erf);
	v19 =	vmov v51;
	[tilespmem:s31+$0x87A0] =	vst v23  }
.Ltmp9:
0x248: {  	v51 =	vmovc v14;
	v14 =	vmov v2;
	[tilespmem:s31+$0x7FA0] =	vst v22;
	v22 =	vmul.f32 v41, v18;
	v2 =	vmul.f32 v56, v0;
	(pc) =	sbr.rel @p5 .LBB3_14-.Ltmp9, $4  }
0x249: {  	v20 =	vmin.f32 v13, v20;
	v35 =	vmul.f32 v34, v7;
	v1 =	vmul.f32 v1, v16;
	v54 =	vld [tilespmem:s30+$0x69A0];
	[tilespmem:s31+$0x83A0] =	vst v25  }
0x24a: {  	v18 =	vmovc v50;
	v50 =	vmovc v15;
	v15 =	vmov v3;
	v3 =	vmul.f32 v41, v16;
	v56 =	vld [tilespmem:s30+$0x5DA0];
	[tilespmem:s31+$0x85A0] =	vst v22;
	v2 =	vsub.f32 $1.500000000e+00, v2  }
0x24b: {  	v48 =	vpop (erf);
	(erf) = vrcp.f32 v20;
	v23 =	vmul.f32 v42, v11;
	v16 =	vmov v52;
	[tilespmem:s31+$0x8DA0] =	vst v1  }
0x24c: {  	s19 =	sadd.s32 $0x40, s19;
	v41 =	vmul.f32 v39, v60;
	v52 =	vmovc v62;
	v62 =	vmov v4;
	v60 =	vld [tilespmem:s30+$0x6BA0];
	[tilespmem:s31+$0x8BA0] =	vst v3;
	v42 =	vmul.f32 v2, v0  }
0x24d: {  	v4 =	vmovc v21;
	v5 =	vmovc v31;
	v2 =	vmov v27;
	v20 =	vmov v26;
	v1 =	vmov v24  }
0x24e: {  	v3 =	vmovc v30;
	v0 =	vmovc v28;
	v25 =	vmov v19;
	v22 =	vmov v18;
	v17 =	vmov v16  }
0x24f: {  	v21 =	vmovc v34;
	v31 =	vmovc v63;
	v27 =	vmov v61;
	v26 =	vmov v35;
	v30 =	vmov v59;
	v59 =	vld [tilespmem:$0x1FFF0]  }
0x250: {  	v24 =	vmovc v58;
	v28 =	vmovc v37;
	v58 =	vmov v51;
	v19 =	vmov v14;
	v16 =	vmov v62;
	v62 =	vld [tilespmem:$0x1FFD0]  }
0x251: {  	v14 =	vmovc v50;
	v18 =	vmovc v15;
	v15 =	vmov v52;
	v37 =	vmov v7;
	v61 =	vld [tilespmem:$0x1FFE0];
	v63 =	vmov v6  }
0x252: {  	v6 =	vld [tilespmem:$0x1FFC0];
	v13 =	vmovc v11;
	v11 =	vmovc v12;
	v12 =	vmov v8;
	v8 =	vmov v10;
	v35 =	vmov v2  }
0x253: {  	s19 =	smov.u32 s18;
	s18 =	smov.u32 s29;
	v51 =	vmovc v1;
	v50 =	vmovc v0;
	v52 =	vmov v3;
	v7 =	vmov v63;
	v63 =	vld [tilespmem:$0x1FFB0];
	v10 =	vmov v37  }
.LBB3_16:
0x254: {  	v0 =	vmul.f32 v42, v49;
	_ =	sdelay $0x1  }
0x255: {  	v0 =	vmul.f32 v0, v42  }
0x256: {  	v1 =	vld [tilespmem:s30+$0x5FA0]  }
0x257: {  	v0 =	vsub.f32 $1.500000000e+00, v0;
	_ =	sdelay $0x1  }
0x258: {  	v42 =	vmul.f32 v0, v42;
	_ =	sdelay $0x1  }
0x259: {  	v49 =	vadd.f32 v60, v1;
	v0 =	vmul.f32 v42, v29;
	_ =	sdelay $0x1  }
0x25a: {  	v1 =	vmul.f32 v0, v49  }
0x25b: {  	v3 =	vmul.f32 @p3 v48, v11;
	v2 =	vmul.f32 @p2 v32, v63  }
0x25c: {  	v1 =	vmul.f32 v1, v9  }
0x25d: {  	v4 =	vmul.f32 @p3 v4, v12;
	v3 =	vadd.f32 @p3 v3, v23;
	v2 =	vmul.f32 @p2 $1.442695020e+00, v2  }
0x25e: {  	(erf) = vpow2.f32 @p2 v38;
	v38 =	vmul.f32 v1, v6  }
0x25f: {  	(erf) = vpow2.f32 @p2 v2;
	v2 =	vadd.f32 @p3 v3, v4;
	v3 =	vmul.f32 @p3 v44, v8  }
0x260: {  	v23 =	vmul.f32 @p3 v48, v59;
	v4 =	vmul.f32 $1.442695020e+00, v38  }
0x261: {  	v32 =	vadd.f32 @p3 v53, v46;
	v29 =	vmul.f32 @p2 $1.442695020e+00, v33;
	v2 =	vadd.f32 @p3 v2, v3  }
0x262: {  	(erf) = vpow2.f32 v4  }
0x263: {  	v3 =	vadd.f32 @p3 v23, v43;
	v2 =	vmul.f32 @p3 v32, v2;
	(erf) = vpow2.f32 @p2 v29;
	_ =	sdelay $0x1  }
0x264: {  	v3 =	vadd.f32 @p3 v3, v20;
	v2 =	vmul.f32 @p3 v2, v35;
	v4 =	vmul.f32 @p3 v44, v62  }
0x265: {  	v33 =	vmul.f32 @p3 v47, v5  }
0x266: {  	v2 =	vmul.f32 @p3 v2, v9;
	v29 =	vmul.f32 @p2 $-2.800000000e+01, v39;
	v3 =	vadd.f32 @p3 v3, v4  }
0x267: {  	v5 =	vld [tilespmem:$0x1FF60];
	v20 =	vpop (erf);
	v38 =	vmul.f32 @p2 $4.800000000e+01, v41;
	v4 =	vmul.f32 @p2 $-2.100000000e+01, v39  }
0x268: {  	v34 =	vpop @p2 (erf);
	v35 =	vmul.f32 @p3 v32, v3;
	v33 =	vmul.f32 @p3 v33, v3  }
0x269: {  	v37 =	vadd.f32 @p2 $1.000000000e+00, v29;
	v4 =	vmul.f32 @p2 v4, v40;
	v40 =	vpop @p2 (erf)  }
0x26a: {  	v2 =	vadd.f32 @p3 v2, v33;
	v33 =	vmul.f32 @p3 v35, v51;
	v29 =	vpop (erf)  }
0x26b: {  	v37 =	vadd.f32 @p2 v38, v37;
	v38 =	vpop @p2 (erf)  }
0x26c: {  	v2 =	vsub.f32 @p3 v2, v33;
	v33 =	vpsel p2, v38, v5;
	v5 =	vld [tilespmem:$0x1FEF0];
	_ =	sdelay $0x4  }
0x26d: {  	v21 =	vpsel p2, v21, v5;
	v5 =	vld [tilespmem:$0x1FF50];
	_ =	sdelay $0x1  }
0x26e: {  	v36 =	vmul.f32 @p2 $1.680000000e+02, v36;
	v3 =	vmul.f32 @p3 v3, v52  }
0x26f: {  	v35 =	vmul.f32 @p2 $3.360000000e+02, v39;
	v38 =	vmul.f32 @p2 v34, v13;
	_ =	sdelay $0x1  }
0x270: {  	v3 =	vmul.f32 @p3 v32, v3;
	v32 =	vsub.f32 @p2 v35, v36;
	v36 =	vpsel p2, v38, v5;
	v5 =	vld [tilespmem:$0x1FF20];
	_ =	sdelay $0x2  }
0x271: {  	v35 =	vmul.f32 @p2 v33, v11;
	_ =	sdelay $0x1  }
0x272: {  	v35 =	vadd.f32 @p2 v35, v36;
	v36 =	vpsel p2, v40, v5;
	v5 =	vld [tilespmem:$0x1FF40];
	_ =	sdelay $0x4  }
0x273: {  	v37 =	vpsel p2, v37, v5;
	v5 =	vld [tilespmem:$0x1FF00];
	_ =	sdelay $0x4  }
0x274: {  	v4 =	vpsel p2, v4, v5;
	v5 =	vld [tilespmem:$0x1FEE0];
	_ =	sdelay $0x3  }
0x275: {  	v43 =	vld [tilespmem:$0x1FEB0]  }
0x276: {  	v23 =	vmul.f32 v54, v56;
	v31 =	vpsel p2, v31, v5;
	v5 =	vld [tilespmem:$0x1FF30]  }
0x277: {  	v53 =	vmul.f32 v1, v61;
	v44 =	vld [tilespmem:$0x1FED0];
	v38 =	vmul.f32 @p2 $1.680000000e+02, v41  }
0x278: {  	v54 =	vmul.f32 v1, v7;
	v1 =	vmul.f32 v1, v63  }
0x279: {  	v0 =	vmul.f32 v0, v20;
	v21 =	vmul.f32 @p2 v21, v12;
	v32 =	vsub.f32 @p2 v32, v38  }
0x27a: {  	v24 =	vpsel p2, v24, v43;
	v43 =	vmul.f32 $1.439964490e+01, v23;
	v1 =	vmul.f32 $1.442695020e+00, v1  }
0x27b: {  	v21 =	vadd.f32 @p2 v35, v21;
	v35 =	vmul.f32 @p2 v36, v8;
	v32 =	vpsel p2, v32, v5;
	v5 =	vld [tilespmem:$0x1FEC0]  }
0x27c: {  	v30 =	vpsel p2, v30, v44;
	v4 =	vadd.f32 @p2 v4, v37;
	v37 =	vmul.f32 $1.442695020e+00, v53  }
0x27d: {  	v2 =	vmul.f32 @p3 v2, v50;
	v44 =	vmul.f32 v29, v10;
	v21 =	vadd.f32 @p2 v21, v35  }
0x27e: {  	v33 =	vmul.f32 @p2 v33, v59;
	(erf) = vpow2.f32 v37  }
0x27f: {  	v46 =	vld [tilespmem:$0x1FF80];
	v0 =	vmin.f32 v0, $1.000000000e+00;
	v38 =	vmul.f32 @p3 v2, v25;
	v21 =	vmul.f32 @p2 v4, v21  }
0x280: {  	v60 =	vld [tilespmem:$0x1FF70];
	v35 =	vmul.f32 $1.442695020e+00, v54;
	(erf) = vpow2.f32 v1;
	v27 =	vpsel p2, v27, v5  }
0x281: {  	v5 =	vld [tilespmem:$0x1FF90];
	v21 =	vmul.f32 @p2 v21, v27;
	v27 =	vmul.f32 v0, v0  }
0x282: {  	v31 =	vmul.f32 @p2 v32, v31;
	v32 =	vmul.f32 @p3 v2, v22  }
0x283: {  	v56 =	vld [tilespmem:$0x1FF10];
	v2 =	vmul.f32 @p3 v2, v17;
	v47 =	vmul.f32 v27, v27  }
0x284: {  	[tilespmem:s31+$0x89A0] =	vst @p4 v45;
	v37 =	vmul.f32 @p3 v38, v25;
	(erf) = vpow2.f32 v35  }
0x285: {  	[tilespmem:s31+$0x81A0] =	vst @p4 v57;
	v28 =	vpsel p2, v28, v46;
	v1 =	vmul.f32 @p3 v2, v25;
	v48 =	vmul.f32 v47, v0  }
0x286: {  	v26 =	vpsel p2, v26, v60;
	v39 =	vmovc @p2 v58;
	v35 =	vmul.f32 @p3 v2, v22;
	v34 =	vmul.f32 @p2 v34, v5  }
0x287: {  	[tilespmem:s31+$0x7DA0] =	vst @p4 v55;
	v58 =	vpop (erf);
	v25 =	vmul.f32 @p3 v32, v25;
	v55 =	vmov v5;
	v5 =	vld [tilespmem:$0x1FEA0];
	v50 =	vmul.f32 v48, v0  }
0x288: {  	[tilespmem:s19+$0x87A0] =	vst @p3 v35;
	v35 =	vmul.f32 v58, v13;
	v21 =	vmul.f32 @p2 v21, v9;
	v34 =	vpsel p2, v34, v56  }
0x289: {  	v56 =	vmul.f32 $1.680000000e+02, v48;
	v33 =	vadd.f32 @p2 v33, v34;
	v0 =	vmul.f32 v50, v0  }
0x28a: {  	v34 =	vsub.f32 @p3 $0.0e+00, v38;
	v51 =	vmul.f32 $-2.800000000e+01, v50;
	v52 =	vmul.f32 $-2.100000000e+01, v50  }
0x28b: {  	[tilespmem:s19+$0x7BA0] =	vst @p3 v3;
	v54 =	vmul.f32 $3.360000000e+02, v50;
	v3 =	vadd.f32 @p2 v33, v26;
	v33 =	vmul.f32 @p2 v36, v62  }
0x28c: {  	v26 =	vmul.f32 @p3 v2, v17;
	v39 =	vpsel p2, v39, v5;
	v5 =	vld [tilespmem:$0x1FE90];
	v57 =	vmul.f32 $4.800000000e+01, v0  }
0x28d: {  	[tilespmem:s19+$0x6FA0] =	vst @p3 v38;
	v0 =	vmul.f32 $1.680000000e+02, v0;
	v3 =	vadd.f32 @p2 v3, v33;
	v33 =	vmul.f32 @p3 v38, v22  }
0x28e: {  	[tilespmem:s19+$0x73A0] =	vst @p3 v2;
	v2 =	vsub.f32 @p3 $0.0e+00, v2;
	v22 =	vmul.f32 @p3 v32, v22;
	v38 =	vmul.f32 @p3 v38, v17  }
0x28f: {  	[tilespmem:s19+$0x71A0] =	vst @p3 v32;
	v60 =	vsub.f32 v54, v56;
	v17 =	vmul.f32 @p3 v32, v17;
	v41 =	vmul.f32 @p2 v4, v3  }
0x290: {  	[tilespmem:s19+$0x7FA0] =	vst @p3 v25;
	v53 =	vadd.f32 $1.000000000e+00, v51;
	v31 =	vmul.f32 @p2 v31, v3;
	v3 =	vmul.f32 @p2 v3, v30  }
0x291: {  	[tilespmem:s19+$0x75A0] =	vst @p3 v34;
	v32 =	vsub.f32 @p3 $0.0e+00, v32;
	v34 =	vpop (erf);
	v0 =	vsub.f32 v60, v0;
	v14 =	vpsel p2, v14, v5  }
0x292: {  	[tilespmem:s19+$0x79A0] =	vst @p3 v2;
	v5 =	vld [tilespmem:$0x1FE80];
	v2 =	vadd.f32 @p2 v21, v31;
	v21 =	vmul.f32 @p2 v41, v24;
	v3 =	vmul.f32 @p2 v4, v3;
	v4 =	vpop (erf)  }
0x293: {  	[tilespmem:s19+$0x8DA0] =	vst @p3 v26;
	v30 =	vadd.f32 v57, v53;
	v26 =	vpsel p3, v38, v0;
	v36 =	vmul.f32 v4, v11  }
0x294: {  	[tilespmem:s19+$0x77A0] =	vst @p3 v32;
	v38 =	vmul.f32 v29, v12;
	v24 =	vmul.f32 v52, v27;
	v2 =	vsub.f32 @p2 v2, v21  }
0x295: {  	[tilespmem:s19+$0x85A0] =	vst @p3 v22;
	v41 =	vmul.f32 v34, v8;
	v4 =	vmul.f32 v4, v59;
	v22 =	vadd.f32 v36, v35  }
0x296: {  	[tilespmem:s19+$0x83A0] =	vst @p3 v33;
	v1 =	vpsel p3, v1, v0;
	v21 =	vmul.f32 v58, v55;
	v2 =	vmul.f32 @p2 v2, v28  }
0x297: {  	s1 =	smov.u32 @p3 s19;
	[tilespmem:s19+$0x8BA0] =	vst @p3 v17;
	v24 =	vadd.f32 v24, v30;
	v15 =	vpsel p2, v15, v5;
	v40 =	vadd.f32 v22, v38  }
0x298: {  	[tilespmem:s1+$0x81A0] =	vst @p3 v1;
	v28 =	vpsel p3, v37, v0;
	v4 =	vadd.f32 v4, v21;
	v1 =	vmul.f32 @p2 v2, v15  }
0x299: {  	s26 =	smov.u32 @p2 s18;
	[tilespmem:s1+$0x89A0] =	vst @p3 v26;
	v17 =	vmul.f32 @p2 v2, v39;
	v26 =	vmul.f32 @p2 v2, v14;
	v2 =	vadd.f32 v40, v41  }
0x29a: {  	v46 =	vmul.f32 $5.000000000e-01, v43;
	[tilespmem:s1+$0x7DA0] =	vst @p3 v28;
	s1 =	smov.u32 @p2 s26;
	v22 =	vsub.f32 @p2 $0.0e+00, v1  }
0x29b: {  	v45 =	vmul.f32 v34, v62;
	[tilespmem:s1+$0x7BA0] =	vst @p2 v3;
	v4 =	vadd.f32 v4, v44;
	v2 =	vmul.f32 v24, v2  }
0x29c: {  	v0 =	vmul.f32 v0, v20;
	[tilespmem:s1+$0x79A0] =	vst @p2 v22;
	v22 =	vmul.f32 @p2 v1, v14  }
0x29d: {  	v20 =	vsub.f32 @p2 $0.0e+00, v17;
	v4 =	vadd.f32 v4, v45;
	[tilespmem:s1+$0x6FA0] =	vst @p2 v17;
	v2 =	vmul.f32 v2, v49  }
0x29e: {  	[tilespmem:s1+$0x87A0] =	vst @p2 v22;
	v22 =	vmul.f32 @p2 v17, v14;
	v14 =	vmul.f32 @p2 v26, v14  }
0x29f: {  	[tilespmem:s1+$0x75A0] =	vst @p2 v20;
	v20 =	vmul.f32 @p2 v26, v39;
	v0 =	vmul.f32 v0, v4  }
0x2a0: {  	v2 =	vmul.f32 v2, v9;
	[tilespmem:s1+$0x85A0] =	vst @p2 v14;
	v14 =	vmul.f32 v24, v4  }
0x2a1: {  	v21 =	vsub.f32 @p2 $0.0e+00, v26;
	[tilespmem:s1+$0x7FA0] =	vst @p2 v20;
	v20 =	vmul.f32 v42, v46  }
0x2a2: {  	v47 =	vmul.f32 v42, v43;
	[tilespmem:s1+$0x71A0] =	vst @p2 v26;
	v0 =	vadd.f32 v2, v0;
	v48 =	vmul.f32 v14, v42  }
0x2a3: {  	[tilespmem:s1+$0x77A0] =	vst @p2 v21;
	v21 =	vmul.f32 @p2 v1, v15;
	v20 =	vmul.f32 v20, v42  }
0x2a4: {  	[tilespmem:s1+$0x73A0] =	vst @p2 v1;
	v14 =	vmul.f32 @p2 v26, v15;
	v15 =	vmul.f32 @p2 v17, v15;
	v0 =	vsub.f32 v0, v48  }
0x2a5: {  	v1 =	vmul.f32 @p2 v1, v39;
	[tilespmem:s1+$0x8DA0] =	vst @p2 v21  }
0x2a6: {  	[tilespmem:s1+$0x83A0] =	vst @p2 v22;
	v2 =	vmul.f32 v4, v47;
	v4 =	vpsel p2, v15, v0;
	v0 =	vmul.f32 v0, v20  }
0x2a7: {  	v3 =	vmul.f32 @p2 v17, v39;
	[tilespmem:s1+$0x8BA0] =	vst @p2 v14;
	s1 =	smov.u32 @p2 s1  }
0x2a8: {  	[tilespmem:s1+$0x89A0] =	vst @p2 v4;
	v1 =	vpsel p2, v1, v0  }
0x2a9: {  	v49 =	vmul.f32 v24, v2;
	v3 =	vpsel p2, v3, v0;
	[tilespmem:s1+$0x81A0] =	vst @p2 v1  }
0x2aa: {  	v50 =	vmul.f32 v0, v19;
	[tilespmem:s1+$0x7DA0] =	vst @p2 v3  }
0x2ab: {  	v51 =	vmul.f32 v0, v18;
	[tilespmem:s30+$0x7BA0] =	vst v49  }
0x2ac: {  	v0 =	vmul.f32 v0, v16;
	[tilespmem:s30+$0x6FA0] =	vst v50  }
0x2ad: {  	[tilespmem:s30+$0x71A0] =	vst v51;
	v52 =	vsub.f32 $0.0e+00, v50  }
0x2ae: {  	[tilespmem:s30+$0x73A0] =	vst v0;
	v4 =	vsub.f32 $0.0e+00, v0  }
0x2af: {  	v53 =	vsub.f32 $0.0e+00, v51;
	[tilespmem:s30+$0x75A0] =	vst v52  }
0x2b0: {  	v54 =	vmul.f32 v51, v19;
	[tilespmem:s30+$0x79A0] =	vst v4  }
0x2b1: {  	v56 =	vmul.f32 v51, v18;
	[tilespmem:s30+$0x77A0] =	vst v53  }
0x2b2: {  	v57 =	vmul.f32 v51, v16;
	[tilespmem:s30+$0x7FA0] =	vst v54  }
0x2b3: {  	v4 =	vmul.f32 v0, v18;
	[tilespmem:s30+$0x85A0] =	vst v56  }
0x2b4: {  	v58 =	vmul.f32 v50, v16;
	[tilespmem:s30+$0x8BA0] =	vst v57  }
0x2b5: {  	p2 =	por $0x1, $0x1;
	[tilespmem:s30+$0x87A0] =	vst v4;
	v4 =	vmul.f32 v50, v18  }
.Ltmp10:
0x2b6: {  	v60 =	vmul.f32 v50, v19;
	[tilespmem:s30+$0x89A0] =	vst v58;
	(pc) =	sbr.rel @!p2 .LBB3_19-.Ltmp10, $4  }
0x2b7: {  	[tilespmem:s30+$0x83A0] =	vst v4;
	v4 =	vmul.f32 v0, v16  }
0x2b8: {  	[tilespmem:s30+$0x7DA0] =	vst v60;
	v0 =	vmul.f32 v0, v19  }
0x2b9: {  	[tilespmem:s30+$0x8DA0] =	vst v4  }
0x2ba: {  	s18 =	simm.s32 $0x0;
	[tilespmem:s30+$0x81A0] =	vst v0  }
0x2bb: {  	s1 =	simm.s32 $0x6FA0;
	s18 =	simm.s32 $0x49A0  }
0x2bc: {  	[spmem:s3] =	stream.indirect.scatter.add.f32 [tilespmem:s1], [sflag:$0x2], $0x1, s18, s17, $0xb8;
	[tilespmem:$0x90A0] =	vst v63  }
0x2bd: {  	_ =	swait.ge [sflag:s13], $0x80  }
0x2be: {  	[sflag:s13] =	ssyncset.done $0x0  }
0x2bf: {  	s31 =	simm.s32 $0x71A0;
	[sflag:s13] =	ssyncadd.s32 $0xFFFFFF80  }
0x2c0: {  	[spmem:s4] =	stream.indirect.scatter.add.f32 [tilespmem:s31], [sflag:$0x2], $0x1, s18, s17, $0xb8;
	[tilespmem:$0x90A0] =	vst v63  }
0x2c1: {  	_ =	swait.ge [sflag:s13], $0x80  }
0x2c2: {  	[sflag:s13] =	ssyncset.done $0x0  }
0x2c3: {  	s19 =	simm.s32 $0x73A0;
	[sflag:s13] =	ssyncadd.s32 $0xFFFFFF80  }
0x2c4: {  	[spmem:s5] =	stream.indirect.scatter.add.f32 [tilespmem:s19], [sflag:$0x2], $0x1, s18, s17, $0xb8;
	[tilespmem:$0x90A0] =	vst v63  }
0x2c5: {  	_ =	swait.ge [sflag:s13], $0x80  }
0x2c6: {  	[sflag:s13] =	ssyncset.done $0x0  }
0x2c7: {  	s26 =	simm.s32 $0x75A0;
	s29 =	simm.s32 $0x4BA0;
	[sflag:s13] =	ssyncadd.s32 $0xFFFFFF80  }
0x2c8: {  	[spmem:s3] =	stream.indirect.scatter.add.f32 [tilespmem:s26], [sflag:$0x2], $0x1, s29, s17, $0xb8;
	[tilespmem:$0x90A0] =	vst v63  }
0x2c9: {  	_ =	swait.ge [sflag:s13], $0x80  }
0x2ca: {  	[sflag:s13] =	ssyncset.done $0x0  }
0x2cb: {  	s30 =	simm.s32 $0x77A0;
	[sflag:s13] =	ssyncadd.s32 $0xFFFFFF80  }
0x2cc: {  	[spmem:s4] =	stream.indirect.scatter.add.f32 [tilespmem:s30], [sflag:$0x2], $0x1, s29, s17, $0xb8;
	[tilespmem:$0x90A0] =	vst v63  }
0x2cd: {  	_ =	swait.ge [sflag:s13], $0x80  }
0x2ce: {  	[sflag:s13] =	ssyncset.done $0x0  }
0x2cf: {  	s31 =	simm.s32 $0x79A0;
	[sflag:s13] =	ssyncadd.s32 $0xFFFFFF80  }
0x2d0: {  	[spmem:s5] =	stream.indirect.scatter.add.f32 [tilespmem:s31], [sflag:$0x2], $0x1, s29, s17, $0xb8;
	[tilespmem:$0x90A0] =	vst v63  }
0x2d1: {  	_ =	swait.ge [sflag:s13], $0x80  }
0x2d2: {  	[sflag:s13] =	ssyncset.done $0x0  }
0x2d3: {  	s18 =	simm.s32 $0x7BA0;
	s19 =	simm.s32 $0x4FA0;
	[sflag:s13] =	ssyncadd.s32 $0xFFFFFF80  }
0x2d4: {  	[spmem:s6] =	stream.indirect.scatter.add.f32 [tilespmem:s18], [sflag:$0x2], $0x1, s19, s17, $0xb8;
	[tilespmem:$0x90A0] =	vst v63  }
0x2d5: {  	_ =	swait.ge [sflag:s13], $0x80  }
0x2d6: {  	[sflag:s13] =	ssyncset.done $0x0  }
0x2d7: {  	s26 =	simm.s32 $0x7DA0;
	s18 =	simm.s32 $0x4DA0;
	[sflag:s13] =	ssyncadd.s32 $0xFFFFFF80  }
0x2d8: {  	[spmem:s7] =	stream.indirect.scatter.add.f32 [tilespmem:s26], [sflag:$0x2], $0x1, s18, s17, $0xb8;
	[tilespmem:$0x90A0] =	vst v63  }
0x2d9: {  	_ =	swait.ge [sflag:s13], $0x80  }
0x2da: {  	[sflag:s13] =	ssyncset.done $0x0  }
0x2db: {  	s29 =	simm.s32 $0x7FA0;
	[sflag:s13] =	ssyncadd.s32 $0xFFFFFF80  }
0x2dc: {  	[spmem:s8] =	stream.indirect.scatter.add.f32 [tilespmem:s29], [sflag:$0x2], $0x1, s18, s17, $0xb8;
	[tilespmem:$0x90A0] =	vst v63  }
0x2dd: {  	_ =	swait.ge [sflag:s13], $0x80  }
0x2de: {  	[sflag:s13] =	ssyncset.done $0x0  }
0x2df: {  	s30 =	simm.s32 $0x81A0;
	[sflag:s13] =	ssyncadd.s32 $0xFFFFFF80  }
0x2e0: {  	[spmem:s9] =	stream.indirect.scatter.add.f32 [tilespmem:s30], [sflag:$0x2], $0x1, s18, s17, $0xb8;
	[tilespmem:$0x90A0] =	vst v63  }
0x2e1: {  	_ =	swait.ge [sflag:s13], $0x80  }
0x2e2: {  	[sflag:s13] =	ssyncset.done $0x0  }
0x2e3: {  	s31 =	simm.s32 $0x83A0;
	[sflag:s13] =	ssyncadd.s32 $0xFFFFFF80  }
0x2e4: {  	[spmem:s10] =	stream.indirect.scatter.add.f32 [tilespmem:s31], [sflag:$0x2], $0x1, s18, s17, $0xb8;
	[tilespmem:$0x90A0] =	vst v63  }
0x2e5: {  	_ =	swait.ge [sflag:s13], $0x80  }
0x2e6: {  	[sflag:s13] =	ssyncset.done $0x0  }
0x2e7: {  	s19 =	simm.s32 $0x85A0;
	[sflag:s13] =	ssyncadd.s32 $0xFFFFFF80  }
0x2e8: {  	[spmem:s11] =	stream.indirect.scatter.add.f32 [tilespmem:s19], [sflag:$0x2], $0x1, s18, s17, $0xb8;
	[tilespmem:$0x90A0] =	vst v63  }
0x2e9: {  	_ =	swait.ge [sflag:s13], $0x80  }
0x2ea: {  	[sflag:s13] =	ssyncset.done $0x0  }
0x2eb: {  	s26 =	simm.s32 $0x87A0;
	[sflag:s13] =	ssyncadd.s32 $0xFFFFFF80  }
0x2ec: {  	[spmem:s12] =	stream.indirect.scatter.add.f32 [tilespmem:s26], [sflag:$0x2], $0x1, s18, s17, $0xb8;
	[tilespmem:$0x90A0] =	vst v63  }
0x2ed: {  	_ =	swait.ge [sflag:s13], $0x80  }
0x2ee: {  	[sflag:s13] =	ssyncset.done $0x0  }
0x2ef: {  	s29 =	simm.s32 $0x89A0;
	[sflag:s13] =	ssyncadd.s32 $0xFFFFFF80  }
0x2f0: {  	[spmem:s14] =	stream.indirect.scatter.add.f32 [tilespmem:s29], [sflag:$0x2], $0x1, s18, s17, $0xb8;
	[tilespmem:$0x90A0] =	vst v63  }
0x2f1: {  	_ =	swait.ge [sflag:s13], $0x80  }
0x2f2: {  	[sflag:s13] =	ssyncset.done $0x0  }
0x2f3: {  	s30 =	simm.s32 $0x8BA0;
	[sflag:s13] =	ssyncadd.s32 $0xFFFFFF80  }
0x2f4: {  	[spmem:s15] =	stream.indirect.scatter.add.f32 [tilespmem:s30], [sflag:$0x2], $0x1, s18, s17, $0xb8;
	[tilespmem:$0x90A0] =	vst v63  }
0x2f5: {  	p2 =	por $0x1, $0x1;
	_ =	swait.ge [sflag:s13], $0x80  }
.Ltmp11:
0x2f6: {  	[sflag:s13] =	ssyncset.done $0x0;
	(pc) =	sbr.rel @!p2 .LBB3_19-.Ltmp11, $4  }
0x2f7: {  	s31 =	simm.s32 $0x8DA0;
	[sflag:s13] =	ssyncadd.s32 $0xFFFFFF80  }
0x2f8: {  	[spmem:s16] =	stream.indirect.scatter.add.f32 [tilespmem:s31], [sflag:$0x2], $0x1, s18, s17, $0xb8;
	[tilespmem:$0x90A0] =	vst v63  }
0x2f9: {  	p1 =	por $0x1, $0x1;
	_ =	swait.ge [sflag:s13], $0x80  }
0x2fa: {  	s19 =	simm.s32 $0x400;
	s18 =	simm.s32 $0x80;
	[sflag:s13] =	ssyncset.done $0x0  }
.LBB3_18:
0x2fb: {  	s1 =	sadd.s32 $0x6FA0, s18  }
0x2fc: {  	s29 =	sadd.s32 $0x49A0, s18;
	[sflag:s13] =	ssyncadd.s32 $0xFFFFFF80;
	s26 =	smov.u32 s19  }
0x2fd: {  	[spmem:s3] =	stream.indirect.scatter.add.f32 [tilespmem:s1], [sflag:$0x2], $0x1, s29, s17, $0xb8;
	[tilespmem:$0x90A0] =	vst v63  }
0x2fe: {  	p2 =	sne.s32 s19, $0x600;
	s19 =	sadd.s32 $0x200, s19;
	_ =	swait.ge [sflag:s13], $0x80  }
0x2ff: {  	[sflag:s13] =	ssyncset.done $0x0  }
0x300: {  	s1 =	sadd.s32 $0x71A0, s18;
	[sflag:s13] =	ssyncadd.s32 $0xFFFFFF80  }
0x301: {  	[spmem:s4] =	stream.indirect.scatter.add.f32 [tilespmem:s1], [sflag:$0x2], $0x1, s29, s17, $0xb8;
	[tilespmem:$0x90A0] =	vst v63  }
0x302: {  	_ =	swait.ge [sflag:s13], $0x80  }
0x303: {  	[sflag:s13] =	ssyncset.done $0x0  }
0x304: {  	s1 =	sadd.s32 $0x73A0, s18;
	[sflag:s13] =	ssyncadd.s32 $0xFFFFFF80  }
0x305: {  	[spmem:s5] =	stream.indirect.scatter.add.f32 [tilespmem:s1], [sflag:$0x2], $0x1, s29, s17, $0xb8;
	[tilespmem:$0x90A0] =	vst v63  }
0x306: {  	_ =	swait.ge [sflag:s13], $0x80  }
0x307: {  	[sflag:s13] =	ssyncset.done $0x0  }
0x308: {  	s1 =	sadd.s32 $0x75A0, s18;
	s29 =	sadd.s32 $0x4BA0, s18;
	[sflag:s13] =	ssyncadd.s32 $0xFFFFFF80  }
0x309: {  	[spmem:s3] =	stream.indirect.scatter.add.f32 [tilespmem:s1], [sflag:$0x2], $0x1, s29, s17, $0xb8;
	[tilespmem:$0x90A0] =	vst v63  }
0x30a: {  	_ =	swait.ge [sflag:s13], $0x80  }
0x30b: {  	[sflag:s13] =	ssyncset.done $0x0  }
0x30c: {  	s1 =	sadd.s32 $0x77A0, s18;
	[sflag:s13] =	ssyncadd.s32 $0xFFFFFF80  }
0x30d: {  	[spmem:s4] =	stream.indirect.scatter.add.f32 [tilespmem:s1], [sflag:$0x2], $0x1, s29, s17, $0xb8;
	[tilespmem:$0x90A0] =	vst v63  }
0x30e: {  	_ =	swait.ge [sflag:s13], $0x80  }
0x30f: {  	[sflag:s13] =	ssyncset.done $0x0  }
0x310: {  	s1 =	sadd.s32 $0x79A0, s18;
	[sflag:s13] =	ssyncadd.s32 $0xFFFFFF80  }
0x311: {  	[spmem:s5] =	stream.indirect.scatter.add.f32 [tilespmem:s1], [sflag:$0x2], $0x1, s29, s17, $0xb8;
	[tilespmem:$0x90A0] =	vst v63  }
0x312: {  	_ =	swait.ge [sflag:s13], $0x80  }
0x313: {  	[sflag:s13] =	ssyncset.done $0x0  }
0x314: {  	s1 =	sadd.s32 $0x7BA0, s18;
	s29 =	sadd.s32 $0x4FA0, s18;
	[sflag:s13] =	ssyncadd.s32 $0xFFFFFF80  }
0x315: {  	[spmem:s6] =	stream.indirect.scatter.add.f32 [tilespmem:s1], [sflag:$0x2], $0x1, s29, s17, $0xb8;
	[tilespmem:$0x90A0] =	vst v63  }
0x316: {  	_ =	swait.ge [sflag:s13], $0x80  }
0x317: {  	[sflag:s13] =	ssyncset.done $0x0  }
0x318: {  	s1 =	sadd.s32 $0x7DA0, s18;
	s29 =	sadd.s32 $0x4DA0, s18;
	[sflag:s13] =	ssyncadd.s32 $0xFFFFFF80  }
0x319: {  	[spmem:s7] =	stream.indirect.scatter.add.f32 [tilespmem:s1], [sflag:$0x2], $0x1, s29, s17, $0xb8;
	[tilespmem:$0x90A0] =	vst v63  }
0x31a: {  	_ =	swait.ge [sflag:s13], $0x80  }
0x31b: {  	[sflag:s13] =	ssyncset.done $0x0  }
0x31c: {  	s1 =	sadd.s32 $0x7FA0, s18;
	[sflag:s13] =	ssyncadd.s32 $0xFFFFFF80  }
0x31d: {  	[spmem:s8] =	stream.indirect.scatter.add.f32 [tilespmem:s1], [sflag:$0x2], $0x1, s29, s17, $0xb8;
	[tilespmem:$0x90A0] =	vst v63  }
0x31e: {  	_ =	swait.ge [sflag:s13], $0x80  }
0x31f: {  	[sflag:s13] =	ssyncset.done $0x0  }
0x320: {  	s1 =	sadd.s32 $0x81A0, s18;
	[sflag:s13] =	ssyncadd.s32 $0xFFFFFF80  }
0x321: {  	[spmem:s9] =	stream.indirect.scatter.add.f32 [tilespmem:s1], [sflag:$0x2], $0x1, s29, s17, $0xb8;
	[tilespmem:$0x90A0] =	vst v63  }
0x322: {  	_ =	swait.ge [sflag:s13], $0x80  }
0x323: {  	[sflag:s13] =	ssyncset.done $0x0  }
0x324: {  	s1 =	sadd.s32 $0x83A0, s18;
	[sflag:s13] =	ssyncadd.s32 $0xFFFFFF80  }
0x325: {  	[spmem:s10] =	stream.indirect.scatter.add.f32 [tilespmem:s1], [sflag:$0x2], $0x1, s29, s17, $0xb8;
	[tilespmem:$0x90A0] =	vst v63  }
0x326: {  	_ =	swait.ge [sflag:s13], $0x80  }
0x327: {  	[sflag:s13] =	ssyncset.done $0x0  }
0x328: {  	s1 =	sadd.s32 $0x85A0, s18;
	[sflag:s13] =	ssyncadd.s32 $0xFFFFFF80  }
0x329: {  	[spmem:s11] =	stream.indirect.scatter.add.f32 [tilespmem:s1], [sflag:$0x2], $0x1, s29, s17, $0xb8;
	[tilespmem:$0x90A0] =	vst v63  }
0x32a: {  	_ =	swait.ge [sflag:s13], $0x80  }
0x32b: {  	[sflag:s13] =	ssyncset.done $0x0  }
0x32c: {  	s1 =	sadd.s32 $0x87A0, s18;
	[sflag:s13] =	ssyncadd.s32 $0xFFFFFF80  }
0x32d: {  	[spmem:s12] =	stream.indirect.scatter.add.f32 [tilespmem:s1], [sflag:$0x2], $0x1, s29, s17, $0xb8;
	[tilespmem:$0x90A0] =	vst v63  }
0x32e: {  	_ =	swait.ge [sflag:s13], $0x80  }
0x32f: {  	[sflag:s13] =	ssyncset.done $0x0  }
0x330: {  	s1 =	sadd.s32 $0x89A0, s18;
	[sflag:s13] =	ssyncadd.s32 $0xFFFFFF80  }
0x331: {  	[spmem:s14] =	stream.indirect.scatter.add.f32 [tilespmem:s1], [sflag:$0x2], $0x1, s29, s17, $0xb8;
	[tilespmem:$0x90A0] =	vst v63  }
0x332: {  	_ =	swait.ge [sflag:s13], $0x80  }
0x333: {  	[sflag:s13] =	ssyncset.done $0x0  }
0x334: {  	s1 =	sadd.s32 $0x8BA0, s18;
	[sflag:s13] =	ssyncadd.s32 $0xFFFFFF80  }
0x335: {  	[spmem:s15] =	stream.indirect.scatter.add.f32 [tilespmem:s1], [sflag:$0x2], $0x1, s29, s17, $0xb8;
	[tilespmem:$0x90A0] =	vst v63  }
0x336: {  	_ =	swait.ge [sflag:s13], $0x80  }
.Ltmp12:
0x337: {  	[sflag:s13] =	ssyncset.done $0x0;
	(pc) =	sbr.rel @p2 .LBB3_18-.Ltmp12, $4  }
0x338: {  	s1 =	sadd.s32 $0x8DA0, s18;
	[sflag:s13] =	ssyncadd.s32 $0xFFFFFF80  }
0x339: {  	[spmem:s16] =	stream.indirect.scatter.add.f32 [tilespmem:s1], [sflag:$0x2], $0x1, s29, s17, $0xb8;
	[tilespmem:$0x90A0] =	vst v63  }
0x33a: {  	_ =	swait.ge [sflag:s13], $0x80  }
0x33b: {  	s18 =	sshra.s32 s26, $0x2;
	[sflag:s13] =	ssyncset.done $0x0  }
.LBB3_19:
0x33c: {  	s1 =	sadd.s32 $0x6FA0, s18;
	s19 =	sadd.s32 $0x49A0, s18;
	[sflag:s13] =	ssyncadd.s32 @p1 $0xFFFFFF80  }
0x33d: {  	[spmem:s3] =	stream.indirect.scatter.add.f32 [tilespmem:s1], [sflag:$0x2], $0x1, s19, s17, $0xb8;
	[tilespmem:$0x90A0] =	vst v63  }
0x33e: {  	_ =	swait.ge [sflag:s13], $0x80  }
0x33f: {  	[sflag:s13] =	ssyncset.done $0x0  }
0x340: {  	s31 =	sadd.s32 $0x71A0, s18;
	[sflag:s13] =	ssyncadd.s32 $0xFFFFFF80  }
0x341: {  	[spmem:s4] =	stream.indirect.scatter.add.f32 [tilespmem:s31], [sflag:$0x2], $0x1, s19, s17, $0xb8;
	[tilespmem:$0x90A0] =	vst v63  }
0x342: {  	_ =	swait.ge [sflag:s13], $0x80  }
0x343: {  	[sflag:s13] =	ssyncset.done $0x0  }
0x344: {  	s26 =	sadd.s32 $0x73A0, s18;
	[sflag:s13] =	ssyncadd.s32 $0xFFFFFF80  }
0x345: {  	[spmem:s5] =	stream.indirect.scatter.add.f32 [tilespmem:s26], [sflag:$0x2], $0x1, s19, s17, $0xb8;
	[tilespmem:$0x90A0] =	vst v63  }
0x346: {  	_ =	swait.ge [sflag:s13], $0x80  }
0x347: {  	[sflag:s13] =	ssyncset.done $0x0  }
0x348: {  	s29 =	sadd.s32 $0x75A0, s18;
	s30 =	sadd.s32 $0x4BA0, s18;
	[sflag:s13] =	ssyncadd.s32 $0xFFFFFF80  }
0x349: {  	[spmem:s3] =	stream.indirect.scatter.add.f32 [tilespmem:s29], [sflag:$0x2], $0x1, s30, s17, $0xb8;
	[tilespmem:$0x90A0] =	vst v63  }
0x34a: {  	_ =	swait.ge [sflag:s13], $0x80  }
0x34b: {  	[sflag:s13] =	ssyncset.done $0x0  }
0x34c: {  	s31 =	sadd.s32 $0x77A0, s18;
	[sflag:s13] =	ssyncadd.s32 $0xFFFFFF80  }
0x34d: {  	[spmem:s4] =	stream.indirect.scatter.add.f32 [tilespmem:s31], [sflag:$0x2], $0x1, s30, s17, $0xb8;
	[tilespmem:$0x90A0] =	vst v63  }
0x34e: {  	_ =	swait.ge [sflag:s13], $0x80  }
0x34f: {  	[sflag:s13] =	ssyncset.done $0x0  }
0x350: {  	s26 =	sadd.s32 $0x79A0, s18;
	[sflag:s13] =	ssyncadd.s32 $0xFFFFFF80  }
0x351: {  	[spmem:s5] =	stream.indirect.scatter.add.f32 [tilespmem:s26], [sflag:$0x2], $0x1, s30, s17, $0xb8;
	[tilespmem:$0x90A0] =	vst v63  }
0x352: {  	_ =	swait.ge [sflag:s13], $0x80  }
0x353: {  	[sflag:s13] =	ssyncset.done $0x0  }
0x354: {  	s29 =	sadd.s32 $0x7BA0, s18;
	s30 =	sadd.s32 $0x4FA0, s18;
	[sflag:s13] =	ssyncadd.s32 $0xFFFFFF80  }
0x355: {  	[spmem:s6] =	stream.indirect.scatter.add.f32 [tilespmem:s29], [sflag:$0x2], $0x1, s30, s17, $0xb8;
	[tilespmem:$0x90A0] =	vst v63  }
0x356: {  	_ =	swait.ge [sflag:s13], $0x80  }
0x357: {  	[sflag:s13] =	ssyncset.done $0x0  }
0x358: {  	s19 =	sadd.s32 $0x4DA0, s18;
	s31 =	sadd.s32 $0x7DA0, s18;
	[sflag:s13] =	ssyncadd.s32 $0xFFFFFF80  }
0x359: {  	[spmem:s7] =	stream.indirect.scatter.add.f32 [tilespmem:s31], [sflag:$0x2], $0x1, s19, s17, $0xb8;
	[tilespmem:$0x90A0] =	vst v63  }
0x35a: {  	_ =	swait.ge [sflag:s13], $0x80  }
0x35b: {  	[sflag:s13] =	ssyncset.done $0x0  }
0x35c: {  	s26 =	sadd.s32 $0x7FA0, s18;
	[sflag:s13] =	ssyncadd.s32 $0xFFFFFF80  }
0x35d: {  	[spmem:s8] =	stream.indirect.scatter.add.f32 [tilespmem:s26], [sflag:$0x2], $0x1, s19, s17, $0xb8;
	[tilespmem:$0x90A0] =	vst v63  }
0x35e: {  	_ =	swait.ge [sflag:s13], $0x80  }
0x35f: {  	[sflag:s13] =	ssyncset.done $0x0  }
0x360: {  	s29 =	sadd.s32 $0x81A0, s18;
	[sflag:s13] =	ssyncadd.s32 $0xFFFFFF80  }
0x361: {  	[spmem:s9] =	stream.indirect.scatter.add.f32 [tilespmem:s29], [sflag:$0x2], $0x1, s19, s17, $0xb8;
	[tilespmem:$0x90A0] =	vst v63  }
0x362: {  	_ =	swait.ge [sflag:s13], $0x80  }
0x363: {  	[sflag:s13] =	ssyncset.done $0x0  }
0x364: {  	s30 =	sadd.s32 $0x83A0, s18;
	[sflag:s13] =	ssyncadd.s32 $0xFFFFFF80  }
0x365: {  	[spmem:s10] =	stream.indirect.scatter.add.f32 [tilespmem:s30], [sflag:$0x2], $0x1, s19, s17, $0xb8;
	[tilespmem:$0x90A0] =	vst v63  }
0x366: {  	_ =	swait.ge [sflag:s13], $0x80  }
0x367: {  	[sflag:s13] =	ssyncset.done $0x0  }
0x368: {  	s31 =	sadd.s32 $0x85A0, s18;
	[sflag:s13] =	ssyncadd.s32 $0xFFFFFF80  }
0x369: {  	[spmem:s11] =	stream.indirect.scatter.add.f32 [tilespmem:s31], [sflag:$0x2], $0x1, s19, s17, $0xb8;
	[tilespmem:$0x90A0] =	vst v63  }
0x36a: {  	_ =	swait.ge [sflag:s13], $0x80  }
0x36b: {  	[sflag:s13] =	ssyncset.done $0x0  }
0x36c: {  	s26 =	sadd.s32 $0x87A0, s18;
	[sflag:s13] =	ssyncadd.s32 $0xFFFFFF80  }
0x36d: {  	[spmem:s12] =	stream.indirect.scatter.add.f32 [tilespmem:s26], [sflag:$0x2], $0x1, s19, s17, $0xb8;
	[tilespmem:$0x90A0] =	vst v63  }
0x36e: {  	_ =	swait.ge [sflag:s13], $0x80  }
0x36f: {  	[sflag:s13] =	ssyncset.done $0x0  }
0x370: {  	s29 =	sadd.s32 $0x89A0, s18;
	[sflag:s13] =	ssyncadd.s32 $0xFFFFFF80  }
0x371: {  	[spmem:s14] =	stream.indirect.scatter.add.f32 [tilespmem:s29], [sflag:$0x2], $0x1, s19, s17, $0xb8;
	[tilespmem:$0x90A0] =	vst v63  }
0x372: {  	_ =	swait.ge [sflag:s13], $0x80  }
0x373: {  	[sflag:s13] =	ssyncset.done $0x0  }
0x374: {  	s30 =	sadd.s32 $0x8BA0, s18;
	[sflag:s13] =	ssyncadd.s32 $0xFFFFFF80  }
0x375: {  	[spmem:s15] =	stream.indirect.scatter.add.f32 [tilespmem:s30], [sflag:$0x2], $0x1, s19, s17, $0xb8;
	[tilespmem:$0x90A0] =	vst v63  }
0x376: {  	_ =	swait.ge [sflag:s13], $0x80  }
0x377: {  	s20 =	sadd.s32 $0x1, s20;
	[sflag:s13] =	ssyncset.done $0x0  }
0x378: {  	p1 =	sne.s32 s20, $0xC4;
	s31 =	sadd.s32 $0x8DA0, s18;
	[sflag:s13] =	ssyncadd.s32 $0xFFFFFF80  }
0x379: {  	[spmem:s16] =	stream.indirect.scatter.add.f32 [tilespmem:s31], [sflag:$0x2], $0x1, s19, s17, $0xb8;
	[tilespmem:$0x90A0] =	vst v63  }
.Ltmp13:
0x37a: {  	_ = 	snop;
	(pc) =	sbr.rel @p1 .LBB3_4-.Ltmp13, $4  }
.Ltmp14:
0x37b: {  	_ = 	snop;
	(pc) =	sbr.rel @!p1 .LBB3_20-.Ltmp14, $4  }
0x37c: {  	_ =	swait.ge [sflag:s13], $0x80  }
0x37d: {  	[sflag:s13] =	ssyncset.done $0x0  }
0x37e: {  	v0 =	vld [tilespmem:$0x1FFA0];
	[sflag:s13] =	ssyncadd.s32 $0xFFFFFF80  }
0x37f: {  	_ = 	snop  }
.LBB3_7:
0x380: {  	_ = 	snop  }
0x381: {  	_ = 	snop  }
0x382: {  	_ = 	snop  }
0x383: {  	_ = 	snop  }
0x384: {  	_ = 	snop  }
0x385: {  	_ = 	snop  }
0x386: {  	_ = 	snop  }
0x387: {  	_ = 	snop  }
0x388: {  	_ = 	snop  }
0x389: {  	_ = 	snop  }
0x38a: {  	_ = 	snop  }
0x38b: {  	_ = 	snop  }
.Ltmp15:
0x38c: {  	(pc) =	sbr.rel .LBB3_16-.Ltmp15, $4  }
0x38d: {  	_ = 	snop  }
0x38e: {  	_ = 	snop  }
0x38f: {  	_ = 	snop  }
0x390: {  	v19 =	vmov v4;
	v18 =	vmov v3;
	v16 =	vmov v2;
	s30 =	simm.s32 $0x0;
	p4 =	por $0x0, $0x0  }
.LBB3_9:
0x391: {  	_ = 	snop  }
0x392: {  	_ = 	snop  }
0x393: {  	_ = 	snop  }
0x394: {  	_ = 	snop  }
0x395: {  	_ = 	snop  }
0x396: {  	_ = 	snop  }
0x397: {  	_ = 	snop  }
0x398: {  	_ = 	snop  }
0x399: {  	_ = 	snop  }
0x39a: {  	_ = 	snop  }
0x39b: {  	_ = 	snop  }
0x39c: {  	_ = 	snop  }
.Ltmp16:
0x39d: {  	(pc) =	sbr.rel .LBB3_16-.Ltmp16, $4  }
0x39e: {  	_ = 	snop  }
0x39f: {  	_ = 	snop  }
0x3a0: {  	v21 =	vmov v43;
	v31 =	vmov v1;
	v27 =	vmov v53;
	v26 =	vld [tilespmem:$0x1FF70]  }
0x3a1: {  	v24 =	vmovc v5;
	v30 =	vmovc v57;
	v28 =	vld [tilespmem:$0x1FF80];
	v58 =	vmov v4;
	v14 =	vmov v3;
	v15 =	vmov v2;
	s30 =	simm.s32 $0x10;
	s18 =	simm.s32 $0x0;
	p4 =	por $0x0, $0x0  }
.LBB3_11:
0x3a2: {  	v14 =	vmov v18;
	v18 =	vmov v43;
	v43 =	vmov v37;
	v37 =	vld [tilespmem:$0x1FF80]  }
.Ltmp17:
0x3a3: {  	v0 =	vmovc v46;
	v46 =	vmov v58;
	v58 =	vmov v19;
	v35 =	vmov v53;
	(pc) =	sbr.rel .LBB3_16-.Ltmp17, $4  }
0x3a4: {  	v15 =	vmovc v16;
	v23 =	vmovc v45;
	v17 =	vmov v48;
	v16 =	vmov v1;
	v1 =	vmov v57  }
0x3a5: {  	v34 =	vmovc v5;
	v25 =	vmovc v4;
	v22 =	vmov v3;
	v19 =	vmov v51;
	v48 =	vmov v0  }
0x3a6: {  	v53 =	vmovc v17;
	v5 =	vmovc v16;
	v4 =	vmov v18;
	v51 =	vmov v34;
	v35 =	vmov v35  }
0x3a7: {  	s30 =	simm.s32 $0x20;
	s19 =	simm.s32 $0x0;
	v20 =	vld [tilespmem:$0x1FF70];
	p4 =	por $0x0, $0x0;
	v17 =	vmovc v2;
	v18 =	vmovc v50;
	v16 =	vmov v52;
	v52 =	vmov v1;
	v50 =	vmov v37  }
.LBB3_13:
0x3a8: {  	v4 =	vmovc v21;
	v5 =	vmovc v31;
	v2 =	vmov v27;
	v20 =	vmov v26;
	v1 =	vmov v24  }
0x3a9: {  	v3 =	vmovc v30;
	v0 =	vmovc v28;
	v25 =	vmov v19;
	v22 =	vmov v18;
	v17 =	vmov v16  }
.Ltmp18:
0x3aa: {  	v21 =	vmovc v34;
	v31 =	vmovc v63;
	v27 =	vmov v61;
	v26 =	vmov v35;
	v30 =	vmov v59;
	v59 =	vld [tilespmem:$0x1FFF0];
	(pc) =	sbr.rel .LBB3_16-.Ltmp18, $4  }
0x3ab: {  	v24 =	vmovc v58;
	v58 =	vmovc v51;
	v19 =	vmov v14;
	v14 =	vmov v50;
	v16 =	vmov v62;
	v62 =	vld [tilespmem:$0x1FFD0]  }
0x3ac: {  	v18 =	vmovc v15;
	v15 =	vmovc v52;
	v61 =	vld [tilespmem:$0x1FFE0];
	v63 =	vmov v6;
	v13 =	vmov v11;
	v11 =	vmov v12  }
0x3ad: {  	v6 =	vld [tilespmem:$0x1FFC0];
	v12 =	vmovc v8;
	v8 =	vmovc v10;
	v35 =	vmov v2;
	v28 =	vmov v37;
	v37 =	vmov v7  }
0x3ae: {  	s31 =	simm.s32 $0x0;
	s19 =	simm.s32 $0x10;
	s18 =	simm.s32 $0x20;
	v51 =	vmovc v1;
	v50 =	vmovc v0;
	v52 =	vmov v3;
	v7 =	vmov v63;
	v63 =	vld [tilespmem:$0x1FFB0];
	v10 =	vmov v37  }
.LBB3_21:
0x3af: {  	s1 =	sshrl.u32 s3, $0x3  }
0x3b0: {  	s18 =	rddreg [dreg:$0xe];
	s19 =	simm.s32 $0x1C02;
	s20 =	simm.s32 $0x10  }
0x3b1: {  	[hbm:s18@s17], [sflag:s19] =	dma.strided [spmem:s1@s20], $0x30E0, s2, $0x10   }
0x3b2: {  	_ =	swait.ge [sflag:s13], $0x30E0  }
0x3b3: {  	[sflag:s13] =	ssyncset.done $0x0  }
0x3b4: {  	s18 =	sshrl.u32 s4, $0x3;
	s29 =	rddreg [dreg:$0x19];
	[sflag:s13] =	ssyncadd.s32 $0xFFFFCF20  }
0x3b5: {  	[hbm:s29@s17], [sflag:s19] =	dma.strided [spmem:s18@s20], $0x30E0, s2, $0x10   }
0x3b6: {  	_ =	swait.ge [sflag:s13], $0x30E0  }
0x3b7: {  	[sflag:s13] =	ssyncset.done $0x0  }
0x3b8: {  	s30 =	sshrl.u32 s5, $0x3;
	s31 =	rddreg [dreg:$0x1a];
	[sflag:s13] =	ssyncadd.s32 $0xFFFFCF20  }
0x3b9: {  	[hbm:s31@s17], [sflag:s19] =	dma.strided [spmem:s30@s20], $0x30E0, s2, $0x10   }
0x3ba: {  	_ =	swait.ge [sflag:s13], $0x30E0  }
0x3bb: {  	[sflag:s13] =	ssyncset.done $0x0  }
0x3bc: {  	s20 =	sshrl.u32 s6, $0x3;
	s29 =	rddreg [dreg:$0x1b];
	[sflag:s13] =	ssyncadd.s32 $0xFFFFCF20  }
0x3bd: {  	[hbm:s29], [sflag:s19] =	dma.local [spmem:s20], $0x10  }
0x3be: {  	_ =	swait.ge [sflag:s13], $0x10  }
0x3bf: {  	[sflag:s13] =	ssyncset.done $0x0  }
0x3c0: {  	s30 =	sshrl.u32 s7, $0x3;
	s31 =	rddreg [dreg:$0x10];
	[sflag:s13] =	ssyncadd.s32 $0xFFFFFFF0  }
0x3c1: {  	[hbm:s31], [sflag:s19] =	dma.local [spmem:s30], $0x10  }
0x3c2: {  	_ =	swait.ge [sflag:s13], $0x10  }
0x3c3: {  	[sflag:s13] =	ssyncset.done $0x0  }
0x3c4: {  	s20 =	sshrl.u32 s8, $0x3;
	s29 =	rddreg [dreg:$0x1c];
	[sflag:s13] =	ssyncadd.s32 $0xFFFFFFF0  }
0x3c5: {  	[hbm:s29], [sflag:s19] =	dma.local [spmem:s20], $0x10  }
0x3c6: {  	_ =	swait.ge [sflag:s13], $0x10  }
0x3c7: {  	[sflag:s13] =	ssyncset.done $0x0  }
0x3c8: {  	s30 =	sshrl.u32 s9, $0x3;
	s31 =	rddreg [dreg:$0x1d];
	[sflag:s13] =	ssyncadd.s32 $0xFFFFFFF0  }
0x3c9: {  	[hbm:s31], [sflag:s19] =	dma.local [spmem:s30], $0x10  }
0x3ca: {  	_ =	swait.ge [sflag:s13], $0x10  }
0x3cb: {  	[sflag:s13] =	ssyncset.done $0x0  }
0x3cc: {  	s20 =	sshrl.u32 s10, $0x3;
	s29 =	rddreg [dreg:$0x1e];
	[sflag:s13] =	ssyncadd.s32 $0xFFFFFFF0  }
0x3cd: {  	[hbm:s29], [sflag:s19] =	dma.local [spmem:s20], $0x10  }
0x3ce: {  	_ =	swait.ge [sflag:s13], $0x10  }
0x3cf: {  	[sflag:s13] =	ssyncset.done $0x0  }
0x3d0: {  	s30 =	sshrl.u32 s11, $0x3;
	s31 =	rddreg [dreg:$0x1f];
	[sflag:s13] =	ssyncadd.s32 $0xFFFFFFF0  }
0x3d1: {  	[hbm:s31], [sflag:s19] =	dma.local [spmem:s30], $0x10  }
0x3d2: {  	_ =	swait.ge [sflag:s13], $0x10  }
0x3d3: {  	s29 =	sld [smem:$0x7FA]  }
0x3d4: {  	[sflag:s13] =	ssyncset.done $0x0  }
0x3d5: {  	s20 =	sshrl.u32 s12, $0x3;
	[sflag:s13] =	ssyncadd.s32 $0xFFFFFFF0  }
0x3d6: {  	[hbm:s29], [sflag:s19] =	dma.local [spmem:s20], $0x10  }
0x3d7: {  	_ =	swait.ge [sflag:s13], $0x10  }
0x3d8: {  	s31 =	sld [smem:$0x7FB]  }
0x3d9: {  	[sflag:s13] =	ssyncset.done $0x0  }
0x3da: {  	s30 =	sshrl.u32 s14, $0x3;
	[sflag:s13] =	ssyncadd.s32 $0xFFFFFFF0  }
0x3db: {  	[hbm:s31], [sflag:s19] =	dma.local [spmem:s30], $0x10  }
0x3dc: {  	_ =	swait.ge [sflag:s13], $0x10  }
0x3dd: {  	s29 =	sld [smem:$0x7FC]  }
0x3de: {  	[sflag:s13] =	ssyncset.done $0x0  }
0x3df: {  	s20 =	sshrl.u32 s15, $0x3;
	[sflag:s13] =	ssyncadd.s32 $0xFFFFFFF0  }
0x3e0: {  	[hbm:s29], [sflag:s19] =	dma.local [spmem:s20], $0x10  }
0x3e1: {  	_ =	swait.ge [sflag:s13], $0x10  }
0x3e2: {  	s30 =	sshrl.u32 s16, $0x3;
	[sflag:s13] =	ssyncset.done $0x0  }
.Ltmp19:
0x3e3: {  	s31 =	rddreg [dreg:$0x11];
	[sflag:s13] =	ssyncadd.s32 $0xFFFFFFF0;
	(pc) =	sbr.rel .LBB3_22-.Ltmp19, $4  }
0x3e4: {  	[hbm:s31], [sflag:s19] =	dma.local [spmem:s30], $0x10  }
0x3e5: {  	_ =	swait.ge [sflag:s13], $0x10  }
0x3e6: {  	[sflag:s13] =	ssyncset.done $0x0  }
0x3e7: {  	[sflag:s13] =	ssyncadd.s32 $0xFFFFFFF0  }
.LBB3_23:
0x3e8: {  	_ =	sfence.sel $0x180000  }
0x3e9: {  	[bflag:$0x0] =	sbarrier.arrive $0xFFFF  }
0x3ea: {  	_ =	strace $0x90000047  }
0x3eb: {  	[bflag:$0x2] =	sbarrier.arrive $0xFFFF  }
0x3ec: {  	s0 =	rddreg [dreg:$0xf]  }
0x3ed: {  	s0 =	sadd.s32 @!p0 $0x100000, s0  }
0x3ee: {  	[sflag:s0] =	ssyncadd.tile.s32 @!p0 $0x1;
	_ =	shalt  }
.Lfunc_end3:
_tile_overlayer_lowered:
.L_overlay_start_3:
0x3ef: {  	(tag) =	ssettag $0x3  }
0x3f0: {  	s0 =	rddreg [dreg:$0x0];
	s2 =	stileid.u32  }
0x3f1: {  	s1 =	rddreg [dreg:$0x1];
	p0 =	sne.s32 s2, $0x0  }
0x3f2: {  	s3 =	rddreg [dreg:$0x2];
	[bflag:$0x3] =	sbarrier.arrive $0xFFFF;
	s2 =	simm.s32 @!p0 $0x1C02  }
0x3f3: {  	[timem:s3], [sflag:s2] =	dma.local @!p0 [hbm:s0], s1  }
0x3f4: {  	s0 =	simm.s32 @!p0 $0x2  }
0x3f5: {  	_ =	swait.ge @!p0 [sflag:s0], s1  }
0x3f6: {  	s1 =	ssub.s32 @!p0 $0x0, s1;
	[sflag:s0] =	ssyncset.done @!p0 $0x0  }
0x3f7: {  	[sflag:s0] =	ssyncadd.s32 @!p0 s1  }
0x3f8: {  	[bflag:$0x3] =	sbarrier.arrive $0xFFFF  }
0x3f9: {  	_ =	shalt  }

</sc_bundles>
